<compile_context>
chip_gen: v7x
topology: tpu7x:2x2x1
jax: 0.10.2.dev20260603
libtpu: 0.0.44.dev20260713+nightly
codegen_flags: <defaults>
</compile_context>

<pallas_src>
import functools

import jax
import jax.numpy as jnp
from jax import lax
from jax.experimental import pallas as pl
from jax.experimental.pallas import tpu as pltpu
from jax.experimental.pallas import tpu_sc as plsc

_N = 10000
_E = 320000
_D = 128
_G = 64
_EPS = 1e-5

_NC = 2
_NS = 16
_NW = _NC * _NS
_EPW = _E // _NW
_K = 80
_NCHUNK = _EPW // _K
_NB = 4
_RPT = 624
_ZR = 48


def _segsum_body(x_hbm, src_hbm, dst_hbm, out_hbm, acc, zbuf, src_v, dst_v,
                 rows_v, semg, sems):
  cid = lax.axis_index("c")
  sid = lax.axis_index("s")
  wid = sid * _NC + cid
  base = wid * _EPW

  def load_idx(i, q):
    off = pl.multiple_of(base + i * _K, 8)
    pltpu.sync_copy(src_hbm.at[pl.ds(off, _K)], src_v[q])
    pltpu.sync_copy(dst_hbm.at[pl.ds(off, _K)], dst_v[q])

  def issue_gather(q):
    pltpu.async_copy(x_hbm.at[src_v[q]], rows_v.at[q], semg[q])

  def wait_gather(q):
    pltpu.make_async_copy(x_hbm.at[src_v[q]], rows_v.at[q], semg[q]).wait()

  def issue_scatter(q):
    pltpu.async_copy(rows_v.at[q], acc.at[dst_v[q]], sems[q], add=True)

  def wait_scatter(q):
    pltpu.make_async_copy(rows_v.at[q], acc.at[dst_v[q]], sems[q]).wait()

  @pl.loop(0, _ZR)
  def _(i):
    @pl.loop(0, _D // 16)
    def _(j):
      zbuf[i, pl.ds(j * 16, 16)] = jnp.zeros((16,), jnp.float32)

  @pl.loop(0, _RPT // _ZR)
  def _(i):
    off = pl.multiple_of(sid * _RPT + i * _ZR, 8)
    pltpu.sync_copy(zbuf, acc.at[pl.ds(off, _ZR)])

  @pl.when(sid == _NS - 1)
  def _():
    pltpu.sync_copy(zbuf.at[pl.ds(0, _N - _NS * _RPT)],
                    acc.at[pl.ds(_NS * _RPT, _N - _NS * _RPT)])

  load_idx(0, 0)
  issue_gather(0)

  plsc.subcore_barrier()

  @pl.loop(0, _NCHUNK // _NB)
  def _(it):
    for b in range(_NB):
      i = it * _NB + b
      q = (b + 1) % _NB

      @pl.when(i >= _NB - 1)
      def _():
        wait_scatter(q)

      load_idx(i + 1, q)
      issue_gather(q)
      wait_gather(b)
      issue_scatter(b)

  lastq = (_NCHUNK - 1) % _NB
  wait_gather(lastq)
  issue_scatter(lastq)
  for j in range(_NB):
    wait_scatter((_NCHUNK + j) % _NB)

  plsc.subcore_barrier()

  @pl.loop(0, _RPT // _ZR)
  def _(i):
    off = pl.multiple_of(sid * _RPT + i * _ZR, 8)
    pltpu.sync_copy(acc.at[pl.ds(off, _ZR)],
                    out_hbm.at[pl.ds(cid * _N + off, _ZR)])

  @pl.when(sid == _NS - 1)
  def _():
    pltpu.sync_copy(acc.at[pl.ds(_NS * _RPT, _N - _NS * _RPT)],
                    out_hbm.at[pl.ds(cid * _N + _NS * _RPT, _N - _NS * _RPT)])


@functools.cache
def _get_segsum():
  return pl.kernel(
      _segsum_body,
      out_type=jax.ShapeDtypeStruct((_NC * _N, _D), jnp.float32),
      mesh=plsc.VectorSubcoreMesh(core_axis_name="c", subcore_axis_name="s",
                                  num_cores=_NC, num_subcores=_NS),
      scratch_types=[
          pltpu.VMEM_SHARED((_N, _D), jnp.float32),
          pltpu.VMEM((_ZR, _D), jnp.float32),
          [pltpu.VMEM((_K,), jnp.int32)] * _NB,
          [pltpu.VMEM((_K,), jnp.int32)] * _NB,
          pltpu.VMEM((_NB, _K, _D), jnp.float32),
          [pltpu.SemaphoreType.DMA] * _NB,
          [pltpu.SemaphoreType.DMA] * _NB,
      ],
  )


def _dense_body(x_ref, p_ref, Wa_ref, ba_ref, Wb_ref, bb_ref, g_ref, be_ref,
                o_ref):
  h0 = x_ref[...] + p_ref[0:_N, :] + p_ref[_N:2 * _N, :]
  t = jnp.dot(h0, Wa_ref[...], preferred_element_type=jnp.float32)
  t = jnp.maximum(t + ba_ref[...], 0.0)
  h = jnp.dot(t, Wb_ref[...], preferred_element_type=jnp.float32) + bb_ref[...]
  m = jnp.mean(h, axis=0, keepdims=True)
  c = h - m
  v = jnp.mean(c * c, axis=0, keepdims=True)
  hn = c * lax.rsqrt(v + _EPS) * g_ref[...] + be_ref[...]
  o_ref[...] = jnp.maximum(hn, 0.0)


_dense = pl.pallas_call(
    _dense_body,
    out_shape=jax.ShapeDtypeStruct((_N, _D), jnp.float32),
)


def _pool_body(h_ref, batch_ref, Wf_ref, bf_ref, o_ref):
  gids = lax.broadcasted_iota(jnp.int32, (_G, _N), 0)
  mask = (gids == batch_ref[...]).astype(jnp.float32)
  sums = jnp.dot(mask, h_ref[...], preferred_element_type=jnp.float32)
  counts = jnp.sum(mask, axis=1, keepdims=True)
  pooled = sums / jnp.maximum(counts, 1.0)
  o_ref[...] = (
      jnp.dot(pooled, Wf_ref[...], preferred_element_type=jnp.float32)
      + bf_ref[...])


_pool = pl.pallas_call(
    _pool_body,
    out_shape=jax.ShapeDtypeStruct((_G, _D), jnp.float32),
)


@jax.jit
def kernel(x, edge_index, batch, W1, b1, W2, b2, g1, be1, W3, b3, W4, b4, g2,
           be2, Wf, bf):
  src = edge_index[0]
  dst = edge_index[1]
  _segsum = _get_segsum()
  p1 = _segsum(x, src, dst)
  h1 = _dense(x, p1, W1, b1.reshape(1, _D), W2, b2.reshape(1, _D),
              g1.reshape(1, _D), be1.reshape(1, _D))
  p2 = _segsum(h1, src, dst)
  h2 = _dense(h1, p2, W3, b3.reshape(1, _D), W4, b4.reshape(1, _D),
              g2.reshape(1, _D), be2.reshape(1, _D))
  return _pool(h2, batch.reshape(1, _N), Wf, bf.reshape(1, _D))

# --- scband reference (transcript-rebuilt; emitter-appended) ---
"""Pipeline reference for scband-gin-14680198218264 (READ-ONLY COPY).

The authoritative reference and input builder live on the scoring server;
editing this copy changes nothing except your own understanding.
"""

import jax, jax.numpy as jnp
import numpy as np

N = 10000
E = 320000
D = 128
H = 128
O = 128
G = 64
BN_EPS = 1e-5


def setup_inputs(seed: int = 0) -> dict:
    key = jax.random.key(seed)
    ks = jax.random.split(key, 20)
    x = jax.random.normal(ks[0], (N, D), dtype=jnp.float32)
    edge_index = jax.random.randint(ks[1], (2, E), 0, N, dtype=jnp.int32)
    batch = jnp.sort(jax.random.randint(ks[2], (N,), 0, G, dtype=jnp.int32))
    s1 = 1.0 / np.sqrt(D)
    s2 = 1.0 / np.sqrt(H)
    # GINConv 1 MLP: Linear(D->H), ReLU, Linear(H->H)
    W1 = jax.random.normal(ks[3], (D, H), dtype=jnp.float32) * s1
    b1 = jnp.zeros((H,), dtype=jnp.float32)
    W2 = jax.random.normal(ks[4], (H, H), dtype=jnp.float32) * s2
    b2 = jnp.zeros((H,), dtype=jnp.float32)
    # BatchNorm 1
    g1 = jnp.ones((H,), dtype=jnp.float32)
    be1 = jnp.zeros((H,), dtype=jnp.float32)
    # GINConv 2 MLP: Linear(H->H), ReLU, Linear(H->H)
    W3 = jax.random.normal(ks[5], (H, H), dtype=jnp.float32) * s2
    b3 = jnp.zeros((H,), dtype=jnp.float32)
    W4 = jax.random.normal(ks[6], (H, H), dtype=jnp.float32) * s2
    b4 = jnp.zeros((H,), dtype=jnp.float32)
    # BatchNorm 2
    g2 = jnp.ones((H,), dtype=jnp.float32)
    be2 = jnp.zeros((H,), dtype=jnp.float32)
    # Final fc: Linear(H->O)
    Wf = jax.random.normal(ks[7], (H, O), dtype=jnp.float32) * s2
    bf = jnp.zeros((O,), dtype=jnp.float32)
    return {"x": x, "edge_index": edge_index, "batch": batch,
            "W1": W1, "b1": b1, "W2": W2, "b2": b2, "g1": g1, "be1": be1,
            "W3": W3, "b3": b3, "W4": W4, "b4": b4, "g2": g2, "be2": be2,
            "Wf": Wf, "bf": bf}


def _gin_conv(x, src, dst, Wa, ba, Wb, bb):
    # GINConv with eps=0: MLP((1+eps)*x + sum_{j in N(i)} x_j)
    agg = jax.ops.segment_sum(x[src], dst, num_segments=N)
    h = x + agg
    h = jnp.maximum(h @ Wa + ba, 0.0)
    h = h @ Wb + bb
    return h


def _batch_norm(h, gamma, beta):
    # training-mode BatchNorm1d (batch statistics, biased variance)
    mean = jnp.mean(h, axis=0)
    var = jnp.mean((h - mean) ** 2, axis=0)
    return (h - mean) / jnp.sqrt(var + BN_EPS) * gamma + beta


def reference(x, edge_index, batch, W1, b1, W2, b2, g1, be1,
              W3, b3, W4, b4, g2, be2, Wf, bf):
    src = edge_index[0]
    dst = edge_index[1]
    # layer 1: conv -> BN -> ReLU
    h = _gin_conv(x, src, dst, W1, b1, W2, b2)
    h = jnp.maximum(_batch_norm(h, g1, be1), 0.0)
    # layer 2: conv -> BN -> ReLU
    h = _gin_conv(h, src, dst, W3, b3, W4, b4)
    h = jnp.maximum(_batch_norm(h, g2, be2), 0.0)
    # global_mean_pool over graph ids
    sums = jax.ops.segment_sum(h, batch, num_segments=G)
    counts = jax.ops.segment_sum(jnp.ones((N,), dtype=jnp.float32), batch, num_segments=G)
    pooled = sums / jnp.maximum(counts, 1.0)[:, None]
    return pooled @ Wf + bf


if False:  # reference __main__ guard neutralized (emitter)
    inp = setup_inputs()
    out = reference(**inp)
    print(out.shape, out.dtype)

if __name__ == "__main__":
    import jax
    _d = setup_inputs()
    print(jax.jit(kernel)(*tuple(_d.values())))

</pallas_src>

<mosaic_0001>
#map = affine_map<(d0, d1) -> (0, 0)>
#map1 = affine_map<(d0, d1) -> (0)>
module attributes {stable_mosaic.version = 14 : i64} {
  func.func @_segsum_body(%arg0: i32, %arg1: i32, %arg2: memref<10000x128xf32, #tpu.memory_space<hbm>>, %arg3: memref<320000xi32, #tpu.memory_space<hbm>>, %arg4: memref<320000xi32, #tpu.memory_space<hbm>>, %arg5: memref<20000x128xf32, #tpu.memory_space<hbm>>, %arg6: memref<10000x128xf32, #tpu.memory_space<vmem_shared>>, %arg7: memref<48x128xf32, #tpu.memory_space<vmem>>, %arg8: memref<80xi32, #tpu.memory_space<vmem>>, %arg9: memref<80xi32, #tpu.memory_space<vmem>>, %arg10: memref<80xi32, #tpu.memory_space<vmem>>, %arg11: memref<80xi32, #tpu.memory_space<vmem>>, %arg12: memref<80xi32, #tpu.memory_space<vmem>>, %arg13: memref<80xi32, #tpu.memory_space<vmem>>, %arg14: memref<80xi32, #tpu.memory_space<vmem>>, %arg15: memref<80xi32, #tpu.memory_space<vmem>>, %arg16: memref<4x80x128xf32, #tpu.memory_space<vmem>>, %arg17: memref<!tpu.dma_semaphore, #tpu.memory_space<semaphore_mem>>, %arg18: memref<!tpu.dma_semaphore, #tpu.memory_space<semaphore_mem>>, %arg19: memref<!tpu.dma_semaphore, #tpu.memory_space<semaphore_mem>>, %arg20: memref<!tpu.dma_semaphore, #tpu.memory_space<semaphore_mem>>, %arg21: memref<!tpu.dma_semaphore, #tpu.memory_space<semaphore_mem>>, %arg22: memref<!tpu.dma_semaphore, #tpu.memory_space<semaphore_mem>>, %arg23: memref<!tpu.dma_semaphore, #tpu.memory_space<semaphore_mem>>, %arg24: memref<!tpu.dma_semaphore, #tpu.memory_space<semaphore_mem>>) attributes {dimension_semantics = [#tpu.dimension_semantics<core_parallel>, #tpu.dimension_semantics<subcore_parallel>], iteration_bounds = array<i64: 2, 16>, scalar_prefetch = 0 : i64, scratch_operands = 19 : i64, tpu.core_type = #tpu.core_type<sc_vector_subcore>, window_params = [{transform_indices = #map}, {transform_indices = #map1}, {transform_indices = #map1}, {transform_indices = #map}]} {
    %mul3A = arith.constant 2 : i32
    %mul3A_0 = arith.muli %arg1, %mul3A : i32
    %add3A = arith.addi %mul3A_0, %arg0 : i32
    %mul3A_1 = arith.constant 10000 : i32
    %mul3A_2 = arith.muli %add3A, %mul3A_1 : i32
    %scan3A = arith.constant 0 : i32
    %scan3A_3 = arith.constant 48 : i32
    %scan3A_4 = arith.addi %scan3A, %scan3A_3 : i32
    %scan3A_5 = arith.constant 1 : i32
    scf.for %scan3A_86 = %scan3A to %scan3A_4 step %scan3A_5  : i32 {
      %mul3A_87 = arith.constant 1 : i32
      %mul3A_88 = arith.muli %scan3A_86, %mul3A_87 : i32
      %add3A_89 = arith.constant 0 : i32
      %add3A_90 = arith.addi %add3A_89, %mul3A_88 : i32
      %scan3A_91 = arith.constant 0 : i32
      %scan3A_92 = arith.constant 8 : i32
      %scan3A_93 = arith.addi %scan3A_91, %scan3A_92 : i32
      %scan3A_94 = arith.constant 1 : i32
      scf.for %scan3A_96 = %scan3A_91 to %scan3A_93 step %scan3A_94  : i32 {
        %mul3A_97 = arith.constant 1 : i32
        %mul3A_98 = arith.muli %scan3A_96, %mul3A_97 : i32
        %add3A_99 = arith.constant 0 : i32
        %add3A_100 = arith.addi %add3A_99, %mul3A_98 : i32
        %broadcast_in_dim3A = arith.constant 0.000000e+00 : f32
        %broadcast_in_dim3A_101 = vector.broadcast %broadcast_in_dim3A : f32 to vector<16xf32>
        %mul3A_102 = arith.constant 16 : i32
        %mul3A_103 = arith.muli %add3A_100, %mul3A_102 : i32
        %swap3A = arith.index_cast %add3A_90 : i32 to index
        %swap3A_104 = arith.index_cast %mul3A_103 : i32 to index
        %swap3A_105 = tpu.vector_load %arg7[%swap3A, %swap3A_104] {strides = array<i32>} : memref<48x128xf32, #tpu.memory_space<vmem>>, vector<1x16xf32>,
        %swap3A_106 = vector.shape_cast %swap3A_105 : vector<1x16xf32> to vector<16xf32>
        %swap3A_107 = vector.shape_cast %broadcast_in_dim3A_101 : vector<16xf32> to vector<1x16xf32>
        tpu.vector_store %arg7[%swap3A, %swap3A_104], %swap3A_107 {strides = array<i32>} : memref<48x128xf32, #tpu.memory_space<vmem>>, vector<1x16xf32>,
      }
      %scan3A_95 = arith.constant 8 : i32
    }
    %scan3A_6 = arith.constant 48 : i32
    %scan3A_7 = arith.constant 0 : i32
    %scan3A_8 = arith.constant 13 : i32
    %scan3A_9 = arith.addi %scan3A_7, %scan3A_8 : i32
    %scan3A_10 = arith.constant 1 : i32
    scf.for %scan3A_86 = %scan3A_7 to %scan3A_9 step %scan3A_10  : i32 {
      %mul3A_87 = arith.constant 1 : i32
      %mul3A_88 = arith.muli %scan3A_86, %mul3A_87 : i32
      %add3A_89 = arith.constant 0 : i32
      %add3A_90 = arith.addi %add3A_89, %mul3A_88 : i32
      %mul3A_91 = arith.constant 624 : i32
      %mul3A_92 = arith.muli %arg1, %mul3A_91 : i32
      %mul3A_93 = arith.constant 48 : i32
      %mul3A_94 = arith.muli %add3A_90, %mul3A_93 : i32
      %add3A_95 = arith.addi %mul3A_92, %mul3A_94 : i32
      %multiple_of3A_96 = tpu.assume_multiple %add3A_95, 8 : i32
      "tpu.region"() ({
        %run_scoped3A = tpu.sem_alloc : memref<!tpu.dma_semaphore, #tpu.memory_space<semaphore_mem>>
        %dma_start3A_97 = arith.constant 0 : i32
        %dma_start3A_98 = tpu.memref_slice %arg6[%multiple_of3A_96, %dma_start3A_97] : memref<10000x128xf32, #tpu.memory_space<vmem_shared>> -> memref<48x128xf32, #tpu.memory_space<vmem_shared>>
        %dma_start3A_99 = arith.constant 0 : i32
        %dma_start3A_100 = tpu.memref_slice %arg6[%multiple_of3A_96, %dma_start3A_99] : memref<10000x128xf32, #tpu.memory_space<vmem_shared>> -> memref<48x128xf32, #tpu.memory_space<vmem_shared>>
        tpu.enqueue_dma source(%arg7 : memref<48x128xf32, #tpu.memory_space<vmem>>) target(%dma_start3A_100 : memref<48x128xf32, #tpu.memory_space<vmem_shared>>) target_semaphore(%run_scoped3A : memref<!tpu.dma_semaphore, #tpu.memory_space<semaphore_mem>>)
        %dma_wait3A_101 = arith.constant 0 : i32
        %dma_wait3A_102 = tpu.memref_slice %arg6[%multiple_of3A_96, %dma_wait3A_101] : memref<10000x128xf32, #tpu.memory_space<vmem_shared>> -> memref<48x128xf32, #tpu.memory_space<vmem_shared>>
        %dma_wait3A_103 = arith.constant 0 : i32
        %dma_wait3A_104 = tpu.memref_slice %arg6[%multiple_of3A_96, %dma_wait3A_103] : memref<10000x128xf32, #tpu.memory_space<vmem_shared>> -> memref<48x128xf32, #tpu.memory_space<vmem_shared>>
        tpu.wait_dma2 semaphore(%run_scoped3A : memref<!tpu.dma_semaphore, #tpu.memory_space<semaphore_mem>>) src(%arg7 : memref<48x128xf32, #tpu.memory_space<vmem>>) dst(%dma_wait3A_104 : memref<48x128xf32, #tpu.memory_space<vmem_shared>>)
        tpu.yield
      }) : () -> ()
    }
    %scan3A_11 = arith.constant 13 : i32
    %eq3A = arith.constant 15 : i32
    %eq3A_12 = arith.cmpi eq, %arg1, %eq3A : i32
    %convert_element_type3A = arith.extui %eq3A_12 : i1 to i32
    %cond3A = arith.constant 0 : i32
    %cond3A_13 = arith.cmpi ne, %convert_element_type3A, %cond3A : i32
    scf.if %cond3A_13 {
      "tpu.region"() ({
        %run_scoped3A = tpu.sem_alloc : memref<!tpu.dma_semaphore, #tpu.memory_space<semaphore_mem>>
        %dma_start3A_86 = arith.constant 0 : i32
        %dma_start3A_87 = arith.constant 0 : i32
        %dma_start3A_88 = tpu.memref_slice %arg7[%dma_start3A_86, %dma_start3A_87] : memref<48x128xf32, #tpu.memory_space<vmem>> -> memref<16x128xf32, #tpu.memory_space<vmem>>
        %dma_start3A_89 = arith.constant 9984 : i32
        %dma_start3A_90 = arith.constant 0 : i32
        %dma_start3A_91 = tpu.memref_slice %arg6[%dma_start3A_89, %dma_start3A_90] : memref<10000x128xf32, #tpu.memory_space<vmem_shared>> -> memref<16x128xf32, #tpu.memory_space<vmem_shared>>
        %dma_start3A_92 = arith.constant 9984 : i32
        %dma_start3A_93 = arith.constant 0 : i32
        %dma_start3A_94 = tpu.memref_slice %arg6[%dma_start3A_92, %dma_start3A_93] : memref<10000x128xf32, #tpu.memory_space<vmem_shared>> -> memref<16x128xf32, #tpu.memory_space<vmem_shared>>
        %dma_start3A_95 = arith.constant 0 : i32
        %dma_start3A_96 = arith.constant 0 : i32
        %dma_start3A_97 = tpu.memref_slice %arg7[%dma_start3A_95, %dma_start3A_96] : memref<48x128xf32, #tpu.memory_space<vmem>> -> memref<16x128xf32, #tpu.memory_space<vmem>>
        tpu.enqueue_dma source(%dma_start3A_97 : memref<16x128xf32, #tpu.memory_space<vmem>>) target(%dma_start3A_94 : memref<16x128xf32, #tpu.memory_space<vmem_shared>>) target_semaphore(%run_scoped3A : memref<!tpu.dma_semaphore, #tpu.memory_space<semaphore_mem>>)
        %dma_wait3A_98 = arith.constant 0 : i32
        %dma_wait3A_99 = arith.constant 0 : i32
        %dma_wait3A_100 = tpu.memref_slice %arg7[%dma_wait3A_98, %dma_wait3A_99] : memref<48x128xf32, #tpu.memory_space<vmem>> -> memref<16x128xf32, #tpu.memory_space<vmem>>
        %dma_wait3A_101 = arith.constant 9984 : i32
        %dma_wait3A_102 = arith.constant 0 : i32
        %dma_wait3A_103 = tpu.memref_slice %arg6[%dma_wait3A_101, %dma_wait3A_102] : memref<10000x128xf32, #tpu.memory_space<vmem_shared>> -> memref<16x128xf32, #tpu.memory_space<vmem_shared>>
        %dma_wait3A_104 = arith.constant 9984 : i32
        %dma_wait3A_105 = arith.constant 0 : i32
        %dma_wait3A_106 = tpu.memref_slice %arg6[%dma_wait3A_104, %dma_wait3A_105] : memref<10000x128xf32, #tpu.memory_space<vmem_shared>> -> memref<16x128xf32, #tpu.memory_space<vmem_shared>>
        %dma_wait3A_107 = arith.constant 0 : i32
        %dma_wait3A_108 = arith.constant 0 : i32
        %dma_wait3A_109 = tpu.memref_slice %arg7[%dma_wait3A_107, %dma_wait3A_108] : memref<48x128xf32, #tpu.memory_space<vmem>> -> memref<16x128xf32, #tpu.memory_space<vmem>>
        tpu.wait_dma2 semaphore(%run_scoped3A : memref<!tpu.dma_semaphore, #tpu.memory_space<semaphore_mem>>) src(%dma_wait3A_109 : memref<16x128xf32, #tpu.memory_space<vmem>>) dst(%dma_wait3A_106 : memref<16x128xf32, #tpu.memory_space<vmem_shared>>)
        tpu.yield
      }) : () -> ()
    } else {
    }
    %add3A_14 = arith.constant 0 : i32
    %add3A_15 = arith.addi %mul3A_2, %add3A_14 : i32
    %multiple_of3A = tpu.assume_multiple %add3A_15, 8 : i32
    "tpu.region"() ({
      %run_scoped3A = tpu.sem_alloc : memref<!tpu.dma_semaphore, #tpu.memory_space<semaphore_mem>>
      %dma_start3A_86 = tpu.memref_slice %arg3[%multiple_of3A] : memref<320000xi32, #tpu.memory_space<hbm>> -> memref<80xi32, #tpu.memory_space<hbm>>
      %dma_start3A_87 = tpu.memref_slice %arg3[%multiple_of3A] : memref<320000xi32, #tpu.memory_space<hbm>> -> memref<80xi32, #tpu.memory_space<hbm>>
      tpu.enqueue_dma source(%dma_start3A_87 : memref<80xi32, #tpu.memory_space<hbm>>) target(%arg8 : memref<80xi32, #tpu.memory_space<vmem>>) target_semaphore(%run_scoped3A : memref<!tpu.dma_semaphore, #tpu.memory_space<semaphore_mem>>)
      %dma_wait3A_88 = tpu.memref_slice %arg3[%multiple_of3A] : memref<320000xi32, #tpu.memory_space<hbm>> -> memref<80xi32, #tpu.memory_space<hbm>>
      %dma_wait3A_89 = tpu.memref_slice %arg3[%multiple_of3A] : memref<320000xi32, #tpu.memory_space<hbm>> -> memref<80xi32, #tpu.memory_space<hbm>>
      tpu.wait_dma2 semaphore(%run_scoped3A : memref<!tpu.dma_semaphore, #tpu.memory_space<semaphore_mem>>) src(%dma_wait3A_89 : memref<80xi32, #tpu.memory_space<hbm>>) dst(%arg8 : memref<80xi32, #tpu.memory_space<vmem>>)
      tpu.yield
    }) : () -> ()
    "tpu.region"() ({
      %run_scoped3A = tpu.sem_alloc : memref<!tpu.dma_semaphore, #tpu.memory_space<semaphore_mem>>
      %dma_start3A_86 = tpu.memref_slice %arg4[%multiple_of3A] : memref<320000xi32, #tpu.memory_space<hbm>> -> memref<80xi32, #tpu.memory_space<hbm>>
      %dma_start3A_87 = tpu.memref_slice %arg4[%multiple_of3A] : memref<320000xi32, #tpu.memory_space<hbm>> -> memref<80xi32, #tpu.memory_space<hbm>>
      tpu.enqueue_dma source(%dma_start3A_87 : memref<80xi32, #tpu.memory_space<hbm>>) target(%arg12 : memref<80xi32, #tpu.memory_space<vmem>>) target_semaphore(%run_scoped3A : memref<!tpu.dma_semaphore, #tpu.memory_space<semaphore_mem>>)
      %dma_wait3A_88 = tpu.memref_slice %arg4[%multiple_of3A] : memref<320000xi32, #tpu.memory_space<hbm>> -> memref<80xi32, #tpu.memory_space<hbm>>
      %dma_wait3A_89 = tpu.memref_slice %arg4[%multiple_of3A] : memref<320000xi32, #tpu.memory_space<hbm>> -> memref<80xi32, #tpu.memory_space<hbm>>
      tpu.wait_dma2 semaphore(%run_scoped3A : memref<!tpu.dma_semaphore, #tpu.memory_space<semaphore_mem>>) src(%dma_wait3A_89 : memref<80xi32, #tpu.memory_space<hbm>>) dst(%arg12 : memref<80xi32, #tpu.memory_space<vmem>>)
      tpu.yield
    }) : () -> ()
    %dma_start3A = arith.constant 0 : i32
    %dma_start3A_16 = arith.constant 0 : i32
    %dma_start3A_17 = arith.constant 0 : i32
    %dma_start3A_18 = tpu.memref_slice %arg16[%dma_start3A, %dma_start3A_16, %dma_start3A_17] : memref<4x80x128xf32, #tpu.memory_space<vmem>> -> memref<1x80x128xf32, #tpu.memory_space<vmem>>
    %dma_start3A_19 = tpu.memref_squeeze %dma_start3A_18 : memref<1x80x128xf32, #tpu.memory_space<vmem>> -> memref<80x128xf32, #tpu.memory_space<vmem>>
    %dma_start3A_20 = arith.constant 0 : i32
    %dma_start3A_21 = arith.constant 0 : i32
    %dma_start3A_22 = tpu.memref_slice %arg2[%dma_start3A_20, %dma_start3A_21] : memref<10000x128xf32, #tpu.memory_space<hbm>> -> memref<10000x128xf32, #tpu.memory_space<hbm>>
    tpu.enqueue_indirect_dma source(%dma_start3A_22 : memref<10000x128xf32, #tpu.memory_space<hbm>>) target(%dma_start3A_19 : memref<80x128xf32, #tpu.memory_space<vmem>>) offsets(%arg8 : memref<80xi32, #tpu.memory_space<vmem>>) semaphore(%arg17 : memref<!tpu.dma_semaphore, #tpu.memory_space<semaphore_mem>>)
    %barrier3A = arith.constant 0 : index
    tpu.barrier barrier_id(%barrier3A)
    %scan3A_23 = arith.constant 0 : i32
    %scan3A_24 = arith.constant 31 : i32
    %scan3A_25 = arith.addi %scan3A_23, %scan3A_24 : i32
    %scan3A_26 = arith.constant 1 : i32
    scf.for %scan3A_86 = %scan3A_23 to %scan3A_25 step %scan3A_26  : i32 {
      %mul3A_87 = arith.constant 1 : i32
      %mul3A_88 = arith.muli %scan3A_86, %mul3A_87 : i32
      %add3A_89 = arith.constant 0 : i32
      %add3A_90 = arith.addi %add3A_89, %mul3A_88 : i32
      %mul3A_91 = arith.constant 4 : i32
      %mul3A_92 = arith.muli %add3A_90, %mul3A_91 : i32
      %add3A_93 = arith.constant 0 : i32
      %add3A_94 = arith.addi %mul3A_92, %add3A_93 : i32
      %ge3A = arith.constant 3 : i32
      %ge3A_95 = arith.cmpi sge, %add3A_94, %ge3A : i32
      %convert_element_type3A_96 = arith.extui %ge3A_95 : i1 to i32
      %cond3A_97 = arith.constant 0 : i32
      %cond3A_98 = arith.cmpi ne, %convert_element_type3A_96, %cond3A_97 : i32
      scf.if %cond3A_98 {
        %dma_wait3A_246 = arith.constant 1 : i32
        %dma_wait3A_247 = arith.constant 0 : i32
        %dma_wait3A_248 = arith.constant 0 : i32
        %dma_wait3A_249 = tpu.memref_slice %arg16[%dma_wait3A_246, %dma_wait3A_247, %dma_wait3A_248] : memref<4x80x128xf32, #tpu.memory_space<vmem>> -> memref<1x80x128xf32, #tpu.memory_space<vmem>>
        %dma_wait3A_250 = tpu.memref_squeeze %dma_wait3A_249 : memref<1x80x128xf32, #tpu.memory_space<vmem>> -> memref<80x128xf32, #tpu.memory_space<vmem>>
        %dma_wait3A_251 = arith.constant 0 : i32
        %dma_wait3A_252 = arith.constant 0 : i32
        %dma_wait3A_253 = tpu.memref_slice %arg6[%dma_wait3A_251, %dma_wait3A_252] : memref<10000x128xf32, #tpu.memory_space<vmem_shared>> -> memref<10000x128xf32, #tpu.memory_space<vmem_shared>>
        tpu.wait_indirect_dma semaphore(%arg22 : memref<!tpu.dma_semaphore, #tpu.memory_space<semaphore_mem>>) src(%dma_wait3A_250 : memref<80x128xf32, #tpu.memory_space<vmem>>) dst(%dma_wait3A_253 : memref<10000x128xf32, #tpu.memory_space<vmem_shared>>)
      } else {
      }
      %add3A_99 = arith.constant 1 : i32
      %add3A_100 = arith.addi %add3A_94, %add3A_99 : i32
      %mul3A_101 = arith.constant 80 : i32
      %mul3A_102 = arith.muli %add3A_100, %mul3A_101 : i32
      %add3A_103 = arith.addi %mul3A_2, %mul3A_102 : i32
      %multiple_of3A_104 = tpu.assume_multiple %add3A_103, 8 : i32
      "tpu.region"() ({
        %run_scoped3A = tpu.sem_alloc : memref<!tpu.dma_semaphore, #tpu.memory_space<semaphore_mem>>
        %dma_start3A_246 = tpu.memref_slice %arg3[%multiple_of3A_104] : memref<320000xi32, #tpu.memory_space<hbm>> -> memref<80xi32, #tpu.memory_space<hbm>>
        %dma_start3A_247 = tpu.memref_slice %arg3[%multiple_of3A_104] : memref<320000xi32, #tpu.memory_space<hbm>> -> memref<80xi32, #tpu.memory_space<hbm>>
        tpu.enqueue_dma source(%dma_start3A_247 : memref<80xi32, #tpu.memory_space<hbm>>) target(%arg9 : memref<80xi32, #tpu.memory_space<vmem>>) target_semaphore(%run_scoped3A : memref<!tpu.dma_semaphore, #tpu.memory_space<semaphore_mem>>)
        %dma_wait3A_248 = tpu.memref_slice %arg3[%multiple_of3A_104] : memref<320000xi32, #tpu.memory_space<hbm>> -> memref<80xi32, #tpu.memory_space<hbm>>
        %dma_wait3A_249 = tpu.memref_slice %arg3[%multiple_of3A_104] : memref<320000xi32, #tpu.memory_space<hbm>> -> memref<80xi32, #tpu.memory_space<hbm>>
        tpu.wait_dma2 semaphore(%run_scoped3A : memref<!tpu.dma_semaphore, #tpu.memory_space<semaphore_mem>>) src(%dma_wait3A_249 : memref<80xi32, #tpu.memory_space<hbm>>) dst(%arg9 : memref<80xi32, #tpu.memory_space<vmem>>)
        tpu.yield
      }) : () -> ()
      "tpu.region"() ({
        %run_scoped3A = tpu.sem_alloc : memref<!tpu.dma_semaphore, #tpu.memory_space<semaphore_mem>>
        %dma_start3A_246 = tpu.memref_slice %arg4[%multiple_of3A_104] : memref<320000xi32, #tpu.memory_space<hbm>> -> memref<80xi32, #tpu.memory_space<hbm>>
        %dma_start3A_247 = tpu.memref_slice %arg4[%multiple_of3A_104] : memref<320000xi32, #tpu.memory_space<hbm>> -> memref<80xi32, #tpu.memory_space<hbm>>
        tpu.enqueue_dma source(%dma_start3A_247 : memref<80xi32, #tpu.memory_space<hbm>>) target(%arg13 : memref<80xi32, #tpu.memory_space<vmem>>) target_semaphore(%run_scoped3A : memref<!tpu.dma_semaphore, #tpu.memory_space<semaphore_mem>>)
        %dma_wait3A_248 = tpu.memref_slice %arg4[%multiple_of3A_104] : memref<320000xi32, #tpu.memory_space<hbm>> -> memref<80xi32, #tpu.memory_space<hbm>>
        %dma_wait3A_249 = tpu.memref_slice %arg4[%multiple_of3A_104] : memref<320000xi32, #tpu.memory_space<hbm>> -> memref<80xi32, #tpu.memory_space<hbm>>
        tpu.wait_dma2 semaphore(%run_scoped3A : memref<!tpu.dma_semaphore, #tpu.memory_space<semaphore_mem>>) src(%dma_wait3A_249 : memref<80xi32, #tpu.memory_space<hbm>>) dst(%arg13 : memref<80xi32, #tpu.memory_space<vmem>>)
        tpu.yield
      }) : () -> ()
      %dma_start3A_105 = arith.constant 1 : i32
      %dma_start3A_106 = arith.constant 0 : i32
      %dma_start3A_107 = arith.constant 0 : i32
      %dma_start3A_108 = tpu.memref_slice %arg16[%dma_start3A_105, %dma_start3A_106, %dma_start3A_107] : memref<4x80x128xf32, #tpu.memory_space<vmem>> -> memref<1x80x128xf32, #tpu.memory_space<vmem>>
      %dma_start3A_109 = tpu.memref_squeeze %dma_start3A_108 : memref<1x80x128xf32, #tpu.memory_space<vmem>> -> memref<80x128xf32, #tpu.memory_space<vmem>>
      %dma_start3A_110 = arith.constant 0 : i32
      %dma_start3A_111 = arith.constant 0 : i32
      %dma_start3A_112 = tpu.memref_slice %arg2[%dma_start3A_110, %dma_start3A_111] : memref<10000x128xf32, #tpu.memory_space<hbm>> -> memref<10000x128xf32, #tpu.memory_space<hbm>>
      tpu.enqueue_indirect_dma source(%dma_start3A_112 : memref<10000x128xf32, #tpu.memory_space<hbm>>) target(%dma_start3A_109 : memref<80x128xf32, #tpu.memory_space<vmem>>) offsets(%arg9 : memref<80xi32, #tpu.memory_space<vmem>>) semaphore(%arg18 : memref<!tpu.dma_semaphore, #tpu.memory_space<semaphore_mem>>)
      %dma_wait3A_113 = arith.constant 0 : i32
      %dma_wait3A_114 = arith.constant 0 : i32
      %dma_wait3A_115 = arith.constant 0 : i32
      %dma_wait3A_116 = tpu.memref_slice %arg16[%dma_wait3A_113, %dma_wait3A_114, %dma_wait3A_115] : memref<4x80x128xf32, #tpu.memory_space<vmem>> -> memref<1x80x128xf32, #tpu.memory_space<vmem>>
      %dma_wait3A_117 = tpu.memref_squeeze %dma_wait3A_116 : memref<1x80x128xf32, #tpu.memory_space<vmem>> -> memref<80x128xf32, #tpu.memory_space<vmem>>
      %dma_wait3A_118 = arith.constant 0 : i32
      %dma_wait3A_119 = arith.constant 0 : i32
      %dma_wait3A_120 = tpu.memref_slice %arg2[%dma_wait3A_118, %dma_wait3A_119] : memref<10000x128xf32, #tpu.memory_space<hbm>> -> memref<10000x128xf32, #tpu.memory_space<hbm>>
      tpu.wait_indirect_dma semaphore(%arg17 : memref<!tpu.dma_semaphore, #tpu.memory_space<semaphore_mem>>) src(%dma_wait3A_120 : memref<10000x128xf32, #tpu.memory_space<hbm>>) dst(%dma_wait3A_117 : memref<80x128xf32, #tpu.memory_space<vmem>>)
      %dma_start3A_121 = arith.constant 0 : i32
      %dma_start3A_122 = arith.constant 0 : i32
      %dma_start3A_123 = arith.constant 0 : i32
      %dma_start3A_124 = tpu.memref_slice %arg16[%dma_start3A_121, %dma_start3A_122, %dma_start3A_123] : memref<4x80x128xf32, #tpu.memory_space<vmem>> -> memref<1x80x128xf32, #tpu.memory_space<vmem>>
      %dma_start3A_125 = tpu.memref_squeeze %dma_start3A_124 : memref<1x80x128xf32, #tpu.memory_space<vmem>> -> memref<80x128xf32, #tpu.memory_space<vmem>>
      %dma_start3A_126 = arith.constant 0 : i32
      %dma_start3A_127 = arith.constant 0 : i32
      %dma_start3A_128 = tpu.memref_slice %arg6[%dma_start3A_126, %dma_start3A_127] : memref<10000x128xf32, #tpu.memory_space<vmem_shared>> -> memref<10000x128xf32, #tpu.memory_space<vmem_shared>>
      tpu.enqueue_indirect_dma source(%dma_start3A_125 : memref<80x128xf32, #tpu.memory_space<vmem>>) target(%dma_start3A_128 : memref<10000x128xf32, #tpu.memory_space<vmem_shared>>) offsets(%arg12 : memref<80xi32, #tpu.memory_space<vmem>>) semaphore(%arg21 : memref<!tpu.dma_semaphore, #tpu.memory_space<semaphore_mem>>) {add = true}
      %mul3A_129 = arith.constant 4 : i32
      %mul3A_130 = arith.muli %add3A_90, %mul3A_129 : i32
      %add3A_131 = arith.constant 1 : i32
      %add3A_132 = arith.addi %mul3A_130, %add3A_131 : i32
      %ge3A_133 = arith.constant 3 : i32
      %ge3A_134 = arith.cmpi sge, %add3A_132, %ge3A_133 : i32
      %convert_element_type3A_135 = arith.extui %ge3A_134 : i1 to i32
      %cond3A_136 = arith.constant 0 : i32
      %cond3A_137 = arith.cmpi ne, %convert_element_type3A_135, %cond3A_136 : i32
      scf.if %cond3A_137 {
        %dma_wait3A_246 = arith.constant 2 : i32
        %dma_wait3A_247 = arith.constant 0 : i32
        %dma_wait3A_248 = arith.constant 0 : i32
        %dma_wait3A_249 = tpu.memref_slice %arg16[%dma_wait3A_246, %dma_wait3A_247, %dma_wait3A_248] : memref<4x80x128xf32, #tpu.memory_space<vmem>> -> memref<1x80x128xf32, #tpu.memory_space<vmem>>
        %dma_wait3A_250 = tpu.memref_squeeze %dma_wait3A_249 : memref<1x80x128xf32, #tpu.memory_space<vmem>> -> memref<80x128xf32, #tpu.memory_space<vmem>>
        %dma_wait3A_251 = arith.constant 0 : i32
        %dma_wait3A_252 = arith.constant 0 : i32
        %dma_wait3A_253 = tpu.memref_slice %arg6[%dma_wait3A_251, %dma_wait3A_252] : memref<10000x128xf32, #tpu.memory_space<vmem_shared>> -> memref<10000x128xf32, #tpu.memory_space<vmem_shared>>
        tpu.wait_indirect_dma semaphore(%arg23 : memref<!tpu.dma_semaphore, #tpu.memory_space<semaphore_mem>>) src(%dma_wait3A_250 : memref<80x128xf32, #tpu.memory_space<vmem>>) dst(%dma_wait3A_253 : memref<10000x128xf32, #tpu.memory_space<vmem_shared>>)
      } else {
      }
      %add3A_138 = arith.constant 1 : i32
      %add3A_139 = arith.addi %add3A_132, %add3A_138 : i32
      %mul3A_140 = arith.constant 80 : i32
      %mul3A_141 = arith.muli %add3A_139, %mul3A_140 : i32
      %add3A_142 = arith.addi %mul3A_2, %mul3A_141 : i32
      %multiple_of3A_143 = tpu.assume_multiple %add3A_142, 8 : i32
      "tpu.region"() ({
        %run_scoped3A = tpu.sem_alloc : memref<!tpu.dma_semaphore, #tpu.memory_space<semaphore_mem>>
        %dma_start3A_246 = tpu.memref_slice %arg3[%multiple_of3A_143] : memref<320000xi32, #tpu.memory_space<hbm>> -> memref<80xi32, #tpu.memory_space<hbm>>
        %dma_start3A_247 = tpu.memref_slice %arg3[%multiple_of3A_143] : memref<320000xi32, #tpu.memory_space<hbm>> -> memref<80xi32, #tpu.memory_space<hbm>>
        tpu.enqueue_dma source(%dma_start3A_247 : memref<80xi32, #tpu.memory_space<hbm>>) target(%arg10 : memref<80xi32, #tpu.memory_space<vmem>>) target_semaphore(%run_scoped3A : memref<!tpu.dma_semaphore, #tpu.memory_space<semaphore_mem>>)
        %dma_wait3A_248 = tpu.memref_slice %arg3[%multiple_of3A_143] : memref<320000xi32, #tpu.memory_space<hbm>> -> memref<80xi32, #tpu.memory_space<hbm>>
        %dma_wait3A_249 = tpu.memref_slice %arg3[%multiple_of3A_143] : memref<320000xi32, #tpu.memory_space<hbm>> -> memref<80xi32, #tpu.memory_space<hbm>>
        tpu.wait_dma2 semaphore(%run_scoped3A : memref<!tpu.dma_semaphore, #tpu.memory_space<semaphore_mem>>) src(%dma_wait3A_249 : memref<80xi32, #tpu.memory_space<hbm>>) dst(%arg10 : memref<80xi32, #tpu.memory_space<vmem>>)
        tpu.yield
      }) : () -> ()
      "tpu.region"() ({
        %run_scoped3A = tpu.sem_alloc : memref<!tpu.dma_semaphore, #tpu.memory_space<semaphore_mem>>
        %dma_start3A_246 = tpu.memref_slice %arg4[%multiple_of3A_143] : memref<320000xi32, #tpu.memory_space<hbm>> -> memref<80xi32, #tpu.memory_space<hbm>>
        %dma_start3A_247 = tpu.memref_slice %arg4[%multiple_of3A_143] : memref<320000xi32, #tpu.memory_space<hbm>> -> memref<80xi32, #tpu.memory_space<hbm>>
        tpu.enqueue_dma source(%dma_start3A_247 : memref<80xi32, #tpu.memory_space<hbm>>) target(%arg14 : memref<80xi32, #tpu.memory_space<vmem>>) target_semaphore(%run_scoped3A : memref<!tpu.dma_semaphore, #tpu.memory_space<semaphore_mem>>)
        %dma_wait3A_248 = tpu.memref_slice %arg4[%multiple_of3A_143] : memref<320000xi32, #tpu.memory_space<hbm>> -> memref<80xi32, #tpu.memory_space<hbm>>
        %dma_wait3A_249 = tpu.memref_slice %arg4[%multiple_of3A_143] : memref<320000xi32, #tpu.memory_space<hbm>> -> memref<80xi32, #tpu.memory_space<hbm>>
        tpu.wait_dma2 semaphore(%run_scoped3A : memref<!tpu.dma_semaphore, #tpu.memory_space<semaphore_mem>>) src(%dma_wait3A_249 : memref<80xi32, #tpu.memory_space<hbm>>) dst(%arg14 : memref<80xi32, #tpu.memory_space<vmem>>)
        tpu.yield
      }) : () -> ()
      %dma_start3A_144 = arith.constant 2 : i32
      %dma_start3A_145 = arith.constant 0 : i32
      %dma_start3A_146 = arith.constant 0 : i32
      %dma_start3A_147 = tpu.memref_slice %arg16[%dma_start3A_144, %dma_start3A_145, %dma_start3A_146] : memref<4x80x128xf32, #tpu.memory_space<vmem>> -> memref<1x80x128xf32, #tpu.memory_space<vmem>>
      %dma_start3A_148 = tpu.memref_squeeze %dma_start3A_147 : memref<1x80x128xf32, #tpu.memory_space<vmem>> -> memref<80x128xf32, #tpu.memory_space<vmem>>
      %dma_start3A_149 = arith.constant 0 : i32
      %dma_start3A_150 = arith.constant 0 : i32
      %dma_start3A_151 = tpu.memref_slice %arg2[%dma_start3A_149, %dma_start3A_150] : memref<10000x128xf32, #tpu.memory_space<hbm>> -> memref<10000x128xf32, #tpu.memory_space<hbm>>
      tpu.enqueue_indirect_dma source(%dma_start3A_151 : memref<10000x128xf32, #tpu.memory_space<hbm>>) target(%dma_start3A_148 : memref<80x128xf32, #tpu.memory_space<vmem>>) offsets(%arg10 : memref<80xi32, #tpu.memory_space<vmem>>) semaphore(%arg19 : memref<!tpu.dma_semaphore, #tpu.memory_space<semaphore_mem>>)
      %dma_wait3A_152 = arith.constant 1 : i32
      %dma_wait3A_153 = arith.constant 0 : i32
      %dma_wait3A_154 = arith.constant 0 : i32
      %dma_wait3A_155 = tpu.memref_slice %arg16[%dma_wait3A_152, %dma_wait3A_153, %dma_wait3A_154] : memref<4x80x128xf32, #tpu.memory_space<vmem>> -> memref<1x80x128xf32, #tpu.memory_space<vmem>>
      %dma_wait3A_156 = tpu.memref_squeeze %dma_wait3A_155 : memref<1x80x128xf32, #tpu.memory_space<vmem>> -> memref<80x128xf32, #tpu.memory_space<vmem>>
      %dma_wait3A_157 = arith.constant 0 : i32
      %dma_wait3A_158 = arith.constant 0 : i32
      %dma_wait3A_159 = tpu.memref_slice %arg2[%dma_wait3A_157, %dma_wait3A_158] : memref<10000x128xf32, #tpu.memory_space<hbm>> -> memref<10000x128xf32, #tpu.memory_space<hbm>>
      tpu.wait_indirect_dma semaphore(%arg18 : memref<!tpu.dma_semaphore, #tpu.memory_space<semaphore_mem>>) src(%dma_wait3A_159 : memref<10000x128xf32, #tpu.memory_space<hbm>>) dst(%dma_wait3A_156 : memref<80x128xf32, #tpu.memory_space<vmem>>)
      %dma_start3A_160 = arith.constant 1 : i32
      %dma_start3A_161 = arith.constant 0 : i32
      %dma_start3A_162 = arith.constant 0 : i32
      %dma_start3A_163 = tpu.memref_slice %arg16[%dma_start3A_160, %dma_start3A_161, %dma_start3A_162] : memref<4x80x128xf32, #tpu.memory_space<vmem>> -> memref<1x80x128xf32, #tpu.memory_space<vmem>>
      %dma_start3A_164 = tpu.memref_squeeze %dma_start3A_163 : memref<1x80x128xf32, #tpu.memory_space<vmem>> -> memref<80x128xf32, #tpu.memory_space<vmem>>
      %dma_start3A_165 = arith.constant 0 : i32
      %dma_start3A_166 = arith.constant 0 : i32
      %dma_start3A_167 = tpu.memref_slice %arg6[%dma_start3A_165, %dma_start3A_166] : memref<10000x128xf32, #tpu.memory_space<vmem_shared>> -> memref<10000x128xf32, #tpu.memory_space<vmem_shared>>
      tpu.enqueue_indirect_dma source(%dma_start3A_164 : memref<80x128xf32, #tpu.memory_space<vmem>>) target(%dma_start3A_167 : memref<10000x128xf32, #tpu.memory_space<vmem_shared>>) offsets(%arg13 : memref<80xi32, #tpu.memory_space<vmem>>) semaphore(%arg22 : memref<!tpu.dma_semaphore, #tpu.memory_space<semaphore_mem>>) {add = true}
      %mul3A_168 = arith.constant 4 : i32
      %mul3A_169 = arith.muli %add3A_90, %mul3A_168 : i32
      %add3A_170 = arith.constant 2 : i32
      %add3A_171 = arith.addi %mul3A_169, %add3A_170 : i32
      %ge3A_172 = arith.constant 3 : i32
      %ge3A_173 = arith.cmpi sge, %add3A_171, %ge3A_172 : i32
      %convert_element_type3A_174 = arith.extui %ge3A_173 : i1 to i32
      %cond3A_175 = arith.constant 0 : i32
      %cond3A_176 = arith.cmpi ne, %convert_element_type3A_174, %cond3A_175 : i32
      scf.if %cond3A_176 {
        %dma_wait3A_246 = arith.constant 3 : i32
        %dma_wait3A_247 = arith.constant 0 : i32
        %dma_wait3A_248 = arith.constant 0 : i32
        %dma_wait3A_249 = tpu.memref_slice %arg16[%dma_wait3A_246, %dma_wait3A_247, %dma_wait3A_248] : memref<4x80x128xf32, #tpu.memory_space<vmem>> -> memref<1x80x128xf32, #tpu.memory_space<vmem>>
        %dma_wait3A_250 = tpu.memref_squeeze %dma_wait3A_249 : memref<1x80x128xf32, #tpu.memory_space<vmem>> -> memref<80x128xf32, #tpu.memory_space<vmem>>
        %dma_wait3A_251 = arith.constant 0 : i32
        %dma_wait3A_252 = arith.constant 0 : i32
        %dma_wait3A_253 = tpu.memref_slice %arg6[%dma_wait3A_251, %dma_wait3A_252] : memref<10000x128xf32, #tpu.memory_space<vmem_shared>> -> memref<10000x128xf32, #tpu.memory_space<vmem_shared>>
        tpu.wait_indirect_dma semaphore(%arg24 : memref<!tpu.dma_semaphore, #tpu.memory_space<semaphore_mem>>) src(%dma_wait3A_250 : memref<80x128xf32, #tpu.memory_space<vmem>>) dst(%dma_wait3A_253 : memref<10000x128xf32, #tpu.memory_space<vmem_shared>>)
      } else {
      }
      %add3A_177 = arith.constant 1 : i32
      %add3A_178 = arith.addi %add3A_171, %add3A_177 : i32
      %mul3A_179 = arith.constant 80 : i32
      %mul3A_180 = arith.muli %add3A_178, %mul3A_179 : i32
      %add3A_181 = arith.addi %mul3A_2, %mul3A_180 : i32
      %multiple_of3A_182 = tpu.assume_multiple %add3A_181, 8 : i32
      "tpu.region"() ({
        %run_scoped3A = tpu.sem_alloc : memref<!tpu.dma_semaphore, #tpu.memory_space<semaphore_mem>>
        %dma_start3A_246 = tpu.memref_slice %arg3[%multiple_of3A_182] : memref<320000xi32, #tpu.memory_space<hbm>> -> memref<80xi32, #tpu.memory_space<hbm>>
        %dma_start3A_247 = tpu.memref_slice %arg3[%multiple_of3A_182] : memref<320000xi32, #tpu.memory_space<hbm>> -> memref<80xi32, #tpu.memory_space<hbm>>
        tpu.enqueue_dma source(%dma_start3A_247 : memref<80xi32, #tpu.memory_space<hbm>>) target(%arg11 : memref<80xi32, #tpu.memory_space<vmem>>) target_semaphore(%run_scoped3A : memref<!tpu.dma_semaphore, #tpu.memory_space<semaphore_mem>>)
        %dma_wait3A_248 = tpu.memref_slice %arg3[%multiple_of3A_182] : memref<320000xi32, #tpu.memory_space<hbm>> -> memref<80xi32, #tpu.memory_space<hbm>>
        %dma_wait3A_249 = tpu.memref_slice %arg3[%multiple_of3A_182] : memref<320000xi32, #tpu.memory_space<hbm>> -> memref<80xi32, #tpu.memory_space<hbm>>
        tpu.wait_dma2 semaphore(%run_scoped3A : memref<!tpu.dma_semaphore, #tpu.memory_space<semaphore_mem>>) src(%dma_wait3A_249 : memref<80xi32, #tpu.memory_space<hbm>>) dst(%arg11 : memref<80xi32, #tpu.memory_space<vmem>>)
        tpu.yield
      }) : () -> ()
      "tpu.region"() ({
        %run_scoped3A = tpu.sem_alloc : memref<!tpu.dma_semaphore, #tpu.memory_space<semaphore_mem>>
        %dma_start3A_246 = tpu.memref_slice %arg4[%multiple_of3A_182] : memref<320000xi32, #tpu.memory_space<hbm>> -> memref<80xi32, #tpu.memory_space<hbm>>
        %dma_start3A_247 = tpu.memref_slice %arg4[%multiple_of3A_182] : memref<320000xi32, #tpu.memory_space<hbm>> -> memref<80xi32, #tpu.memory_space<hbm>>
        tpu.enqueue_dma source(%dma_start3A_247 : memref<80xi32, #tpu.memory_space<hbm>>) target(%arg15 : memref<80xi32, #tpu.memory_space<vmem>>) target_semaphore(%run_scoped3A : memref<!tpu.dma_semaphore, #tpu.memory_space<semaphore_mem>>)
        %dma_wait3A_248 = tpu.memref_slice %arg4[%multiple_of3A_182] : memref<320000xi32, #tpu.memory_space<hbm>> -> memref<80xi32, #tpu.memory_space<hbm>>
        %dma_wait3A_249 = tpu.memref_slice %arg4[%multiple_of3A_182] : memref<320000xi32, #tpu.memory_space<hbm>> -> memref<80xi32, #tpu.memory_space<hbm>>
        tpu.wait_dma2 semaphore(%run_scoped3A : memref<!tpu.dma_semaphore, #tpu.memory_space<semaphore_mem>>) src(%dma_wait3A_249 : memref<80xi32, #tpu.memory_space<hbm>>) dst(%arg15 : memref<80xi32, #tpu.memory_space<vmem>>)
        tpu.yield
      }) : () -> ()
      %dma_start3A_183 = arith.constant 3 : i32
      %dma_start3A_184 = arith.constant 0 : i32
      %dma_start3A_185 = arith.constant 0 : i32
      %dma_start3A_186 = tpu.memref_slice %arg16[%dma_start3A_183, %dma_start3A_184, %dma_start3A_185] : memref<4x80x128xf32, #tpu.memory_space<vmem>> -> memref<1x80x128xf32, #tpu.memory_space<vmem>>
      %dma_start3A_187 = tpu.memref_squeeze %dma_start3A_186 : memref<1x80x128xf32, #tpu.memory_space<vmem>> -> memref<80x128xf32, #tpu.memory_space<vmem>>
      %dma_start3A_188 = arith.constant 0 : i32
      %dma_start3A_189 = arith.constant 0 : i32
      %dma_start3A_190 = tpu.memref_slice %arg2[%dma_start3A_188, %dma_start3A_189] : memref<10000x128xf32, #tpu.memory_space<hbm>> -> memref<10000x128xf32, #tpu.memory_space<hbm>>
      tpu.enqueue_indirect_dma source(%dma_start3A_190 : memref<10000x128xf32, #tpu.memory_space<hbm>>) target(%dma_start3A_187 : memref<80x128xf32, #tpu.memory_space<vmem>>) offsets(%arg11 : memref<80xi32, #tpu.memory_space<vmem>>) semaphore(%arg20 : memref<!tpu.dma_semaphore, #tpu.memory_space<semaphore_mem>>)
      %dma_wait3A_191 = arith.constant 2 : i32
      %dma_wait3A_192 = arith.constant 0 : i32
      %dma_wait3A_193 = arith.constant 0 : i32
      %dma_wait3A_194 = tpu.memref_slice %arg16[%dma_wait3A_191, %dma_wait3A_192, %dma_wait3A_193] : memref<4x80x128xf32, #tpu.memory_space<vmem>> -> memref<1x80x128xf32, #tpu.memory_space<vmem>>
      %dma_wait3A_195 = tpu.memref_squeeze %dma_wait3A_194 : memref<1x80x128xf32, #tpu.memory_space<vmem>> -> memref<80x128xf32, #tpu.memory_space<vmem>>
      %dma_wait3A_196 = arith.constant 0 : i32
      %dma_wait3A_197 = arith.constant 0 : i32
      %dma_wait3A_198 = tpu.memref_slice %arg2[%dma_wait3A_196, %dma_wait3A_197] : memref<10000x128xf32, #tpu.memory_space<hbm>> -> memref<10000x128xf32, #tpu.memory_space<hbm>>
      tpu.wait_indirect_dma semaphore(%arg19 : memref<!tpu.dma_semaphore, #tpu.memory_space<semaphore_mem>>) src(%dma_wait3A_198 : memref<10000x128xf32, #tpu.memory_space<hbm>>) dst(%dma_wait3A_195 : memref<80x128xf32, #tpu.memory_space<vmem>>)
      %dma_start3A_199 = arith.constant 2 : i32
      %dma_start3A_200 = arith.constant 0 : i32
      %dma_start3A_201 = arith.constant 0 : i32
      %dma_start3A_202 = tpu.memref_slice %arg16[%dma_start3A_199, %dma_start3A_200, %dma_start3A_201] : memref<4x80x128xf32, #tpu.memory_space<vmem>> -> memref<1x80x128xf32, #tpu.memory_space<vmem>>
      %dma_start3A_203 = tpu.memref_squeeze %dma_start3A_202 : memref<1x80x128xf32, #tpu.memory_space<vmem>> -> memref<80x128xf32, #tpu.memory_space<vmem>>
      %dma_start3A_204 = arith.constant 0 : i32
      %dma_start3A_205 = arith.constant 0 : i32
      %dma_start3A_206 = tpu.memref_slice %arg6[%dma_start3A_204, %dma_start3A_205] : memref<10000x128xf32, #tpu.memory_space<vmem_shared>> -> memref<10000x128xf32, #tpu.memory_space<vmem_shared>>
      tpu.enqueue_indirect_dma source(%dma_start3A_203 : memref<80x128xf32, #tpu.memory_space<vmem>>) target(%dma_start3A_206 : memref<10000x128xf32, #tpu.memory_space<vmem_shared>>) offsets(%arg14 : memref<80xi32, #tpu.memory_space<vmem>>) semaphore(%arg23 : memref<!tpu.dma_semaphore, #tpu.memory_space<semaphore_mem>>) {add = true}
      %mul3A_207 = arith.constant 4 : i32
      %mul3A_208 = arith.muli %add3A_90, %mul3A_207 : i32
      %add3A_209 = arith.constant 3 : i32
      %add3A_210 = arith.addi %mul3A_208, %add3A_209 : i32
      %ge3A_211 = arith.constant 3 : i32
      %ge3A_212 = arith.cmpi sge, %add3A_210, %ge3A_211 : i32
      %convert_element_type3A_213 = arith.extui %ge3A_212 : i1 to i32
      %cond3A_214 = arith.constant 0 : i32
      %cond3A_215 = arith.cmpi ne, %convert_element_type3A_213, %cond3A_214 : i32
      scf.if %cond3A_215 {
        %dma_wait3A_246 = arith.constant 0 : i32
        %dma_wait3A_247 = arith.constant 0 : i32
        %dma_wait3A_248 = arith.constant 0 : i32
        %dma_wait3A_249 = tpu.memref_slice %arg16[%dma_wait3A_246, %dma_wait3A_247, %dma_wait3A_248] : memref<4x80x128xf32, #tpu.memory_space<vmem>> -> memref<1x80x128xf32, #tpu.memory_space<vmem>>
        %dma_wait3A_250 = tpu.memref_squeeze %dma_wait3A_249 : memref<1x80x128xf32, #tpu.memory_space<vmem>> -> memref<80x128xf32, #tpu.memory_space<vmem>>
        %dma_wait3A_251 = arith.constant 0 : i32
        %dma_wait3A_252 = arith.constant 0 : i32
        %dma_wait3A_253 = tpu.memref_slice %arg6[%dma_wait3A_251, %dma_wait3A_252] : memref<10000x128xf32, #tpu.memory_space<vmem_shared>> -> memref<10000x128xf32, #tpu.memory_space<vmem_shared>>
        tpu.wait_indirect_dma semaphore(%arg21 : memref<!tpu.dma_semaphore, #tpu.memory_space<semaphore_mem>>) src(%dma_wait3A_250 : memref<80x128xf32, #tpu.memory_space<vmem>>) dst(%dma_wait3A_253 : memref<10000x128xf32, #tpu.memory_space<vmem_shared>>)
      } else {
      }
      %add3A_216 = arith.constant 1 : i32
      %add3A_217 = arith.addi %add3A_210, %add3A_216 : i32
      %mul3A_218 = arith.constant 80 : i32
      %mul3A_219 = arith.muli %add3A_217, %mul3A_218 : i32
      %add3A_220 = arith.addi %mul3A_2, %mul3A_219 : i32
      %multiple_of3A_221 = tpu.assume_multiple %add3A_220, 8 : i32
      "tpu.region"() ({
        %run_scoped3A = tpu.sem_alloc : memref<!tpu.dma_semaphore, #tpu.memory_space<semaphore_mem>>
        %dma_start3A_246 = tpu.memref_slice %arg3[%multiple_of3A_221] : memref<320000xi32, #tpu.memory_space<hbm>> -> memref<80xi32, #tpu.memory_space<hbm>>
        %dma_start3A_247 = tpu.memref_slice %arg3[%multiple_of3A_221] : memref<320000xi32, #tpu.memory_space<hbm>> -> memref<80xi32, #tpu.memory_space<hbm>>
        tpu.enqueue_dma source(%dma_start3A_247 : memref<80xi32, #tpu.memory_space<hbm>>) target(%arg8 : memref<80xi32, #tpu.memory_space<vmem>>) target_semaphore(%run_scoped3A : memref<!tpu.dma_semaphore, #tpu.memory_space<semaphore_mem>>)
        %dma_wait3A_248 = tpu.memref_slice %arg3[%multiple_of3A_221] : memref<320000xi32, #tpu.memory_space<hbm>> -> memref<80xi32, #tpu.memory_space<hbm>>
        %dma_wait3A_249 = tpu.memref_slice %arg3[%multiple_of3A_221] : memref<320000xi32, #tpu.memory_space<hbm>> -> memref<80xi32, #tpu.memory_space<hbm>>
        tpu.wait_dma2 semaphore(%run_scoped3A : memref<!tpu.dma_semaphore, #tpu.memory_space<semaphore_mem>>) src(%dma_wait3A_249 : memref<80xi32, #tpu.memory_space<hbm>>) dst(%arg8 : memref<80xi32, #tpu.memory_space<vmem>>)
        tpu.yield
      }) : () -> ()
      "tpu.region"() ({
        %run_scoped3A = tpu.sem_alloc : memref<!tpu.dma_semaphore, #tpu.memory_space<semaphore_mem>>
        %dma_start3A_246 = tpu.memref_slice %arg4[%multiple_of3A_221] : memref<320000xi32, #tpu.memory_space<hbm>> -> memref<80xi32, #tpu.memory_space<hbm>>
        %dma_start3A_247 = tpu.memref_slice %arg4[%multiple_of3A_221] : memref<320000xi32, #tpu.memory_space<hbm>> -> memref<80xi32, #tpu.memory_space<hbm>>
        tpu.enqueue_dma source(%dma_start3A_247 : memref<80xi32, #tpu.memory_space<hbm>>) target(%arg12 : memref<80xi32, #tpu.memory_space<vmem>>) target_semaphore(%run_scoped3A : memref<!tpu.dma_semaphore, #tpu.memory_space<semaphore_mem>>)
        %dma_wait3A_248 = tpu.memref_slice %arg4[%multiple_of3A_221] : memref<320000xi32, #tpu.memory_space<hbm>> -> memref<80xi32, #tpu.memory_space<hbm>>
        %dma_wait3A_249 = tpu.memref_slice %arg4[%multiple_of3A_221] : memref<320000xi32, #tpu.memory_space<hbm>> -> memref<80xi32, #tpu.memory_space<hbm>>
        tpu.wait_dma2 semaphore(%run_scoped3A : memref<!tpu.dma_semaphore, #tpu.memory_space<semaphore_mem>>) src(%dma_wait3A_249 : memref<80xi32, #tpu.memory_space<hbm>>) dst(%arg12 : memref<80xi32, #tpu.memory_space<vmem>>)
        tpu.yield
      }) : () -> ()
      %dma_start3A_222 = arith.constant 0 : i32
      %dma_start3A_223 = arith.constant 0 : i32
      %dma_start3A_224 = arith.constant 0 : i32
      %dma_start3A_225 = tpu.memref_slice %arg16[%dma_start3A_222, %dma_start3A_223, %dma_start3A_224] : memref<4x80x128xf32, #tpu.memory_space<vmem>> -> memref<1x80x128xf32, #tpu.memory_space<vmem>>
      %dma_start3A_226 = tpu.memref_squeeze %dma_start3A_225 : memref<1x80x128xf32, #tpu.memory_space<vmem>> -> memref<80x128xf32, #tpu.memory_space<vmem>>
      %dma_start3A_227 = arith.constant 0 : i32
      %dma_start3A_228 = arith.constant 0 : i32
      %dma_start3A_229 = tpu.memref_slice %arg2[%dma_start3A_227, %dma_start3A_228] : memref<10000x128xf32, #tpu.memory_space<hbm>> -> memref<10000x128xf32, #tpu.memory_space<hbm>>
      tpu.enqueue_indirect_dma source(%dma_start3A_229 : memref<10000x128xf32, #tpu.memory_space<hbm>>) target(%dma_start3A_226 : memref<80x128xf32, #tpu.memory_space<vmem>>) offsets(%arg8 : memref<80xi32, #tpu.memory_space<vmem>>) semaphore(%arg17 : memref<!tpu.dma_semaphore, #tpu.memory_space<semaphore_mem>>)
      %dma_wait3A_230 = arith.constant 3 : i32
      %dma_wait3A_231 = arith.constant 0 : i32
      %dma_wait3A_232 = arith.constant 0 : i32
      %dma_wait3A_233 = tpu.memref_slice %arg16[%dma_wait3A_230, %dma_wait3A_231, %dma_wait3A_232] : memref<4x80x128xf32, #tpu.memory_space<vmem>> -> memref<1x80x128xf32, #tpu.memory_space<vmem>>
      %dma_wait3A_234 = tpu.memref_squeeze %dma_wait3A_233 : memref<1x80x128xf32, #tpu.memory_space<vmem>> -> memref<80x128xf32, #tpu.memory_space<vmem>>
      %dma_wait3A_235 = arith.constant 0 : i32
      %dma_wait3A_236 = arith.constant 0 : i32
      %dma_wait3A_237 = tpu.memref_slice %arg2[%dma_wait3A_235, %dma_wait3A_236] : memref<10000x128xf32, #tpu.memory_space<hbm>> -> memref<10000x128xf32, #tpu.memory_space<hbm>>
      tpu.wait_indirect_dma semaphore(%arg20 : memref<!tpu.dma_semaphore, #tpu.memory_space<semaphore_mem>>) src(%dma_wait3A_237 : memref<10000x128xf32, #tpu.memory_space<hbm>>) dst(%dma_wait3A_234 : memref<80x128xf32, #tpu.memory_space<vmem>>)
      %dma_start3A_238 = arith.constant 3 : i32
      %dma_start3A_239 = arith.constant 0 : i32
      %dma_start3A_240 = arith.constant 0 : i32
      %dma_start3A_241 = tpu.memref_slice %arg16[%dma_start3A_238, %dma_start3A_239, %dma_start3A_240] : memref<4x80x128xf32, #tpu.memory_space<vmem>> -> memref<1x80x128xf32, #tpu.memory_space<vmem>>
      %dma_start3A_242 = tpu.memref_squeeze %dma_start3A_241 : memref<1x80x128xf32, #tpu.memory_space<vmem>> -> memref<80x128xf32, #tpu.memory_space<vmem>>
      %dma_start3A_243 = arith.constant 0 : i32
      %dma_start3A_244 = arith.constant 0 : i32
      %dma_start3A_245 = tpu.memref_slice %arg6[%dma_start3A_243, %dma_start3A_244] : memref<10000x128xf32, #tpu.memory_space<vmem_shared>> -> memref<10000x128xf32, #tpu.memory_space<vmem_shared>>
      tpu.enqueue_indirect_dma source(%dma_start3A_242 : memref<80x128xf32, #tpu.memory_space<vmem>>) target(%dma_start3A_245 : memref<10000x128xf32, #tpu.memory_space<vmem_shared>>) offsets(%arg15 : memref<80xi32, #tpu.memory_space<vmem>>) semaphore(%arg24 : memref<!tpu.dma_semaphore, #tpu.memory_space<semaphore_mem>>) {add = true}
    }
    %scan3A_27 = arith.constant 31 : i32
    %dma_wait3A = arith.constant 0 : i32
    %dma_wait3A_28 = arith.constant 0 : i32
    %dma_wait3A_29 = arith.constant 0 : i32
    %dma_wait3A_30 = tpu.memref_slice %arg16[%dma_wait3A, %dma_wait3A_28, %dma_wait3A_29] : memref<4x80x128xf32, #tpu.memory_space<vmem>> -> memref<1x80x128xf32, #tpu.memory_space<vmem>>
    %dma_wait3A_31 = tpu.memref_squeeze %dma_wait3A_30 : memref<1x80x128xf32, #tpu.memory_space<vmem>> -> memref<80x128xf32, #tpu.memory_space<vmem>>
    %dma_wait3A_32 = arith.constant 0 : i32
    %dma_wait3A_33 = arith.constant 0 : i32
    %dma_wait3A_34 = tpu.memref_slice %arg2[%dma_wait3A_32, %dma_wait3A_33] : memref<10000x128xf32, #tpu.memory_space<hbm>> -> memref<10000x128xf32, #tpu.memory_space<hbm>>
    tpu.wait_indirect_dma semaphore(%arg17 : memref<!tpu.dma_semaphore, #tpu.memory_space<semaphore_mem>>) src(%dma_wait3A_34 : memref<10000x128xf32, #tpu.memory_space<hbm>>) dst(%dma_wait3A_31 : memref<80x128xf32, #tpu.memory_space<vmem>>)
    %dma_start3A_35 = arith.constant 0 : i32
    %dma_start3A_36 = arith.constant 0 : i32
    %dma_start3A_37 = arith.constant 0 : i32
    %dma_start3A_38 = tpu.memref_slice %arg16[%dma_start3A_35, %dma_start3A_36, %dma_start3A_37] : memref<4x80x128xf32, #tpu.memory_space<vmem>> -> memref<1x80x128xf32, #tpu.memory_space<vmem>>
    %dma_start3A_39 = tpu.memref_squeeze %dma_start3A_38 : memref<1x80x128xf32, #tpu.memory_space<vmem>> -> memref<80x128xf32, #tpu.memory_space<vmem>>
    %dma_start3A_40 = arith.constant 0 : i32
    %dma_start3A_41 = arith.constant 0 : i32
    %dma_start3A_42 = tpu.memref_slice %arg6[%dma_start3A_40, %dma_start3A_41] : memref<10000x128xf32, #tpu.memory_space<vmem_shared>> -> memref<10000x128xf32, #tpu.memory_space<vmem_shared>>
    tpu.enqueue_indirect_dma source(%dma_start3A_39 : memref<80x128xf32, #tpu.memory_space<vmem>>) target(%dma_start3A_42 : memref<10000x128xf32, #tpu.memory_space<vmem_shared>>) offsets(%arg12 : memref<80xi32, #tpu.memory_space<vmem>>) semaphore(%arg21 : memref<!tpu.dma_semaphore, #tpu.memory_space<semaphore_mem>>) {add = true}
    %dma_wait3A_43 = arith.constant 1 : i32
    %dma_wait3A_44 = arith.constant 0 : i32
    %dma_wait3A_45 = arith.constant 0 : i32
    %dma_wait3A_46 = tpu.memref_slice %arg16[%dma_wait3A_43, %dma_wait3A_44, %dma_wait3A_45] : memref<4x80x128xf32, #tpu.memory_space<vmem>> -> memref<1x80x128xf32, #tpu.memory_space<vmem>>
    %dma_wait3A_47 = tpu.memref_squeeze %dma_wait3A_46 : memref<1x80x128xf32, #tpu.memory_space<vmem>> -> memref<80x128xf32, #tpu.memory_space<vmem>>
    %dma_wait3A_48 = arith.constant 0 : i32
    %dma_wait3A_49 = arith.constant 0 : i32
    %dma_wait3A_50 = tpu.memref_slice %arg6[%dma_wait3A_48, %dma_wait3A_49] : memref<10000x128xf32, #tpu.memory_space<vmem_shared>> -> memref<10000x128xf32, #tpu.memory_space<vmem_shared>>
    tpu.wait_indirect_dma semaphore(%arg22 : memref<!tpu.dma_semaphore, #tpu.memory_space<semaphore_mem>>) src(%dma_wait3A_47 : memref<80x128xf32, #tpu.memory_space<vmem>>) dst(%dma_wait3A_50 : memref<10000x128xf32, #tpu.memory_space<vmem_shared>>)
    %dma_wait3A_51 = arith.constant 2 : i32
    %dma_wait3A_52 = arith.constant 0 : i32
    %dma_wait3A_53 = arith.constant 0 : i32
    %dma_wait3A_54 = tpu.memref_slice %arg16[%dma_wait3A_51, %dma_wait3A_52, %dma_wait3A_53] : memref<4x80x128xf32, #tpu.memory_space<vmem>> -> memref<1x80x128xf32, #tpu.memory_space<vmem>>
    %dma_wait3A_55 = tpu.memref_squeeze %dma_wait3A_54 : memref<1x80x128xf32, #tpu.memory_space<vmem>> -> memref<80x128xf32, #tpu.memory_space<vmem>>
    %dma_wait3A_56 = arith.constant 0 : i32
    %dma_wait3A_57 = arith.constant 0 : i32
    %dma_wait3A_58 = tpu.memref_slice %arg6[%dma_wait3A_56, %dma_wait3A_57] : memref<10000x128xf32, #tpu.memory_space<vmem_shared>> -> memref<10000x128xf32, #tpu.memory_space<vmem_shared>>
    tpu.wait_indirect_dma semaphore(%arg23 : memref<!tpu.dma_semaphore, #tpu.memory_space<semaphore_mem>>) src(%dma_wait3A_55 : memref<80x128xf32, #tpu.memory_space<vmem>>) dst(%dma_wait3A_58 : memref<10000x128xf32, #tpu.memory_space<vmem_shared>>)
    %dma_wait3A_59 = arith.constant 3 : i32
    %dma_wait3A_60 = arith.constant 0 : i32
    %dma_wait3A_61 = arith.constant 0 : i32
    %dma_wait3A_62 = tpu.memref_slice %arg16[%dma_wait3A_59, %dma_wait3A_60, %dma_wait3A_61] : memref<4x80x128xf32, #tpu.memory_space<vmem>> -> memref<1x80x128xf32, #tpu.memory_space<vmem>>
    %dma_wait3A_63 = tpu.memref_squeeze %dma_wait3A_62 : memref<1x80x128xf32, #tpu.memory_space<vmem>> -> memref<80x128xf32, #tpu.memory_space<vmem>>
    %dma_wait3A_64 = arith.constant 0 : i32
    %dma_wait3A_65 = arith.constant 0 : i32
    %dma_wait3A_66 = tpu.memref_slice %arg6[%dma_wait3A_64, %dma_wait3A_65] : memref<10000x128xf32, #tpu.memory_space<vmem_shared>> -> memref<10000x128xf32, #tpu.memory_space<vmem_shared>>
    tpu.wait_indirect_dma semaphore(%arg24 : memref<!tpu.dma_semaphore, #tpu.memory_space<semaphore_mem>>) src(%dma_wait3A_63 : memref<80x128xf32, #tpu.memory_space<vmem>>) dst(%dma_wait3A_66 : memref<10000x128xf32, #tpu.memory_space<vmem_shared>>)
    %dma_wait3A_67 = arith.constant 0 : i32
    %dma_wait3A_68 = arith.constant 0 : i32
    %dma_wait3A_69 = arith.constant 0 : i32
    %dma_wait3A_70 = tpu.memref_slice %arg16[%dma_wait3A_67, %dma_wait3A_68, %dma_wait3A_69] : memref<4x80x128xf32, #tpu.memory_space<vmem>> -> memref<1x80x128xf32, #tpu.memory_space<vmem>>
    %dma_wait3A_71 = tpu.memref_squeeze %dma_wait3A_70 : memref<1x80x128xf32, #tpu.memory_space<vmem>> -> memref<80x128xf32, #tpu.memory_space<vmem>>
    %dma_wait3A_72 = arith.constant 0 : i32
    %dma_wait3A_73 = arith.constant 0 : i32
    %dma_wait3A_74 = tpu.memref_slice %arg6[%dma_wait3A_72, %dma_wait3A_73] : memref<10000x128xf32, #tpu.memory_space<vmem_shared>> -> memref<10000x128xf32, #tpu.memory_space<vmem_shared>>
    tpu.wait_indirect_dma semaphore(%arg21 : memref<!tpu.dma_semaphore, #tpu.memory_space<semaphore_mem>>) src(%dma_wait3A_71 : memref<80x128xf32, #tpu.memory_space<vmem>>) dst(%dma_wait3A_74 : memref<10000x128xf32, #tpu.memory_space<vmem_shared>>)
    %barrier3A_75 = arith.constant 0 : index
    tpu.barrier barrier_id(%barrier3A_75)
    %scan3A_76 = arith.constant 0 : i32
    %scan3A_77 = arith.constant 13 : i32
    %scan3A_78 = arith.addi %scan3A_76, %scan3A_77 : i32
    %scan3A_79 = arith.constant 1 : i32
    scf.for %scan3A_86 = %scan3A_76 to %scan3A_78 step %scan3A_79  : i32 {
      %mul3A_87 = arith.constant 1 : i32
      %mul3A_88 = arith.muli %scan3A_86, %mul3A_87 : i32
      %add3A_89 = arith.constant 0 : i32
      %add3A_90 = arith.addi %add3A_89, %mul3A_88 : i32
      %mul3A_91 = arith.constant 624 : i32
      %mul3A_92 = arith.muli %arg1, %mul3A_91 : i32
      %mul3A_93 = arith.constant 48 : i32
      %mul3A_94 = arith.muli %add3A_90, %mul3A_93 : i32
      %add3A_95 = arith.addi %mul3A_92, %mul3A_94 : i32
      %multiple_of3A_96 = tpu.assume_multiple %add3A_95, 8 : i32
      %mul3A_97 = arith.constant 10000 : i32
      %mul3A_98 = arith.muli %arg0, %mul3A_97 : i32
      %add3A_99 = arith.addi %mul3A_98, %multiple_of3A_96 : i32
      "tpu.region"() ({
        %run_scoped3A = tpu.sem_alloc : memref<!tpu.dma_semaphore, #tpu.memory_space<semaphore_mem>>
        %dma_start3A_100 = arith.constant 0 : i32
        %dma_start3A_101 = tpu.memref_slice %arg5[%add3A_99, %dma_start3A_100] : memref<20000x128xf32, #tpu.memory_space<hbm>> -> memref<48x128xf32, #tpu.memory_space<hbm>>
        %dma_start3A_102 = arith.constant 0 : i32
        %dma_start3A_103 = tpu.memref_slice %arg6[%multiple_of3A_96, %dma_start3A_102] : memref<10000x128xf32, #tpu.memory_space<vmem_shared>> -> memref<48x128xf32, #tpu.memory_space<vmem_shared>>
        tpu.enqueue_dma source(%dma_start3A_103 : memref<48x128xf32, #tpu.memory_space<vmem_shared>>) target(%dma_start3A_101 : memref<48x128xf32, #tpu.memory_space<hbm>>) target_semaphore(%run_scoped3A : memref<!tpu.dma_semaphore, #tpu.memory_space<semaphore_mem>>)
        %dma_wait3A_104 = arith.constant 0 : i32
        %dma_wait3A_105 = tpu.memref_slice %arg5[%add3A_99, %dma_wait3A_104] : memref<20000x128xf32, #tpu.memory_space<hbm>> -> memref<48x128xf32, #tpu.memory_space<hbm>>
        %dma_wait3A_106 = arith.constant 0 : i32
        %dma_wait3A_107 = tpu.memref_slice %arg6[%multiple_of3A_96, %dma_wait3A_106] : memref<10000x128xf32, #tpu.memory_space<vmem_shared>> -> memref<48x128xf32, #tpu.memory_space<vmem_shared>>
        tpu.wait_dma2 semaphore(%run_scoped3A : memref<!tpu.dma_semaphore, #tpu.memory_space<semaphore_mem>>) src(%dma_wait3A_107 : memref<48x128xf32, #tpu.memory_space<vmem_shared>>) dst(%dma_wait3A_105 : memref<48x128xf32, #tpu.memory_space<hbm>>)
        tpu.yield
      }) : () -> ()
    }
    %scan3A_80 = arith.constant 13 : i32
    %eq3A_81 = arith.constant 15 : i32
    %eq3A_82 = arith.cmpi eq, %arg1, %eq3A_81 : i32
    %convert_element_type3A_83 = arith.extui %eq3A_82 : i1 to i32
    %cond3A_84 = arith.constant 0 : i32
    %cond3A_85 = arith.cmpi ne, %convert_element_type3A_83, %cond3A_84 : i32
    scf.if %cond3A_85 {
      %mul3A_86 = arith.constant 10000 : i32
      %mul3A_87 = arith.muli %arg0, %mul3A_86 : i32
      %add3A_88 = arith.constant 9984 : i32
      %add3A_89 = arith.addi %mul3A_87, %add3A_88 : i32
      "tpu.region"() ({
        %run_scoped3A = tpu.sem_alloc : memref<!tpu.dma_semaphore, #tpu.memory_space<semaphore_mem>>
        %dma_start3A_90 = arith.constant 0 : i32
        %dma_start3A_91 = tpu.memref_slice %arg5[%add3A_89, %dma_start3A_90] : memref<20000x128xf32, #tpu.memory_space<hbm>> -> memref<16x128xf32, #tpu.memory_space<hbm>>
        %dma_start3A_92 = arith.constant 9984 : i32
        %dma_start3A_93 = arith.constant 0 : i32
        %dma_start3A_94 = tpu.memref_slice %arg6[%dma_start3A_92, %dma_start3A_93] : memref<10000x128xf32, #tpu.memory_space<vmem_shared>> -> memref<16x128xf32, #tpu.memory_space<vmem_shared>>
        tpu.enqueue_dma source(%dma_start3A_94 : memref<16x128xf32, #tpu.memory_space<vmem_shared>>) target(%dma_start3A_91 : memref<16x128xf32, #tpu.memory_space<hbm>>) target_semaphore(%run_scoped3A : memref<!tpu.dma_semaphore, #tpu.memory_space<semaphore_mem>>)
        %dma_wait3A_95 = arith.constant 0 : i32
        %dma_wait3A_96 = tpu.memref_slice %arg5[%add3A_89, %dma_wait3A_95] : memref<20000x128xf32, #tpu.memory_space<hbm>> -> memref<16x128xf32, #tpu.memory_space<hbm>>
        %dma_wait3A_97 = arith.constant 9984 : i32
        %dma_wait3A_98 = arith.constant 0 : i32
        %dma_wait3A_99 = tpu.memref_slice %arg6[%dma_wait3A_97, %dma_wait3A_98] : memref<10000x128xf32, #tpu.memory_space<vmem_shared>> -> memref<16x128xf32, #tpu.memory_space<vmem_shared>>
        tpu.wait_dma2 semaphore(%run_scoped3A : memref<!tpu.dma_semaphore, #tpu.memory_space<semaphore_mem>>) src(%dma_wait3A_99 : memref<16x128xf32, #tpu.memory_space<vmem_shared>>) dst(%dma_wait3A_96 : memref<16x128xf32, #tpu.memory_space<hbm>>)
        tpu.yield
      }) : () -> ()
    } else {
    }
    return
  }
}

#map = affine_map<(d0, d1) -> (0, 0)>
#map1 = affine_map<(d0, d1) -> (0)>
module attributes {stable_mosaic.version = 14 : i64} {
  func.func @_segsum_body(%arg0: i32, %arg1: i32, %arg2: memref<10000x128xf32, #tpu.memory_space<hbm>>, %arg3: memref<320000xi32, #tpu.memory_space<hbm>>, %arg4: memref<320000xi32, #tpu.memory_space<hbm>>, %arg5: memref<20000x128xf32, #tpu.memory_space<hbm>>, %arg6: memref<10000x128xf32, #tpu.memory_space<vmem_shared>>, %arg7: memref<48x128xf32, #tpu.memory_space<vmem>>, %arg8: memref<80xi32, #tpu.memory_space<vmem>>, %arg9: memref<80xi32, #tpu.memory_space<vmem>>, %arg10: memref<80xi32, #tpu.memory_space<vmem>>, %arg11: memref<80xi32, #tpu.memory_space<vmem>>, %arg12: memref<80xi32, #tpu.memory_space<vmem>>, %arg13: memref<80xi32, #tpu.memory_space<vmem>>, %arg14: memref<80xi32, #tpu.memory_space<vmem>>, %arg15: memref<80xi32, #tpu.memory_space<vmem>>, %arg16: memref<4x80x128xf32, #tpu.memory_space<vmem>>, %arg17: memref<!tpu.dma_semaphore, #tpu.memory_space<semaphore_mem>>, %arg18: memref<!tpu.dma_semaphore, #tpu.memory_space<semaphore_mem>>, %arg19: memref<!tpu.dma_semaphore, #tpu.memory_space<semaphore_mem>>, %arg20: memref<!tpu.dma_semaphore, #tpu.memory_space<semaphore_mem>>, %arg21: memref<!tpu.dma_semaphore, #tpu.memory_space<semaphore_mem>>, %arg22: memref<!tpu.dma_semaphore, #tpu.memory_space<semaphore_mem>>, %arg23: memref<!tpu.dma_semaphore, #tpu.memory_space<semaphore_mem>>, %arg24: memref<!tpu.dma_semaphore, #tpu.memory_space<semaphore_mem>>) attributes {dimension_semantics = [#tpu.dimension_semantics<core_parallel>, #tpu.dimension_semantics<subcore_parallel>], iteration_bounds = array<i64: 2, 16>, scalar_prefetch = 0 : i64, scratch_operands = 19 : i64, tpu.core_type = #tpu.core_type<sc_vector_subcore>, window_params = [{transform_indices = #map}, {transform_indices = #map1}, {transform_indices = #map1}, {transform_indices = #map}]} {
    %mul3A = arith.constant 2 : i32
    %mul3A_0 = arith.muli %arg1, %mul3A : i32
    %add3A = arith.addi %mul3A_0, %arg0 : i32
    %mul3A_1 = arith.constant 10000 : i32
    %mul3A_2 = arith.muli %add3A, %mul3A_1 : i32
    %scan3A = arith.constant 0 : i32
    %scan3A_3 = arith.constant 48 : i32
    %scan3A_4 = arith.addi %scan3A, %scan3A_3 : i32
    %scan3A_5 = arith.constant 1 : i32
    scf.for %scan3A_86 = %scan3A to %scan3A_4 step %scan3A_5  : i32 {
      %mul3A_87 = arith.constant 1 : i32
      %mul3A_88 = arith.muli %scan3A_86, %mul3A_87 : i32
      %add3A_89 = arith.constant 0 : i32
      %add3A_90 = arith.addi %add3A_89, %mul3A_88 : i32
      %scan3A_91 = arith.constant 0 : i32
      %scan3A_92 = arith.constant 8 : i32
      %scan3A_93 = arith.addi %scan3A_91, %scan3A_92 : i32
      %scan3A_94 = arith.constant 1 : i32
      scf.for %scan3A_96 = %scan3A_91 to %scan3A_93 step %scan3A_94  : i32 {
        %mul3A_97 = arith.constant 1 : i32
        %mul3A_98 = arith.muli %scan3A_96, %mul3A_97 : i32
        %add3A_99 = arith.constant 0 : i32
        %add3A_100 = arith.addi %add3A_99, %mul3A_98 : i32
        %broadcast_in_dim3A = arith.constant 0.000000e+00 : f32
        %broadcast_in_dim3A_101 = vector.broadcast %broadcast_in_dim3A : f32 to vector<16xf32>
        %mul3A_102 = arith.constant 16 : i32
        %mul3A_103 = arith.muli %add3A_100, %mul3A_102 : i32
        %swap3A = arith.index_cast %add3A_90 : i32 to index
        %swap3A_104 = arith.index_cast %mul3A_103 : i32 to index
        %swap3A_105 = tpu.vector_load %arg7[%swap3A, %swap3A_104] {strides = array<i32>} : memref<48x128xf32, #tpu.memory_space<vmem>>, vector<1x16xf32>,
        %swap3A_106 = vector.shape_cast %swap3A_105 : vector<1x16xf32> to vector<16xf32>
        %swap3A_107 = vector.shape_cast %broadcast_in_dim3A_101 : vector<16xf32> to vector<1x16xf32>
        tpu.vector_store %arg7[%swap3A, %swap3A_104], %swap3A_107 {strides = array<i32>} : memref<48x128xf32, #tpu.memory_space<vmem>>, vector<1x16xf32>,
      }
      %scan3A_95 = arith.constant 8 : i32
    }
    %scan3A_6 = arith.constant 48 : i32
    %scan3A_7 = arith.constant 0 : i32
    %scan3A_8 = arith.constant 13 : i32
    %scan3A_9 = arith.addi %scan3A_7, %scan3A_8 : i32
    %scan3A_10 = arith.constant 1 : i32
    scf.for %scan3A_86 = %scan3A_7 to %scan3A_9 step %scan3A_10  : i32 {
      %mul3A_87 = arith.constant 1 : i32
      %mul3A_88 = arith.muli %scan3A_86, %mul3A_87 : i32
      %add3A_89 = arith.constant 0 : i32
      %add3A_90 = arith.addi %add3A_89, %mul3A_88 : i32
      %mul3A_91 = arith.constant 624 : i32
      %mul3A_92 = arith.muli %arg1, %mul3A_91 : i32
      %mul3A_93 = arith.constant 48 : i32
      %mul3A_94 = arith.muli %add3A_90, %mul3A_93 : i32
      %add3A_95 = arith.addi %mul3A_92, %mul3A_94 : i32
      %multiple_of3A_96 = tpu.assume_multiple %add3A_95, 8 : i32
      "tpu.region"() ({
        %run_scoped3A = tpu.sem_alloc : memref<!tpu.dma_semaphore, #tpu.memory_space<semaphore_mem>>
        %dma_start3A_97 = arith.constant 0 : i32
        %dma_start3A_98 = tpu.memref_slice %arg6[%multiple_of3A_96, %dma_start3A_97] : memref<10000x128xf32, #tpu.memory_space<vmem_shared>> -> memref<48x128xf32, #tpu.memory_space<vmem_shared>>
        %dma_start3A_99 = arith.constant 0 : i32
        %dma_start3A_100 = tpu.memref_slice %arg6[%multiple_of3A_96, %dma_start3A_99] : memref<10000x128xf32, #tpu.memory_space<vmem_shared>> -> memref<48x128xf32, #tpu.memory_space<vmem_shared>>
        tpu.enqueue_dma source(%arg7 : memref<48x128xf32, #tpu.memory_space<vmem>>) target(%dma_start3A_100 : memref<48x128xf32, #tpu.memory_space<vmem_shared>>) target_semaphore(%run_scoped3A : memref<!tpu.dma_semaphore, #tpu.memory_space<semaphore_mem>>)
        %dma_wait3A_101 = arith.constant 0 : i32
        %dma_wait3A_102 = tpu.memref_slice %arg6[%multiple_of3A_96, %dma_wait3A_101] : memref<10000x128xf32, #tpu.memory_space<vmem_shared>> -> memref<48x128xf32, #tpu.memory_space<vmem_shared>>
        %dma_wait3A_103 = arith.constant 0 : i32
        %dma_wait3A_104 = tpu.memref_slice %arg6[%multiple_of3A_96, %dma_wait3A_103] : memref<10000x128xf32, #tpu.memory_space<vmem_shared>> -> memref<48x128xf32, #tpu.memory_space<vmem_shared>>
        tpu.wait_dma2 semaphore(%run_scoped3A : memref<!tpu.dma_semaphore, #tpu.memory_space<semaphore_mem>>) src(%arg7 : memref<48x128xf32, #tpu.memory_space<vmem>>) dst(%dma_wait3A_104 : memref<48x128xf32, #tpu.memory_space<vmem_shared>>)
        tpu.yield
      }) : () -> ()
    }
    %scan3A_11 = arith.constant 13 : i32
    %eq3A = arith.constant 15 : i32
    %eq3A_12 = arith.cmpi eq, %arg1, %eq3A : i32
    %convert_element_type3A = arith.extui %eq3A_12 : i1 to i32
    %cond3A = arith.constant 0 : i32
    %cond3A_13 = arith.cmpi ne, %convert_element_type3A, %cond3A : i32
    scf.if %cond3A_13 {
      "tpu.region"() ({
        %run_scoped3A = tpu.sem_alloc : memref<!tpu.dma_semaphore, #tpu.memory_space<semaphore_mem>>
        %dma_start3A_86 = arith.constant 0 : i32
        %dma_start3A_87 = arith.constant 0 : i32
        %dma_start3A_88 = tpu.memref_slice %arg7[%dma_start3A_86, %dma_start3A_87] : memref<48x128xf32, #tpu.memory_space<vmem>> -> memref<16x128xf32, #tpu.memory_space<vmem>>
        %dma_start3A_89 = arith.constant 9984 : i32
        %dma_start3A_90 = arith.constant 0 : i32
        %dma_start3A_91 = tpu.memref_slice %arg6[%dma_start3A_89, %dma_start3A_90] : memref<10000x128xf32, #tpu.memory_space<vmem_shared>> -> memref<16x128xf32, #tpu.memory_space<vmem_shared>>
        %dma_start3A_92 = arith.constant 9984 : i32
        %dma_start3A_93 = arith.constant 0 : i32
        %dma_start3A_94 = tpu.memref_slice %arg6[%dma_start3A_92, %dma_start3A_93] : memref<10000x128xf32, #tpu.memory_space<vmem_shared>> -> memref<16x128xf32, #tpu.memory_space<vmem_shared>>
        %dma_start3A_95 = arith.constant 0 : i32
        %dma_start3A_96 = arith.constant 0 : i32
        %dma_start3A_97 = tpu.memref_slice %arg7[%dma_start3A_95, %dma_start3A_96] : memref<48x128xf32, #tpu.memory_space<vmem>> -> memref<16x128xf32, #tpu.memory_space<vmem>>
        tpu.enqueue_dma source(%dma_start3A_97 : memref<16x128xf32, #tpu.memory_space<vmem>>) target(%dma_start3A_94 : memref<16x128xf32, #tpu.memory_space<vmem_shared>>) target_semaphore(%run_scoped3A : memref<!tpu.dma_semaphore, #tpu.memory_space<semaphore_mem>>)
        %dma_wait3A_98 = arith.constant 0 : i32
        %dma_wait3A_99 = arith.constant 0 : i32
        %dma_wait3A_100 = tpu.memref_slice %arg7[%dma_wait3A_98, %dma_wait3A_99] : memref<48x128xf32, #tpu.memory_space<vmem>> -> memref<16x128xf32, #tpu.memory_space<vmem>>
        %dma_wait3A_101 = arith.constant 9984 : i32
        %dma_wait3A_102 = arith.constant 0 : i32
        %dma_wait3A_103 = tpu.memref_slice %arg6[%dma_wait3A_101, %dma_wait3A_102] : memref<10000x128xf32, #tpu.memory_space<vmem_shared>> -> memref<16x128xf32, #tpu.memory_space<vmem_shared>>
        %dma_wait3A_104 = arith.constant 9984 : i32
        %dma_wait3A_105 = arith.constant 0 : i32
        %dma_wait3A_106 = tpu.memref_slice %arg6[%dma_wait3A_104, %dma_wait3A_105] : memref<10000x128xf32, #tpu.memory_space<vmem_shared>> -> memref<16x128xf32, #tpu.memory_space<vmem_shared>>
        %dma_wait3A_107 = arith.constant 0 : i32
        %dma_wait3A_108 = arith.constant 0 : i32
        %dma_wait3A_109 = tpu.memref_slice %arg7[%dma_wait3A_107, %dma_wait3A_108] : memref<48x128xf32, #tpu.memory_space<vmem>> -> memref<16x128xf32, #tpu.memory_space<vmem>>
        tpu.wait_dma2 semaphore(%run_scoped3A : memref<!tpu.dma_semaphore, #tpu.memory_space<semaphore_mem>>) src(%dma_wait3A_109 : memref<16x128xf32, #tpu.memory_space<vmem>>) dst(%dma_wait3A_106 : memref<16x128xf32, #tpu.memory_space<vmem_shared>>)
        tpu.yield
      }) : () -> ()
    } else {
    }
    %add3A_14 = arith.constant 0 : i32
    %add3A_15 = arith.addi %mul3A_2, %add3A_14 : i32
    %multiple_of3A = tpu.assume_multiple %add3A_15, 8 : i32
    "tpu.region"() ({
      %run_scoped3A = tpu.sem_alloc : memref<!tpu.dma_semaphore, #tpu.memory_space<semaphore_mem>>
      %dma_start3A_86 = tpu.memref_slice %arg3[%multiple_of3A] : memref<320000xi32, #tpu.memory_space<hbm>> -> memref<80xi32, #tpu.memory_space<hbm>>
      %dma_start3A_87 = tpu.memref_slice %arg3[%multiple_of3A] : memref<320000xi32, #tpu.memory_space<hbm>> -> memref<80xi32, #tpu.memory_space<hbm>>
      tpu.enqueue_dma source(%dma_start3A_87 : memref<80xi32, #tpu.memory_space<hbm>>) target(%arg8 : memref<80xi32, #tpu.memory_space<vmem>>) target_semaphore(%run_scoped3A : memref<!tpu.dma_semaphore, #tpu.memory_space<semaphore_mem>>)
      %dma_wait3A_88 = tpu.memref_slice %arg3[%multiple_of3A] : memref<320000xi32, #tpu.memory_space<hbm>> -> memref<80xi32, #tpu.memory_space<hbm>>
      %dma_wait3A_89 = tpu.memref_slice %arg3[%multiple_of3A] : memref<320000xi32, #tpu.memory_space<hbm>> -> memref<80xi32, #tpu.memory_space<hbm>>
      tpu.wait_dma2 semaphore(%run_scoped3A : memref<!tpu.dma_semaphore, #tpu.memory_space<semaphore_mem>>) src(%dma_wait3A_89 : memref<80xi32, #tpu.memory_space<hbm>>) dst(%arg8 : memref<80xi32, #tpu.memory_space<vmem>>)
      tpu.yield
    }) : () -> ()
    "tpu.region"() ({
      %run_scoped3A = tpu.sem_alloc : memref<!tpu.dma_semaphore, #tpu.memory_space<semaphore_mem>>
      %dma_start3A_86 = tpu.memref_slice %arg4[%multiple_of3A] : memref<320000xi32, #tpu.memory_space<hbm>> -> memref<80xi32, #tpu.memory_space<hbm>>
      %dma_start3A_87 = tpu.memref_slice %arg4[%multiple_of3A] : memref<320000xi32, #tpu.memory_space<hbm>> -> memref<80xi32, #tpu.memory_space<hbm>>
      tpu.enqueue_dma source(%dma_start3A_87 : memref<80xi32, #tpu.memory_space<hbm>>) target(%arg12 : memref<80xi32, #tpu.memory_space<vmem>>) target_semaphore(%run_scoped3A : memref<!tpu.dma_semaphore, #tpu.memory_space<semaphore_mem>>)
      %dma_wait3A_88 = tpu.memref_slice %arg4[%multiple_of3A] : memref<320000xi32, #tpu.memory_space<hbm>> -> memref<80xi32, #tpu.memory_space<hbm>>
      %dma_wait3A_89 = tpu.memref_slice %arg4[%multiple_of3A] : memref<320000xi32, #tpu.memory_space<hbm>> -> memref<80xi32, #tpu.memory_space<hbm>>
      tpu.wait_dma2 semaphore(%run_scoped3A : memref<!tpu.dma_semaphore, #tpu.memory_space<semaphore_mem>>) src(%dma_wait3A_89 : memref<80xi32, #tpu.memory_space<hbm>>) dst(%arg12 : memref<80xi32, #tpu.memory_space<vmem>>)
      tpu.yield
    }) : () -> ()
    %dma_start3A = arith.constant 0 : i32
    %dma_start3A_16 = arith.constant 0 : i32
    %dma_start3A_17 = arith.constant 0 : i32
    %dma_start3A_18 = tpu.memref_slice %arg16[%dma_start3A, %dma_start3A_16, %dma_start3A_17] : memref<4x80x128xf32, #tpu.memory_space<vmem>> -> memref<1x80x128xf32, #tpu.memory_space<vmem>>
    %dma_start3A_19 = tpu.memref_squeeze %dma_start3A_18 : memref<1x80x128xf32, #tpu.memory_space<vmem>> -> memref<80x128xf32, #tpu.memory_space<vmem>>
    %dma_start3A_20 = arith.constant 0 : i32
    %dma_start3A_21 = arith.constant 0 : i32
    %dma_start3A_22 = tpu.memref_slice %arg2[%dma_start3A_20, %dma_start3A_21] : memref<10000x128xf32, #tpu.memory_space<hbm>> -> memref<10000x128xf32, #tpu.memory_space<hbm>>
    tpu.enqueue_indirect_dma source(%dma_start3A_22 : memref<10000x128xf32, #tpu.memory_space<hbm>>) target(%dma_start3A_19 : memref<80x128xf32, #tpu.memory_space<vmem>>) offsets(%arg8 : memref<80xi32, #tpu.memory_space<vmem>>) semaphore(%arg17 : memref<!tpu.dma_semaphore, #tpu.memory_space<semaphore_mem>>)
    %barrier3A = arith.constant 0 : index
    tpu.barrier barrier_id(%barrier3A)
    %scan3A_23 = arith.constant 0 : i32
    %scan3A_24 = arith.constant 31 : i32
    %scan3A_25 = arith.addi %scan3A_23, %scan3A_24 : i32
    %scan3A_26 = arith.constant 1 : i32
    scf.for %scan3A_86 = %scan3A_23 to %scan3A_25 step %scan3A_26  : i32 {
      %mul3A_87 = arith.constant 1 : i32
      %mul3A_88 = arith.muli %scan3A_86, %mul3A_87 : i32
      %add3A_89 = arith.constant 0 : i32
      %add3A_90 = arith.addi %add3A_89, %mul3A_88 : i32
      %mul3A_91 = arith.constant 4 : i32
      %mul3A_92 = arith.muli %add3A_90, %mul3A_91 : i32
      %add3A_93 = arith.constant 0 : i32
      %add3A_94 = arith.addi %mul3A_92, %add3A_93 : i32
      %ge3A = arith.constant 3 : i32
      %ge3A_95 = arith.cmpi sge, %add3A_94, %ge3A : i32
      %convert_element_type3A_96 = arith.extui %ge3A_95 : i1 to i32
      %cond3A_97 = arith.constant 0 : i32
      %cond3A_98 = arith.cmpi ne, %convert_element_type3A_96, %cond3A_97 : i32
      scf.if %cond3A_98 {
        %dma_wait3A_246 = arith.constant 1 : i32
        %dma_wait3A_247 = arith.constant 0 : i32
        %dma_wait3A_248 = arith.constant 0 : i32
        %dma_wait3A_249 = tpu.memref_slice %arg16[%dma_wait3A_246, %dma_wait3A_247, %dma_wait3A_248] : memref<4x80x128xf32, #tpu.memory_space<vmem>> -> memref<1x80x128xf32, #tpu.memory_space<vmem>>
        %dma_wait3A_250 = tpu.memref_squeeze %dma_wait3A_249 : memref<1x80x128xf32, #tpu.memory_space<vmem>> -> memref<80x128xf32, #tpu.memory_space<vmem>>
        %dma_wait3A_251 = arith.constant 0 : i32
        %dma_wait3A_252 = arith.constant 0 : i32
        %dma_wait3A_253 = tpu.memref_slice %arg6[%dma_wait3A_251, %dma_wait3A_252] : memref<10000x128xf32, #tpu.memory_space<vmem_shared>> -> memref<10000x128xf32, #tpu.memory_space<vmem_shared>>
        tpu.wait_indirect_dma semaphore(%arg22 : memref<!tpu.dma_semaphore, #tpu.memory_space<semaphore_mem>>) src(%dma_wait3A_250 : memref<80x128xf32, #tpu.memory_space<vmem>>) dst(%dma_wait3A_253 : memref<10000x128xf32, #tpu.memory_space<vmem_shared>>)
      } else {
      }
      %add3A_99 = arith.constant 1 : i32
      %add3A_100 = arith.addi %add3A_94, %add3A_99 : i32
      %mul3A_101 = arith.constant 80 : i32
      %mul3A_102 = arith.muli %add3A_100, %mul3A_101 : i32
      %add3A_103 = arith.addi %mul3A_2, %mul3A_102 : i32
      %multiple_of3A_104 = tpu.assume_multiple %add3A_103, 8 : i32
      "tpu.region"() ({
        %run_scoped3A = tpu.sem_alloc : memref<!tpu.dma_semaphore, #tpu.memory_space<semaphore_mem>>
        %dma_start3A_246 = tpu.memref_slice %arg3[%multiple_of3A_104] : memref<320000xi32, #tpu.memory_space<hbm>> -> memref<80xi32, #tpu.memory_space<hbm>>
        %dma_start3A_247 = tpu.memref_slice %arg3[%multiple_of3A_104] : memref<320000xi32, #tpu.memory_space<hbm>> -> memref<80xi32, #tpu.memory_space<hbm>>
        tpu.enqueue_dma source(%dma_start3A_247 : memref<80xi32, #tpu.memory_space<hbm>>) target(%arg9 : memref<80xi32, #tpu.memory_space<vmem>>) target_semaphore(%run_scoped3A : memref<!tpu.dma_semaphore, #tpu.memory_space<semaphore_mem>>)
        %dma_wait3A_248 = tpu.memref_slice %arg3[%multiple_of3A_104] : memref<320000xi32, #tpu.memory_space<hbm>> -> memref<80xi32, #tpu.memory_space<hbm>>
        %dma_wait3A_249 = tpu.memref_slice %arg3[%multiple_of3A_104] : memref<320000xi32, #tpu.memory_space<hbm>> -> memref<80xi32, #tpu.memory_space<hbm>>
        tpu.wait_dma2 semaphore(%run_scoped3A : memref<!tpu.dma_semaphore, #tpu.memory_space<semaphore_mem>>) src(%dma_wait3A_249 : memref<80xi32, #tpu.memory_space<hbm>>) dst(%arg9 : memref<80xi32, #tpu.memory_space<vmem>>)
        tpu.yield
      }) : () -> ()
      "tpu.region"() ({
        %run_scoped3A = tpu.sem_alloc : memref<!tpu.dma_semaphore, #tpu.memory_space<semaphore_mem>>
        %dma_start3A_246 = tpu.memref_slice %arg4[%multiple_of3A_104] : memref<320000xi32, #tpu.memory_space<hbm>> -> memref<80xi32, #tpu.memory_space<hbm>>
        %dma_start3A_247 = tpu.memref_slice %arg4[%multiple_of3A_104] : memref<320000xi32, #tpu.memory_space<hbm>> -> memref<80xi32, #tpu.memory_space<hbm>>
        tpu.enqueue_dma source(%dma_start3A_247 : memref<80xi32, #tpu.memory_space<hbm>>) target(%arg13 : memref<80xi32, #tpu.memory_space<vmem>>) target_semaphore(%run_scoped3A : memref<!tpu.dma_semaphore, #tpu.memory_space<semaphore_mem>>)
        %dma_wait3A_248 = tpu.memref_slice %arg4[%multiple_of3A_104] : memref<320000xi32, #tpu.memory_space<hbm>> -> memref<80xi32, #tpu.memory_space<hbm>>
        %dma_wait3A_249 = tpu.memref_slice %arg4[%multiple_of3A_104] : memref<320000xi32, #tpu.memory_space<hbm>> -> memref<80xi32, #tpu.memory_space<hbm>>
        tpu.wait_dma2 semaphore(%run_scoped3A : memref<!tpu.dma_semaphore, #tpu.memory_space<semaphore_mem>>) src(%dma_wait3A_249 : memref<80xi32, #tpu.memory_space<hbm>>) dst(%arg13 : memref<80xi32, #tpu.memory_space<vmem>>)
        tpu.yield
      }) : () -> ()
      %dma_start3A_105 = arith.constant 1 : i32
      %dma_start3A_106 = arith.constant 0 : i32
      %dma_start3A_107 = arith.constant 0 : i32
      %dma_start3A_108 = tpu.memref_slice %arg16[%dma_start3A_105, %dma_start3A_106, %dma_start3A_107] : memref<4x80x128xf32, #tpu.memory_space<vmem>> -> memref<1x80x128xf32, #tpu.memory_space<vmem>>
      %dma_start3A_109 = tpu.memref_squeeze %dma_start3A_108 : memref<1x80x128xf32, #tpu.memory_space<vmem>> -> memref<80x128xf32, #tpu.memory_space<vmem>>
      %dma_start3A_110 = arith.constant 0 : i32
      %dma_start3A_111 = arith.constant 0 : i32
      %dma_start3A_112 = tpu.memref_slice %arg2[%dma_start3A_110, %dma_start3A_111] : memref<10000x128xf32, #tpu.memory_space<hbm>> -> memref<10000x128xf32, #tpu.memory_space<hbm>>
      tpu.enqueue_indirect_dma source(%dma_start3A_112 : memref<10000x128xf32, #tpu.memory_space<hbm>>) target(%dma_start3A_109 : memref<80x128xf32, #tpu.memory_space<vmem>>) offsets(%arg9 : memref<80xi32, #tpu.memory_space<vmem>>) semaphore(%arg18 : memref<!tpu.dma_semaphore, #tpu.memory_space<semaphore_mem>>)
      %dma_wait3A_113 = arith.constant 0 : i32
      %dma_wait3A_114 = arith.constant 0 : i32
      %dma_wait3A_115 = arith.constant 0 : i32
      %dma_wait3A_116 = tpu.memref_slice %arg16[%dma_wait3A_113, %dma_wait3A_114, %dma_wait3A_115] : memref<4x80x128xf32, #tpu.memory_space<vmem>> -> memref<1x80x128xf32, #tpu.memory_space<vmem>>
      %dma_wait3A_117 = tpu.memref_squeeze %dma_wait3A_116 : memref<1x80x128xf32, #tpu.memory_space<vmem>> -> memref<80x128xf32, #tpu.memory_space<vmem>>
      %dma_wait3A_118 = arith.constant 0 : i32
      %dma_wait3A_119 = arith.constant 0 : i32
      %dma_wait3A_120 = tpu.memref_slice %arg2[%dma_wait3A_118, %dma_wait3A_119] : memref<10000x128xf32, #tpu.memory_space<hbm>> -> memref<10000x128xf32, #tpu.memory_space<hbm>>
      tpu.wait_indirect_dma semaphore(%arg17 : memref<!tpu.dma_semaphore, #tpu.memory_space<semaphore_mem>>) src(%dma_wait3A_120 : memref<10000x128xf32, #tpu.memory_space<hbm>>) dst(%dma_wait3A_117 : memref<80x128xf32, #tpu.memory_space<vmem>>)
      %dma_start3A_121 = arith.constant 0 : i32
      %dma_start3A_122 = arith.constant 0 : i32
      %dma_start3A_123 = arith.constant 0 : i32
      %dma_start3A_124 = tpu.memref_slice %arg16[%dma_start3A_121, %dma_start3A_122, %dma_start3A_123] : memref<4x80x128xf32, #tpu.memory_space<vmem>> -> memref<1x80x128xf32, #tpu.memory_space<vmem>>
      %dma_start3A_125 = tpu.memref_squeeze %dma_start3A_124 : memref<1x80x128xf32, #tpu.memory_space<vmem>> -> memref<80x128xf32, #tpu.memory_space<vmem>>
      %dma_start3A_126 = arith.constant 0 : i32
      %dma_start3A_127 = arith.constant 0 : i32
      %dma_start3A_128 = tpu.memref_slice %arg6[%dma_start3A_126, %dma_start3A_127] : memref<10000x128xf32, #tpu.memory_space<vmem_shared>> -> memref<10000x128xf32, #tpu.memory_space<vmem_shared>>
      tpu.enqueue_indirect_dma source(%dma_start3A_125 : memref<80x128xf32, #tpu.memory_space<vmem>>) target(%dma_start3A_128 : memref<10000x128xf32, #tpu.memory_space<vmem_shared>>) offsets(%arg12 : memref<80xi32, #tpu.memory_space<vmem>>) semaphore(%arg21 : memref<!tpu.dma_semaphore, #tpu.memory_space<semaphore_mem>>) {add = true}
      %mul3A_129 = arith.constant 4 : i32
      %mul3A_130 = arith.muli %add3A_90, %mul3A_129 : i32
      %add3A_131 = arith.constant 1 : i32
      %add3A_132 = arith.addi %mul3A_130, %add3A_131 : i32
      %ge3A_133 = arith.constant 3 : i32
      %ge3A_134 = arith.cmpi sge, %add3A_132, %ge3A_133 : i32
      %convert_element_type3A_135 = arith.extui %ge3A_134 : i1 to i32
      %cond3A_136 = arith.constant 0 : i32
      %cond3A_137 = arith.cmpi ne, %convert_element_type3A_135, %cond3A_136 : i32
      scf.if %cond3A_137 {
        %dma_wait3A_246 = arith.constant 2 : i32
        %dma_wait3A_247 = arith.constant 0 : i32
        %dma_wait3A_248 = arith.constant 0 : i32
        %dma_wait3A_249 = tpu.memref_slice %arg16[%dma_wait3A_246, %dma_wait3A_247, %dma_wait3A_248] : memref<4x80x128xf32, #tpu.memory_space<vmem>> -> memref<1x80x128xf32, #tpu.memory_space<vmem>>
        %dma_wait3A_250 = tpu.memref_squeeze %dma_wait3A_249 : memref<1x80x128xf32, #tpu.memory_space<vmem>> -> memref<80x128xf32, #tpu.memory_space<vmem>>
        %dma_wait3A_251 = arith.constant 0 : i32
        %dma_wait3A_252 = arith.constant 0 : i32
        %dma_wait3A_253 = tpu.memref_slice %arg6[%dma_wait3A_251, %dma_wait3A_252] : memref<10000x128xf32, #tpu.memory_space<vmem_shared>> -> memref<10000x128xf32, #tpu.memory_space<vmem_shared>>
        tpu.wait_indirect_dma semaphore(%arg23 : memref<!tpu.dma_semaphore, #tpu.memory_space<semaphore_mem>>) src(%dma_wait3A_250 : memref<80x128xf32, #tpu.memory_space<vmem>>) dst(%dma_wait3A_253 : memref<10000x128xf32, #tpu.memory_space<vmem_shared>>)
      } else {
      }
      %add3A_138 = arith.constant 1 : i32
      %add3A_139 = arith.addi %add3A_132, %add3A_138 : i32
      %mul3A_140 = arith.constant 80 : i32
      %mul3A_141 = arith.muli %add3A_139, %mul3A_140 : i32
      %add3A_142 = arith.addi %mul3A_2, %mul3A_141 : i32
      %multiple_of3A_143 = tpu.assume_multiple %add3A_142, 8 : i32
      "tpu.region"() ({
        %run_scoped3A = tpu.sem_alloc : memref<!tpu.dma_semaphore, #tpu.memory_space<semaphore_mem>>
        %dma_start3A_246 = tpu.memref_slice %arg3[%multiple_of3A_143] : memref<320000xi32, #tpu.memory_space<hbm>> -> memref<80xi32, #tpu.memory_space<hbm>>
        %dma_start3A_247 = tpu.memref_slice %arg3[%multiple_of3A_143] : memref<320000xi32, #tpu.memory_space<hbm>> -> memref<80xi32, #tpu.memory_space<hbm>>
        tpu.enqueue_dma source(%dma_start3A_247 : memref<80xi32, #tpu.memory_space<hbm>>) target(%arg10 : memref<80xi32, #tpu.memory_space<vmem>>) target_semaphore(%run_scoped3A : memref<!tpu.dma_semaphore, #tpu.memory_space<semaphore_mem>>)
        %dma_wait3A_248 = tpu.memref_slice %arg3[%multiple_of3A_143] : memref<320000xi32, #tpu.memory_space<hbm>> -> memref<80xi32, #tpu.memory_space<hbm>>
        %dma_wait3A_249 = tpu.memref_slice %arg3[%multiple_of3A_143] : memref<320000xi32, #tpu.memory_space<hbm>> -> memref<80xi32, #tpu.memory_space<hbm>>
        tpu.wait_dma2 semaphore(%run_scoped3A : memref<!tpu.dma_semaphore, #tpu.memory_space<semaphore_mem>>) src(%dma_wait3A_249 : memref<80xi32, #tpu.memory_space<hbm>>) dst(%arg10 : memref<80xi32, #tpu.memory_space<vmem>>)
        tpu.yield
      }) : () -> ()
      "tpu.region"() ({
        %run_scoped3A = tpu.sem_alloc : memref<!tpu.dma_semaphore, #tpu.memory_space<semaphore_mem>>
        %dma_start3A_246 = tpu.memref_slice %arg4[%multiple_of3A_143] : memref<320000xi32, #tpu.memory_space<hbm>> -> memref<80xi32, #tpu.memory_space<hbm>>
        %dma_start3A_247 = tpu.memref_slice %arg4[%multiple_of3A_143] : memref<320000xi32, #tpu.memory_space<hbm>> -> memref<80xi32, #tpu.memory_space<hbm>>
        tpu.enqueue_dma source(%dma_start3A_247 : memref<80xi32, #tpu.memory_space<hbm>>) target(%arg14 : memref<80xi32, #tpu.memory_space<vmem>>) target_semaphore(%run_scoped3A : memref<!tpu.dma_semaphore, #tpu.memory_space<semaphore_mem>>)
        %dma_wait3A_248 = tpu.memref_slice %arg4[%multiple_of3A_143] : memref<320000xi32, #tpu.memory_space<hbm>> -> memref<80xi32, #tpu.memory_space<hbm>>
        %dma_wait3A_249 = tpu.memref_slice %arg4[%multiple_of3A_143] : memref<320000xi32, #tpu.memory_space<hbm>> -> memref<80xi32, #tpu.memory_space<hbm>>
        tpu.wait_dma2 semaphore(%run_scoped3A : memref<!tpu.dma_semaphore, #tpu.memory_space<semaphore_mem>>) src(%dma_wait3A_249 : memref<80xi32, #tpu.memory_space<hbm>>) dst(%arg14 : memref<80xi32, #tpu.memory_space<vmem>>)
        tpu.yield
      }) : () -> ()
      %dma_start3A_144 = arith.constant 2 : i32
      %dma_start3A_145 = arith.constant 0 : i32
      %dma_start3A_146 = arith.constant 0 : i32
      %dma_start3A_147 = tpu.memref_slice %arg16[%dma_start3A_144, %dma_start3A_145, %dma_start3A_146] : memref<4x80x128xf32, #tpu.memory_space<vmem>> -> memref<1x80x128xf32, #tpu.memory_space<vmem>>
      %dma_start3A_148 = tpu.memref_squeeze %dma_start3A_147 : memref<1x80x128xf32, #tpu.memory_space<vmem>> -> memref<80x128xf32, #tpu.memory_space<vmem>>
      %dma_start3A_149 = arith.constant 0 : i32
      %dma_start3A_150 = arith.constant 0 : i32
      %dma_start3A_151 = tpu.memref_slice %arg2[%dma_start3A_149, %dma_start3A_150] : memref<10000x128xf32, #tpu.memory_space<hbm>> -> memref<10000x128xf32, #tpu.memory_space<hbm>>
      tpu.enqueue_indirect_dma source(%dma_start3A_151 : memref<10000x128xf32, #tpu.memory_space<hbm>>) target(%dma_start3A_148 : memref<80x128xf32, #tpu.memory_space<vmem>>) offsets(%arg10 : memref<80xi32, #tpu.memory_space<vmem>>) semaphore(%arg19 : memref<!tpu.dma_semaphore, #tpu.memory_space<semaphore_mem>>)
      %dma_wait3A_152 = arith.constant 1 : i32
      %dma_wait3A_153 = arith.constant 0 : i32
      %dma_wait3A_154 = arith.constant 0 : i32
      %dma_wait3A_155 = tpu.memref_slice %arg16[%dma_wait3A_152, %dma_wait3A_153, %dma_wait3A_154] : memref<4x80x128xf32, #tpu.memory_space<vmem>> -> memref<1x80x128xf32, #tpu.memory_space<vmem>>
      %dma_wait3A_156 = tpu.memref_squeeze %dma_wait3A_155 : memref<1x80x128xf32, #tpu.memory_space<vmem>> -> memref<80x128xf32, #tpu.memory_space<vmem>>
      %dma_wait3A_157 = arith.constant 0 : i32
      %dma_wait3A_158 = arith.constant 0 : i32
      %dma_wait3A_159 = tpu.memref_slice %arg2[%dma_wait3A_157, %dma_wait3A_158] : memref<10000x128xf32, #tpu.memory_space<hbm>> -> memref<10000x128xf32, #tpu.memory_space<hbm>>
      tpu.wait_indirect_dma semaphore(%arg18 : memref<!tpu.dma_semaphore, #tpu.memory_space<semaphore_mem>>) src(%dma_wait3A_159 : memref<10000x128xf32, #tpu.memory_space<hbm>>) dst(%dma_wait3A_156 : memref<80x128xf32, #tpu.memory_space<vmem>>)
      %dma_start3A_160 = arith.constant 1 : i32
      %dma_start3A_161 = arith.constant 0 : i32
      %dma_start3A_162 = arith.constant 0 : i32
      %dma_start3A_163 = tpu.memref_slice %arg16[%dma_start3A_160, %dma_start3A_161, %dma_start3A_162] : memref<4x80x128xf32, #tpu.memory_space<vmem>> -> memref<1x80x128xf32, #tpu.memory_space<vmem>>
      %dma_start3A_164 = tpu.memref_squeeze %dma_start3A_163 : memref<1x80x128xf32, #tpu.memory_space<vmem>> -> memref<80x128xf32, #tpu.memory_space<vmem>>
      %dma_start3A_165 = arith.constant 0 : i32
      %dma_start3A_166 = arith.constant 0 : i32
      %dma_start3A_167 = tpu.memref_slice %arg6[%dma_start3A_165, %dma_start3A_166] : memref<10000x128xf32, #tpu.memory_space<vmem_shared>> -> memref<10000x128xf32, #tpu.memory_space<vmem_shared>>
      tpu.enqueue_indirect_dma source(%dma_start3A_164 : memref<80x128xf32, #tpu.memory_space<vmem>>) target(%dma_start3A_167 : memref<10000x128xf32, #tpu.memory_space<vmem_shared>>) offsets(%arg13 : memref<80xi32, #tpu.memory_space<vmem>>) semaphore(%arg22 : memref<!tpu.dma_semaphore, #tpu.memory_space<semaphore_mem>>) {add = true}
      %mul3A_168 = arith.constant 4 : i32
      %mul3A_169 = arith.muli %add3A_90, %mul3A_168 : i32
      %add3A_170 = arith.constant 2 : i32
      %add3A_171 = arith.addi %mul3A_169, %add3A_170 : i32
      %ge3A_172 = arith.constant 3 : i32
      %ge3A_173 = arith.cmpi sge, %add3A_171, %ge3A_172 : i32
      %convert_element_type3A_174 = arith.extui %ge3A_173 : i1 to i32
      %cond3A_175 = arith.constant 0 : i32
      %cond3A_176 = arith.cmpi ne, %convert_element_type3A_174, %cond3A_175 : i32
      scf.if %cond3A_176 {
        %dma_wait3A_246 = arith.constant 3 : i32
        %dma_wait3A_247 = arith.constant 0 : i32
        %dma_wait3A_248 = arith.constant 0 : i32
        %dma_wait3A_249 = tpu.memref_slice %arg16[%dma_wait3A_246, %dma_wait3A_247, %dma_wait3A_248] : memref<4x80x128xf32, #tpu.memory_space<vmem>> -> memref<1x80x128xf32, #tpu.memory_space<vmem>>
        %dma_wait3A_250 = tpu.memref_squeeze %dma_wait3A_249 : memref<1x80x128xf32, #tpu.memory_space<vmem>> -> memref<80x128xf32, #tpu.memory_space<vmem>>
        %dma_wait3A_251 = arith.constant 0 : i32
        %dma_wait3A_252 = arith.constant 0 : i32
        %dma_wait3A_253 = tpu.memref_slice %arg6[%dma_wait3A_251, %dma_wait3A_252] : memref<10000x128xf32, #tpu.memory_space<vmem_shared>> -> memref<10000x128xf32, #tpu.memory_space<vmem_shared>>
        tpu.wait_indirect_dma semaphore(%arg24 : memref<!tpu.dma_semaphore, #tpu.memory_space<semaphore_mem>>) src(%dma_wait3A_250 : memref<80x128xf32, #tpu.memory_space<vmem>>) dst(%dma_wait3A_253 : memref<10000x128xf32, #tpu.memory_space<vmem_shared>>)
      } else {
      }
      %add3A_177 = arith.constant 1 : i32
      %add3A_178 = arith.addi %add3A_171, %add3A_177 : i32
      %mul3A_179 = arith.constant 80 : i32
      %mul3A_180 = arith.muli %add3A_178, %mul3A_179 : i32
      %add3A_181 = arith.addi %mul3A_2, %mul3A_180 : i32
      %multiple_of3A_182 = tpu.assume_multiple %add3A_181, 8 : i32
      "tpu.region"() ({
        %run_scoped3A = tpu.sem_alloc : memref<!tpu.dma_semaphore, #tpu.memory_space<semaphore_mem>>
        %dma_start3A_246 = tpu.memref_slice %arg3[%multiple_of3A_182] : memref<320000xi32, #tpu.memory_space<hbm>> -> memref<80xi32, #tpu.memory_space<hbm>>
        %dma_start3A_247 = tpu.memref_slice %arg3[%multiple_of3A_182] : memref<320000xi32, #tpu.memory_space<hbm>> -> memref<80xi32, #tpu.memory_space<hbm>>
        tpu.enqueue_dma source(%dma_start3A_247 : memref<80xi32, #tpu.memory_space<hbm>>) target(%arg11 : memref<80xi32, #tpu.memory_space<vmem>>) target_semaphore(%run_scoped3A : memref<!tpu.dma_semaphore, #tpu.memory_space<semaphore_mem>>)
        %dma_wait3A_248 = tpu.memref_slice %arg3[%multiple_of3A_182] : memref<320000xi32, #tpu.memory_space<hbm>> -> memref<80xi32, #tpu.memory_space<hbm>>
        %dma_wait3A_249 = tpu.memref_slice %arg3[%multiple_of3A_182] : memref<320000xi32, #tpu.memory_space<hbm>> -> memref<80xi32, #tpu.memory_space<hbm>>
        tpu.wait_dma2 semaphore(%run_scoped3A : memref<!tpu.dma_semaphore, #tpu.memory_space<semaphore_mem>>) src(%dma_wait3A_249 : memref<80xi32, #tpu.memory_space<hbm>>) dst(%arg11 : memref<80xi32, #tpu.memory_space<vmem>>)
        tpu.yield
      }) : () -> ()
      "tpu.region"() ({
        %run_scoped3A = tpu.sem_alloc : memref<!tpu.dma_semaphore, #tpu.memory_space<semaphore_mem>>
        %dma_start3A_246 = tpu.memref_slice %arg4[%multiple_of3A_182] : memref<320000xi32, #tpu.memory_space<hbm>> -> memref<80xi32, #tpu.memory_space<hbm>>
        %dma_start3A_247 = tpu.memref_slice %arg4[%multiple_of3A_182] : memref<320000xi32, #tpu.memory_space<hbm>> -> memref<80xi32, #tpu.memory_space<hbm>>
        tpu.enqueue_dma source(%dma_start3A_247 : memref<80xi32, #tpu.memory_space<hbm>>) target(%arg15 : memref<80xi32, #tpu.memory_space<vmem>>) target_semaphore(%run_scoped3A : memref<!tpu.dma_semaphore, #tpu.memory_space<semaphore_mem>>)
        %dma_wait3A_248 = tpu.memref_slice %arg4[%multiple_of3A_182] : memref<320000xi32, #tpu.memory_space<hbm>> -> memref<80xi32, #tpu.memory_space<hbm>>
        %dma_wait3A_249 = tpu.memref_slice %arg4[%multiple_of3A_182] : memref<320000xi32, #tpu.memory_space<hbm>> -> memref<80xi32, #tpu.memory_space<hbm>>
        tpu.wait_dma2 semaphore(%run_scoped3A : memref<!tpu.dma_semaphore, #tpu.memory_space<semaphore_mem>>) src(%dma_wait3A_249 : memref<80xi32, #tpu.memory_space<hbm>>) dst(%arg15 : memref<80xi32, #tpu.memory_space<vmem>>)
        tpu.yield
      }) : () -> ()
      %dma_start3A_183 = arith.constant 3 : i32
      %dma_start3A_184 = arith.constant 0 : i32
      %dma_start3A_185 = arith.constant 0 : i32
      %dma_start3A_186 = tpu.memref_slice %arg16[%dma_start3A_183, %dma_start3A_184, %dma_start3A_185] : memref<4x80x128xf32, #tpu.memory_space<vmem>> -> memref<1x80x128xf32, #tpu.memory_space<vmem>>
      %dma_start3A_187 = tpu.memref_squeeze %dma_start3A_186 : memref<1x80x128xf32, #tpu.memory_space<vmem>> -> memref<80x128xf32, #tpu.memory_space<vmem>>
      %dma_start3A_188 = arith.constant 0 : i32
      %dma_start3A_189 = arith.constant 0 : i32
      %dma_start3A_190 = tpu.memref_slice %arg2[%dma_start3A_188, %dma_start3A_189] : memref<10000x128xf32, #tpu.memory_space<hbm>> -> memref<10000x128xf32, #tpu.memory_space<hbm>>
      tpu.enqueue_indirect_dma source(%dma_start3A_190 : memref<10000x128xf32, #tpu.memory_space<hbm>>) target(%dma_start3A_187 : memref<80x128xf32, #tpu.memory_space<vmem>>) offsets(%arg11 : memref<80xi32, #tpu.memory_space<vmem>>) semaphore(%arg20 : memref<!tpu.dma_semaphore, #tpu.memory_space<semaphore_mem>>)
      %dma_wait3A_191 = arith.constant 2 : i32
      %dma_wait3A_192 = arith.constant 0 : i32
      %dma_wait3A_193 = arith.constant 0 : i32
      %dma_wait3A_194 = tpu.memref_slice %arg16[%dma_wait3A_191, %dma_wait3A_192, %dma_wait3A_193] : memref<4x80x128xf32, #tpu.memory_space<vmem>> -> memref<1x80x128xf32, #tpu.memory_space<vmem>>
      %dma_wait3A_195 = tpu.memref_squeeze %dma_wait3A_194 : memref<1x80x128xf32, #tpu.memory_space<vmem>> -> memref<80x128xf32, #tpu.memory_space<vmem>>
      %dma_wait3A_196 = arith.constant 0 : i32
      %dma_wait3A_197 = arith.constant 0 : i32
      %dma_wait3A_198 = tpu.memref_slice %arg2[%dma_wait3A_196, %dma_wait3A_197] : memref<10000x128xf32, #tpu.memory_space<hbm>> -> memref<10000x128xf32, #tpu.memory_space<hbm>>
      tpu.wait_indirect_dma semaphore(%arg19 : memref<!tpu.dma_semaphore, #tpu.memory_space<semaphore_mem>>) src(%dma_wait3A_198 : memref<10000x128xf32, #tpu.memory_space<hbm>>) dst(%dma_wait3A_195 : memref<80x128xf32, #tpu.memory_space<vmem>>)
      %dma_start3A_199 = arith.constant 2 : i32
      %dma_start3A_200 = arith.constant 0 : i32
      %dma_start3A_201 = arith.constant 0 : i32
      %dma_start3A_202 = tpu.memref_slice %arg16[%dma_start3A_199, %dma_start3A_200, %dma_start3A_201] : memref<4x80x128xf32, #tpu.memory_space<vmem>> -> memref<1x80x128xf32, #tpu.memory_space<vmem>>
      %dma_start3A_203 = tpu.memref_squeeze %dma_start3A_202 : memref<1x80x128xf32, #tpu.memory_space<vmem>> -> memref<80x128xf32, #tpu.memory_space<vmem>>
      %dma_start3A_204 = arith.constant 0 : i32
      %dma_start3A_205 = arith.constant 0 : i32
      %dma_start3A_206 = tpu.memref_slice %arg6[%dma_start3A_204, %dma_start3A_205] : memref<10000x128xf32, #tpu.memory_space<vmem_shared>> -> memref<10000x128xf32, #tpu.memory_space<vmem_shared>>
      tpu.enqueue_indirect_dma source(%dma_start3A_203 : memref<80x128xf32, #tpu.memory_space<vmem>>) target(%dma_start3A_206 : memref<10000x128xf32, #tpu.memory_space<vmem_shared>>) offsets(%arg14 : memref<80xi32, #tpu.memory_space<vmem>>) semaphore(%arg23 : memref<!tpu.dma_semaphore, #tpu.memory_space<semaphore_mem>>) {add = true}
      %mul3A_207 = arith.constant 4 : i32
      %mul3A_208 = arith.muli %add3A_90, %mul3A_207 : i32
      %add3A_209 = arith.constant 3 : i32
      %add3A_210 = arith.addi %mul3A_208, %add3A_209 : i32
      %ge3A_211 = arith.constant 3 : i32
      %ge3A_212 = arith.cmpi sge, %add3A_210, %ge3A_211 : i32
      %convert_element_type3A_213 = arith.extui %ge3A_212 : i1 to i32
      %cond3A_214 = arith.constant 0 : i32
      %cond3A_215 = arith.cmpi ne, %convert_element_type3A_213, %cond3A_214 : i32
      scf.if %cond3A_215 {
        %dma_wait3A_246 = arith.constant 0 : i32
        %dma_wait3A_247 = arith.constant 0 : i32
        %dma_wait3A_248 = arith.constant 0 : i32
        %dma_wait3A_249 = tpu.memref_slice %arg16[%dma_wait3A_246, %dma_wait3A_247, %dma_wait3A_248] : memref<4x80x128xf32, #tpu.memory_space<vmem>> -> memref<1x80x128xf32, #tpu.memory_space<vmem>>
        %dma_wait3A_250 = tpu.memref_squeeze %dma_wait3A_249 : memref<1x80x128xf32, #tpu.memory_space<vmem>> -> memref<80x128xf32, #tpu.memory_space<vmem>>
        %dma_wait3A_251 = arith.constant 0 : i32
        %dma_wait3A_252 = arith.constant 0 : i32
        %dma_wait3A_253 = tpu.memref_slice %arg6[%dma_wait3A_251, %dma_wait3A_252] : memref<10000x128xf32, #tpu.memory_space<vmem_shared>> -> memref<10000x128xf32, #tpu.memory_space<vmem_shared>>
        tpu.wait_indirect_dma semaphore(%arg21 : memref<!tpu.dma_semaphore, #tpu.memory_space<semaphore_mem>>) src(%dma_wait3A_250 : memref<80x128xf32, #tpu.memory_space<vmem>>) dst(%dma_wait3A_253 : memref<10000x128xf32, #tpu.memory_space<vmem_shared>>)
      } else {
      }
      %add3A_216 = arith.constant 1 : i32
      %add3A_217 = arith.addi %add3A_210, %add3A_216 : i32
      %mul3A_218 = arith.constant 80 : i32
      %mul3A_219 = arith.muli %add3A_217, %mul3A_218 : i32
      %add3A_220 = arith.addi %mul3A_2, %mul3A_219 : i32
      %multiple_of3A_221 = tpu.assume_multiple %add3A_220, 8 : i32
      "tpu.region"() ({
        %run_scoped3A = tpu.sem_alloc : memref<!tpu.dma_semaphore, #tpu.memory_space<semaphore_mem>>
        %dma_start3A_246 = tpu.memref_slice %arg3[%multiple_of3A_221] : memref<320000xi32, #tpu.memory_space<hbm>> -> memref<80xi32, #tpu.memory_space<hbm>>
        %dma_start3A_247 = tpu.memref_slice %arg3[%multiple_of3A_221] : memref<320000xi32, #tpu.memory_space<hbm>> -> memref<80xi32, #tpu.memory_space<hbm>>
        tpu.enqueue_dma source(%dma_start3A_247 : memref<80xi32, #tpu.memory_space<hbm>>) target(%arg8 : memref<80xi32, #tpu.memory_space<vmem>>) target_semaphore(%run_scoped3A : memref<!tpu.dma_semaphore, #tpu.memory_space<semaphore_mem>>)
        %dma_wait3A_248 = tpu.memref_slice %arg3[%multiple_of3A_221] : memref<320000xi32, #tpu.memory_space<hbm>> -> memref<80xi32, #tpu.memory_space<hbm>>
        %dma_wait3A_249 = tpu.memref_slice %arg3[%multiple_of3A_221] : memref<320000xi32, #tpu.memory_space<hbm>> -> memref<80xi32, #tpu.memory_space<hbm>>
        tpu.wait_dma2 semaphore(%run_scoped3A : memref<!tpu.dma_semaphore, #tpu.memory_space<semaphore_mem>>) src(%dma_wait3A_249 : memref<80xi32, #tpu.memory_space<hbm>>) dst(%arg8 : memref<80xi32, #tpu.memory_space<vmem>>)
        tpu.yield
      }) : () -> ()
      "tpu.region"() ({
        %run_scoped3A = tpu.sem_alloc : memref<!tpu.dma_semaphore, #tpu.memory_space<semaphore_mem>>
        %dma_start3A_246 = tpu.memref_slice %arg4[%multiple_of3A_221] : memref<320000xi32, #tpu.memory_space<hbm>> -> memref<80xi32, #tpu.memory_space<hbm>>
        %dma_start3A_247 = tpu.memref_slice %arg4[%multiple_of3A_221] : memref<320000xi32, #tpu.memory_space<hbm>> -> memref<80xi32, #tpu.memory_space<hbm>>
        tpu.enqueue_dma source(%dma_start3A_247 : memref<80xi32, #tpu.memory_space<hbm>>) target(%arg12 : memref<80xi32, #tpu.memory_space<vmem>>) target_semaphore(%run_scoped3A : memref<!tpu.dma_semaphore, #tpu.memory_space<semaphore_mem>>)
        %dma_wait3A_248 = tpu.memref_slice %arg4[%multiple_of3A_221] : memref<320000xi32, #tpu.memory_space<hbm>> -> memref<80xi32, #tpu.memory_space<hbm>>
        %dma_wait3A_249 = tpu.memref_slice %arg4[%multiple_of3A_221] : memref<320000xi32, #tpu.memory_space<hbm>> -> memref<80xi32, #tpu.memory_space<hbm>>
        tpu.wait_dma2 semaphore(%run_scoped3A : memref<!tpu.dma_semaphore, #tpu.memory_space<semaphore_mem>>) src(%dma_wait3A_249 : memref<80xi32, #tpu.memory_space<hbm>>) dst(%arg12 : memref<80xi32, #tpu.memory_space<vmem>>)
        tpu.yield
      }) : () -> ()
      %dma_start3A_222 = arith.constant 0 : i32
      %dma_start3A_223 = arith.constant 0 : i32
      %dma_start3A_224 = arith.constant 0 : i32
      %dma_start3A_225 = tpu.memref_slice %arg16[%dma_start3A_222, %dma_start3A_223, %dma_start3A_224] : memref<4x80x128xf32, #tpu.memory_space<vmem>> -> memref<1x80x128xf32, #tpu.memory_space<vmem>>
      %dma_start3A_226 = tpu.memref_squeeze %dma_start3A_225 : memref<1x80x128xf32, #tpu.memory_space<vmem>> -> memref<80x128xf32, #tpu.memory_space<vmem>>
      %dma_start3A_227 = arith.constant 0 : i32
      %dma_start3A_228 = arith.constant 0 : i32
      %dma_start3A_229 = tpu.memref_slice %arg2[%dma_start3A_227, %dma_start3A_228] : memref<10000x128xf32, #tpu.memory_space<hbm>> -> memref<10000x128xf32, #tpu.memory_space<hbm>>
      tpu.enqueue_indirect_dma source(%dma_start3A_229 : memref<10000x128xf32, #tpu.memory_space<hbm>>) target(%dma_start3A_226 : memref<80x128xf32, #tpu.memory_space<vmem>>) offsets(%arg8 : memref<80xi32, #tpu.memory_space<vmem>>) semaphore(%arg17 : memref<!tpu.dma_semaphore, #tpu.memory_space<semaphore_mem>>)
      %dma_wait3A_230 = arith.constant 3 : i32
      %dma_wait3A_231 = arith.constant 0 : i32
      %dma_wait3A_232 = arith.constant 0 : i32
      %dma_wait3A_233 = tpu.memref_slice %arg16[%dma_wait3A_230, %dma_wait3A_231, %dma_wait3A_232] : memref<4x80x128xf32, #tpu.memory_space<vmem>> -> memref<1x80x128xf32, #tpu.memory_space<vmem>>
      %dma_wait3A_234 = tpu.memref_squeeze %dma_wait3A_233 : memref<1x80x128xf32, #tpu.memory_space<vmem>> -> memref<80x128xf32, #tpu.memory_space<vmem>>
      %dma_wait3A_235 = arith.constant 0 : i32
      %dma_wait3A_236 = arith.constant 0 : i32
      %dma_wait3A_237 = tpu.memref_slice %arg2[%dma_wait3A_235, %dma_wait3A_236] : memref<10000x128xf32, #tpu.memory_space<hbm>> -> memref<10000x128xf32, #tpu.memory_space<hbm>>
      tpu.wait_indirect_dma semaphore(%arg20 : memref<!tpu.dma_semaphore, #tpu.memory_space<semaphore_mem>>) src(%dma_wait3A_237 : memref<10000x128xf32, #tpu.memory_space<hbm>>) dst(%dma_wait3A_234 : memref<80x128xf32, #tpu.memory_space<vmem>>)
      %dma_start3A_238 = arith.constant 3 : i32
      %dma_start3A_239 = arith.constant 0 : i32
      %dma_start3A_240 = arith.constant 0 : i32
      %dma_start3A_241 = tpu.memref_slice %arg16[%dma_start3A_238, %dma_start3A_239, %dma_start3A_240] : memref<4x80x128xf32, #tpu.memory_space<vmem>> -> memref<1x80x128xf32, #tpu.memory_space<vmem>>
      %dma_start3A_242 = tpu.memref_squeeze %dma_start3A_241 : memref<1x80x128xf32, #tpu.memory_space<vmem>> -> memref<80x128xf32, #tpu.memory_space<vmem>>
      %dma_start3A_243 = arith.constant 0 : i32
      %dma_start3A_244 = arith.constant 0 : i32
      %dma_start3A_245 = tpu.memref_slice %arg6[%dma_start3A_243, %dma_start3A_244] : memref<10000x128xf32, #tpu.memory_space<vmem_shared>> -> memref<10000x128xf32, #tpu.memory_space<vmem_shared>>
      tpu.enqueue_indirect_dma source(%dma_start3A_242 : memref<80x128xf32, #tpu.memory_space<vmem>>) target(%dma_start3A_245 : memref<10000x128xf32, #tpu.memory_space<vmem_shared>>) offsets(%arg15 : memref<80xi32, #tpu.memory_space<vmem>>) semaphore(%arg24 : memref<!tpu.dma_semaphore, #tpu.memory_space<semaphore_mem>>) {add = true}
    }
    %scan3A_27 = arith.constant 31 : i32
    %dma_wait3A = arith.constant 0 : i32
    %dma_wait3A_28 = arith.constant 0 : i32
    %dma_wait3A_29 = arith.constant 0 : i32
    %dma_wait3A_30 = tpu.memref_slice %arg16[%dma_wait3A, %dma_wait3A_28, %dma_wait3A_29] : memref<4x80x128xf32, #tpu.memory_space<vmem>> -> memref<1x80x128xf32, #tpu.memory_space<vmem>>
    %dma_wait3A_31 = tpu.memref_squeeze %dma_wait3A_30 : memref<1x80x128xf32, #tpu.memory_space<vmem>> -> memref<80x128xf32, #tpu.memory_space<vmem>>
    %dma_wait3A_32 = arith.constant 0 : i32
    %dma_wait3A_33 = arith.constant 0 : i32
    %dma_wait3A_34 = tpu.memref_slice %arg2[%dma_wait3A_32, %dma_wait3A_33] : memref<10000x128xf32, #tpu.memory_space<hbm>> -> memref<10000x128xf32, #tpu.memory_space<hbm>>
    tpu.wait_indirect_dma semaphore(%arg17 : memref<!tpu.dma_semaphore, #tpu.memory_space<semaphore_mem>>) src(%dma_wait3A_34 : memref<10000x128xf32, #tpu.memory_space<hbm>>) dst(%dma_wait3A_31 : memref<80x128xf32, #tpu.memory_space<vmem>>)
    %dma_start3A_35 = arith.constant 0 : i32
    %dma_start3A_36 = arith.constant 0 : i32
    %dma_start3A_37 = arith.constant 0 : i32
    %dma_start3A_38 = tpu.memref_slice %arg16[%dma_start3A_35, %dma_start3A_36, %dma_start3A_37] : memref<4x80x128xf32, #tpu.memory_space<vmem>> -> memref<1x80x128xf32, #tpu.memory_space<vmem>>
    %dma_start3A_39 = tpu.memref_squeeze %dma_start3A_38 : memref<1x80x128xf32, #tpu.memory_space<vmem>> -> memref<80x128xf32, #tpu.memory_space<vmem>>
    %dma_start3A_40 = arith.constant 0 : i32
    %dma_start3A_41 = arith.constant 0 : i32
    %dma_start3A_42 = tpu.memref_slice %arg6[%dma_start3A_40, %dma_start3A_41] : memref<10000x128xf32, #tpu.memory_space<vmem_shared>> -> memref<10000x128xf32, #tpu.memory_space<vmem_shared>>
    tpu.enqueue_indirect_dma source(%dma_start3A_39 : memref<80x128xf32, #tpu.memory_space<vmem>>) target(%dma_start3A_42 : memref<10000x128xf32, #tpu.memory_space<vmem_shared>>) offsets(%arg12 : memref<80xi32, #tpu.memory_space<vmem>>) semaphore(%arg21 : memref<!tpu.dma_semaphore, #tpu.memory_space<semaphore_mem>>) {add = true}
    %dma_wait3A_43 = arith.constant 1 : i32
    %dma_wait3A_44 = arith.constant 0 : i32
    %dma_wait3A_45 = arith.constant 0 : i32
    %dma_wait3A_46 = tpu.memref_slice %arg16[%dma_wait3A_43, %dma_wait3A_44, %dma_wait3A_45] : memref<4x80x128xf32, #tpu.memory_space<vmem>> -> memref<1x80x128xf32, #tpu.memory_space<vmem>>
    %dma_wait3A_47 = tpu.memref_squeeze %dma_wait3A_46 : memref<1x80x128xf32, #tpu.memory_space<vmem>> -> memref<80x128xf32, #tpu.memory_space<vmem>>
    %dma_wait3A_48 = arith.constant 0 : i32
    %dma_wait3A_49 = arith.constant 0 : i32
    %dma_wait3A_50 = tpu.memref_slice %arg6[%dma_wait3A_48, %dma_wait3A_49] : memref<10000x128xf32, #tpu.memory_space<vmem_shared>> -> memref<10000x128xf32, #tpu.memory_space<vmem_shared>>
    tpu.wait_indirect_dma semaphore(%arg22 : memref<!tpu.dma_semaphore, #tpu.memory_space<semaphore_mem>>) src(%dma_wait3A_47 : memref<80x128xf32, #tpu.memory_space<vmem>>) dst(%dma_wait3A_50 : memref<10000x128xf32, #tpu.memory_space<vmem_shared>>)
    %dma_wait3A_51 = arith.constant 2 : i32
    %dma_wait3A_52 = arith.constant 0 : i32
    %dma_wait3A_53 = arith.constant 0 : i32
    %dma_wait3A_54 = tpu.memref_slice %arg16[%dma_wait3A_51, %dma_wait3A_52, %dma_wait3A_53] : memref<4x80x128xf32, #tpu.memory_space<vmem>> -> memref<1x80x128xf32, #tpu.memory_space<vmem>>
    %dma_wait3A_55 = tpu.memref_squeeze %dma_wait3A_54 : memref<1x80x128xf32, #tpu.memory_space<vmem>> -> memref<80x128xf32, #tpu.memory_space<vmem>>
    %dma_wait3A_56 = arith.constant 0 : i32
    %dma_wait3A_57 = arith.constant 0 : i32
    %dma_wait3A_58 = tpu.memref_slice %arg6[%dma_wait3A_56, %dma_wait3A_57] : memref<10000x128xf32, #tpu.memory_space<vmem_shared>> -> memref<10000x128xf32, #tpu.memory_space<vmem_shared>>
    tpu.wait_indirect_dma semaphore(%arg23 : memref<!tpu.dma_semaphore, #tpu.memory_space<semaphore_mem>>) src(%dma_wait3A_55 : memref<80x128xf32, #tpu.memory_space<vmem>>) dst(%dma_wait3A_58 : memref<10000x128xf32, #tpu.memory_space<vmem_shared>>)
    %dma_wait3A_59 = arith.constant 3 : i32
    %dma_wait3A_60 = arith.constant 0 : i32
    %dma_wait3A_61 = arith.constant 0 : i32
    %dma_wait3A_62 = tpu.memref_slice %arg16[%dma_wait3A_59, %dma_wait3A_60, %dma_wait3A_61] : memref<4x80x128xf32, #tpu.memory_space<vmem>> -> memref<1x80x128xf32, #tpu.memory_space<vmem>>
    %dma_wait3A_63 = tpu.memref_squeeze %dma_wait3A_62 : memref<1x80x128xf32, #tpu.memory_space<vmem>> -> memref<80x128xf32, #tpu.memory_space<vmem>>
    %dma_wait3A_64 = arith.constant 0 : i32
    %dma_wait3A_65 = arith.constant 0 : i32
    %dma_wait3A_66 = tpu.memref_slice %arg6[%dma_wait3A_64, %dma_wait3A_65] : memref<10000x128xf32, #tpu.memory_space<vmem_shared>> -> memref<10000x128xf32, #tpu.memory_space<vmem_shared>>
    tpu.wait_indirect_dma semaphore(%arg24 : memref<!tpu.dma_semaphore, #tpu.memory_space<semaphore_mem>>) src(%dma_wait3A_63 : memref<80x128xf32, #tpu.memory_space<vmem>>) dst(%dma_wait3A_66 : memref<10000x128xf32, #tpu.memory_space<vmem_shared>>)
    %dma_wait3A_67 = arith.constant 0 : i32
    %dma_wait3A_68 = arith.constant 0 : i32
    %dma_wait3A_69 = arith.constant 0 : i32
    %dma_wait3A_70 = tpu.memref_slice %arg16[%dma_wait3A_67, %dma_wait3A_68, %dma_wait3A_69] : memref<4x80x128xf32, #tpu.memory_space<vmem>> -> memref<1x80x128xf32, #tpu.memory_space<vmem>>
    %dma_wait3A_71 = tpu.memref_squeeze %dma_wait3A_70 : memref<1x80x128xf32, #tpu.memory_space<vmem>> -> memref<80x128xf32, #tpu.memory_space<vmem>>
    %dma_wait3A_72 = arith.constant 0 : i32
    %dma_wait3A_73 = arith.constant 0 : i32
    %dma_wait3A_74 = tpu.memref_slice %arg6[%dma_wait3A_72, %dma_wait3A_73] : memref<10000x128xf32, #tpu.memory_space<vmem_shared>> -> memref<10000x128xf32, #tpu.memory_space<vmem_shared>>
    tpu.wait_indirect_dma semaphore(%arg21 : memref<!tpu.dma_semaphore, #tpu.memory_space<semaphore_mem>>) src(%dma_wait3A_71 : memref<80x128xf32, #tpu.memory_space<vmem>>) dst(%dma_wait3A_74 : memref<10000x128xf32, #tpu.memory_space<vmem_shared>>)
    %barrier3A_75 = arith.constant 0 : index
    tpu.barrier barrier_id(%barrier3A_75)
    %scan3A_76 = arith.constant 0 : i32
    %scan3A_77 = arith.constant 13 : i32
    %scan3A_78 = arith.addi %scan3A_76, %scan3A_77 : i32
    %scan3A_79 = arith.constant 1 : i32
    scf.for %scan3A_86 = %scan3A_76 to %scan3A_78 step %scan3A_79  : i32 {
      %mul3A_87 = arith.constant 1 : i32
      %mul3A_88 = arith.muli %scan3A_86, %mul3A_87 : i32
      %add3A_89 = arith.constant 0 : i32
      %add3A_90 = arith.addi %add3A_89, %mul3A_88 : i32
      %mul3A_91 = arith.constant 624 : i32
      %mul3A_92 = arith.muli %arg1, %mul3A_91 : i32
      %mul3A_93 = arith.constant 48 : i32
      %mul3A_94 = arith.muli %add3A_90, %mul3A_93 : i32
      %add3A_95 = arith.addi %mul3A_92, %mul3A_94 : i32
      %multiple_of3A_96 = tpu.assume_multiple %add3A_95, 8 : i32
      %mul3A_97 = arith.constant 10000 : i32
      %mul3A_98 = arith.muli %arg0, %mul3A_97 : i32
      %add3A_99 = arith.addi %mul3A_98, %multiple_of3A_96 : i32
      "tpu.region"() ({
        %run_scoped3A = tpu.sem_alloc : memref<!tpu.dma_semaphore, #tpu.memory_space<semaphore_mem>>
        %dma_start3A_100 = arith.constant 0 : i32
        %dma_start3A_101 = tpu.memref_slice %arg5[%add3A_99, %dma_start3A_100] : memref<20000x128xf32, #tpu.memory_space<hbm>> -> memref<48x128xf32, #tpu.memory_space<hbm>>
        %dma_start3A_102 = arith.constant 0 : i32
        %dma_start3A_103 = tpu.memref_slice %arg6[%multiple_of3A_96, %dma_start3A_102] : memref<10000x128xf32, #tpu.memory_space<vmem_shared>> -> memref<48x128xf32, #tpu.memory_space<vmem_shared>>
        tpu.enqueue_dma source(%dma_start3A_103 : memref<48x128xf32, #tpu.memory_space<vmem_shared>>) target(%dma_start3A_101 : memref<48x128xf32, #tpu.memory_space<hbm>>) target_semaphore(%run_scoped3A : memref<!tpu.dma_semaphore, #tpu.memory_space<semaphore_mem>>)
        %dma_wait3A_104 = arith.constant 0 : i32
        %dma_wait3A_105 = tpu.memref_slice %arg5[%add3A_99, %dma_wait3A_104] : memref<20000x128xf32, #tpu.memory_space<hbm>> -> memref<48x128xf32, #tpu.memory_space<hbm>>
        %dma_wait3A_106 = arith.constant 0 : i32
        %dma_wait3A_107 = tpu.memref_slice %arg6[%multiple_of3A_96, %dma_wait3A_106] : memref<10000x128xf32, #tpu.memory_space<vmem_shared>> -> memref<48x128xf32, #tpu.memory_space<vmem_shared>>
        tpu.wait_dma2 semaphore(%run_scoped3A : memref<!tpu.dma_semaphore, #tpu.memory_space<semaphore_mem>>) src(%dma_wait3A_107 : memref<48x128xf32, #tpu.memory_space<vmem_shared>>) dst(%dma_wait3A_105 : memref<48x128xf32, #tpu.memory_space<hbm>>)
        tpu.yield
      }) : () -> ()
    }
    %scan3A_80 = arith.constant 13 : i32
    %eq3A_81 = arith.constant 15 : i32
    %eq3A_82 = arith.cmpi eq, %arg1, %eq3A_81 : i32
    %convert_element_type3A_83 = arith.extui %eq3A_82 : i1 to i32
    %cond3A_84 = arith.constant 0 : i32
    %cond3A_85 = arith.cmpi ne, %convert_element_type3A_83, %cond3A_84 : i32
    scf.if %cond3A_85 {
      %mul3A_86 = arith.constant 10000 : i32
      %mul3A_87 = arith.muli %arg0, %mul3A_86 : i32
      %add3A_88 = arith.constant 9984 : i32
      %add3A_89 = arith.addi %mul3A_87, %add3A_88 : i32
      "tpu.region"() ({
        %run_scoped3A = tpu.sem_alloc : memref<!tpu.dma_semaphore, #tpu.memory_space<semaphore_mem>>
        %dma_start3A_90 = arith.constant 0 : i32
        %dma_start3A_91 = tpu.memref_slice %arg5[%add3A_89, %dma_start3A_90] : memref<20000x128xf32, #tpu.memory_space<hbm>> -> memref<16x128xf32, #tpu.memory_space<hbm>>
        %dma_start3A_92 = arith.constant 9984 : i32
        %dma_start3A_93 = arith.constant 0 : i32
        %dma_start3A_94 = tpu.memref_slice %arg6[%dma_start3A_92, %dma_start3A_93] : memref<10000x128xf32, #tpu.memory_space<vmem_shared>> -> memref<16x128xf32, #tpu.memory_space<vmem_shared>>
        tpu.enqueue_dma source(%dma_start3A_94 : memref<16x128xf32, #tpu.memory_space<vmem_shared>>) target(%dma_start3A_91 : memref<16x128xf32, #tpu.memory_space<hbm>>) target_semaphore(%run_scoped3A : memref<!tpu.dma_semaphore, #tpu.memory_space<semaphore_mem>>)
        %dma_wait3A_95 = arith.constant 0 : i32
        %dma_wait3A_96 = tpu.memref_slice %arg5[%add3A_89, %dma_wait3A_95] : memref<20000x128xf32, #tpu.memory_space<hbm>> -> memref<16x128xf32, #tpu.memory_space<hbm>>
        %dma_wait3A_97 = arith.constant 9984 : i32
        %dma_wait3A_98 = arith.constant 0 : i32
        %dma_wait3A_99 = tpu.memref_slice %arg6[%dma_wait3A_97, %dma_wait3A_98] : memref<10000x128xf32, #tpu.memory_space<vmem_shared>> -> memref<16x128xf32, #tpu.memory_space<vmem_shared>>
        tpu.wait_dma2 semaphore(%run_scoped3A : memref<!tpu.dma_semaphore, #tpu.memory_space<semaphore_mem>>) src(%dma_wait3A_99 : memref<16x128xf32, #tpu.memory_space<vmem_shared>>) dst(%dma_wait3A_96 : memref<16x128xf32, #tpu.memory_space<hbm>>)
        tpu.yield
      }) : () -> ()
    } else {
    }
    return
  }
}

module attributes {stable_mosaic.version = 14 : i64} {
  func.func @_dense_body(%arg0: memref<10000x128xf32, #tpu.memory_space<vmem>>, %arg1: memref<20000x128xf32, #tpu.memory_space<vmem>>, %arg2: memref<128x128xf32, #tpu.memory_space<vmem>>, %arg3: memref<1x128xf32, #tpu.memory_space<vmem>>, %arg4: memref<128x128xf32, #tpu.memory_space<vmem>>, %arg5: memref<1x128xf32, #tpu.memory_space<vmem>>, %arg6: memref<1x128xf32, #tpu.memory_space<vmem>>, %arg7: memref<1x128xf32, #tpu.memory_space<vmem>>, %arg8: memref<10000x128xf32, #tpu.memory_space<vmem>>) attributes {dimension_semantics = [], scalar_prefetch = 0 : i64, scratch_operands = 0 : i64, tpu.core_type = #tpu.core_type<tc>} {
    %get3A = arith.constant 0 : index
    %get3A_0 = arith.constant 0 : index
    %get3A_1 = vector.load %arg0[%get3A, %get3A_0] : memref<10000x128xf32, #tpu.memory_space<vmem>>, vector<10000x128xf32>
    %get3A_2 = arith.constant 0 : index
    %get3A_3 = arith.constant 0 : index
    %get3A_4 = vector.load %arg1[%get3A_2, %get3A_3] : memref<20000x128xf32, #tpu.memory_space<vmem>>, vector<10000x128xf32>
    %add3A = arith.addf %get3A_1, %get3A_4 : vector<10000x128xf32>
    %get3A_5 = arith.constant 10000 : index
    %get3A_6 = arith.constant 0 : index
    %get3A_7 = vector.load %arg1[%get3A_5, %get3A_6] : memref<20000x128xf32, #tpu.memory_space<vmem>>, vector<10000x128xf32>
    %add3A_8 = arith.addf %add3A, %get3A_7 : vector<10000x128xf32>
    %get3A_9 = arith.constant 0 : index
    %get3A_10 = arith.constant 0 : index
    %get3A_11 = vector.load %arg2[%get3A_9, %get3A_10] : memref<128x128xf32, #tpu.memory_space<vmem>>, vector<128x128xf32>
    %dot_general3A = arith.constant dense<0.000000e+00> : vector<10000x128xf32>
    %dot_general3A_12 = tpu.matmul %add3A_8, %get3A_11, %dot_general3A {dimension_numbers = #tpu.dot_dimension_numbers<[1], [0], [0], [1], [0, 0, 1, 1], [], []>, transpose_lhs_hint = false} : vector<10000x128xf32>, vector<128x128xf32>, vector<10000x128xf32> -> vector<10000x128xf32>
    %get3A_13 = arith.constant 0 : index
    %get3A_14 = arith.constant 0 : index
    %get3A_15 = vector.load %arg3[%get3A_13, %get3A_14] : memref<1x128xf32, #tpu.memory_space<vmem>>, vector<1x128xf32>
    %add3A_16 = vector.broadcast %get3A_15 : vector<1x128xf32> to vector<10000x128xf32>
    %add3A_17 = arith.addf %dot_general3A_12, %add3A_16 : vector<10000x128xf32>
    %max3A = arith.constant 0.000000e+00 : f32
    %max3A_18 = vector.broadcast %max3A : f32 to vector<10000x128xf32>
    %max3A_19 = arith.maximumf %add3A_17, %max3A_18 : vector<10000x128xf32>
    %get3A_20 = arith.constant 0 : index
    %get3A_21 = arith.constant 0 : index
    %get3A_22 = vector.load %arg4[%get3A_20, %get3A_21] : memref<128x128xf32, #tpu.memory_space<vmem>>, vector<128x128xf32>
    %dot_general3A_23 = arith.constant dense<0.000000e+00> : vector<10000x128xf32>
    %dot_general3A_24 = tpu.matmul %max3A_19, %get3A_22, %dot_general3A_23 {dimension_numbers = #tpu.dot_dimension_numbers<[1], [0], [0], [1], [0, 0, 1, 1], [], []>, transpose_lhs_hint = false} : vector<10000x128xf32>, vector<128x128xf32>, vector<10000x128xf32> -> vector<10000x128xf32>
    %get3A_25 = arith.constant 0 : index
    %get3A_26 = arith.constant 0 : index
    %get3A_27 = vector.load %arg5[%get3A_25, %get3A_26] : memref<1x128xf32, #tpu.memory_space<vmem>>, vector<1x128xf32>
    %add3A_28 = vector.broadcast %get3A_27 : vector<1x128xf32> to vector<10000x128xf32>
    %add3A_29 = arith.addf %dot_general3A_24, %add3A_28 : vector<10000x128xf32>
    %reduce_sum3A = arith.constant dense<0.000000e+00> : vector<128xf32>
    %reduce_sum3A_30 = vector.multi_reduction <add>, %add3A_29, %reduce_sum3A [0] : vector<10000x128xf32> to vector<128xf32>
    %broadcast_in_dim3A = vector.shape_cast %reduce_sum3A_30 : vector<128xf32> to vector<1x128xf32>
    %div3A = arith.constant 1.000000e+04 : f32
    %div3A_31 = vector.broadcast %div3A : f32 to vector<1x128xf32>
    %div3A_32 = arith.divf %broadcast_in_dim3A, %div3A_31 : vector<1x128xf32>
    %sub3A = vector.broadcast %div3A_32 : vector<1x128xf32> to vector<10000x128xf32>
    %sub3A_33 = arith.subf %add3A_29, %sub3A : vector<10000x128xf32>
    %mul3A = arith.mulf %sub3A_33, %sub3A_33 : vector<10000x128xf32>
    %reduce_sum3A_34 = arith.constant dense<0.000000e+00> : vector<128xf32>
    %reduce_sum3A_35 = vector.multi_reduction <add>, %mul3A, %reduce_sum3A_34 [0] : vector<10000x128xf32> to vector<128xf32>
    %broadcast_in_dim3A_36 = vector.shape_cast %reduce_sum3A_35 : vector<128xf32> to vector<1x128xf32>
    %div3A_37 = arith.constant 1.000000e+04 : f32
    %div3A_38 = vector.broadcast %div3A_37 : f32 to vector<1x128xf32>
    %div3A_39 = arith.divf %broadcast_in_dim3A_36, %div3A_38 : vector<1x128xf32>
    %add3A_40 = arith.constant 9.99999974E-6 : f32
    %add3A_41 = vector.broadcast %add3A_40 : f32 to vector<1x128xf32>
    %add3A_42 = arith.addf %div3A_39, %add3A_41 : vector<1x128xf32>
    %rsqrt3A = math.rsqrt %add3A_42 : vector<1x128xf32>
    %mul3A_43 = vector.broadcast %rsqrt3A : vector<1x128xf32> to vector<10000x128xf32>
    %mul3A_44 = arith.mulf %sub3A_33, %mul3A_43 : vector<10000x128xf32>
    %get3A_45 = arith.constant 0 : index
    %get3A_46 = arith.constant 0 : index
    %get3A_47 = vector.load %arg6[%get3A_45, %get3A_46] : memref<1x128xf32, #tpu.memory_space<vmem>>, vector<1x128xf32>
    %mul3A_48 = vector.broadcast %get3A_47 : vector<1x128xf32> to vector<10000x128xf32>
    %mul3A_49 = arith.mulf %mul3A_44, %mul3A_48 : vector<10000x128xf32>
    %get3A_50 = arith.constant 0 : index
    %get3A_51 = arith.constant 0 : index
    %get3A_52 = vector.load %arg7[%get3A_50, %get3A_51] : memref<1x128xf32, #tpu.memory_space<vmem>>, vector<1x128xf32>
    %add3A_53 = vector.broadcast %get3A_52 : vector<1x128xf32> to vector<10000x128xf32>
    %add3A_54 = arith.addf %mul3A_49, %add3A_53 : vector<10000x128xf32>
    %max3A_55 = arith.constant 0.000000e+00 : f32
    %max3A_56 = vector.broadcast %max3A_55 : f32 to vector<10000x128xf32>
    %max3A_57 = arith.maximumf %add3A_54, %max3A_56 : vector<10000x128xf32>
    %swap3A = arith.constant 0 : index
    %swap3A_58 = arith.constant 0 : index
    %swap3A_59 = vector.load %arg8[%swap3A, %swap3A_58] : memref<10000x128xf32, #tpu.memory_space<vmem>>, vector<10000x128xf32>
    tpu.vector_store %arg8[%swap3A, %swap3A_58], %max3A_57 {strides = array<i32>} : memref<10000x128xf32, #tpu.memory_space<vmem>>, vector<10000x128xf32>,
    return
  }
}

module attributes {stable_mosaic.version = 14 : i64} {
  func.func @_pool_body(%arg0: memref<10000x128xf32, #tpu.memory_space<vmem>>, %arg1: memref<1x10000xi32, #tpu.memory_space<vmem>>, %arg2: memref<128x128xf32, #tpu.memory_space<vmem>>, %arg3: memref<1x128xf32, #tpu.memory_space<vmem>>, %arg4: memref<64x128xf32, #tpu.memory_space<vmem>>) attributes {dimension_semantics = [], scalar_prefetch = 0 : i64, scratch_operands = 0 : i64, tpu.core_type = #tpu.core_type<tc>} {
    %iota3A = tpu.iota {dimensions = array<i32: 0>} : vector<64x10000xi32>
    %get3A = arith.constant 0 : index
    %get3A_0 = arith.constant 0 : index
    %get3A_1 = vector.load %arg1[%get3A, %get3A_0] : memref<1x10000xi32, #tpu.memory_space<vmem>>, vector<1x10000xi32>
    %eq3A = vector.broadcast %get3A_1 : vector<1x10000xi32> to vector<64x10000xi32>
    %eq3A_2 = arith.cmpi eq, %iota3A, %eq3A : vector<64x10000xi32>
    %convert_element_type3A = arith.extui %eq3A_2 : vector<64x10000xi1> to vector<64x10000xi32>
    %convert_element_type3A_3 = arith.sitofp %convert_element_type3A : vector<64x10000xi32> to vector<64x10000xf32>
    %get3A_4 = arith.constant 0 : index
    %get3A_5 = arith.constant 0 : index
    %get3A_6 = vector.load %arg0[%get3A_4, %get3A_5] : memref<10000x128xf32, #tpu.memory_space<vmem>>, vector<10000x128xf32>
    %dot_general3A = arith.constant dense<0.000000e+00> : vector<64x128xf32>
    %dot_general3A_7 = tpu.matmul %convert_element_type3A_3, %get3A_6, %dot_general3A {dimension_numbers = #tpu.dot_dimension_numbers<[1], [0], [0], [1], [0, 0, 1, 1], [], []>, transpose_lhs_hint = false} : vector<64x10000xf32>, vector<10000x128xf32>, vector<64x128xf32> -> vector<64x128xf32>
    %reduce_sum3A = arith.constant dense<0.000000e+00> : vector<64xf32>
    %reduce_sum3A_8 = vector.multi_reduction <add>, %convert_element_type3A_3, %reduce_sum3A [1] : vector<64x10000xf32> to vector<64xf32>
    %broadcast_in_dim3A = vector.shape_cast %reduce_sum3A_8 : vector<64xf32> to vector<64x1xf32>
    %max3A = arith.constant 1.000000e+00 : f32
    %max3A_9 = vector.broadcast %max3A : f32 to vector<64x1xf32>
    %max3A_10 = arith.maximumf %broadcast_in_dim3A, %max3A_9 : vector<64x1xf32>
    %div3A = vector.broadcast %max3A_10 : vector<64x1xf32> to vector<64x128xf32>
    %div3A_11 = arith.divf %dot_general3A_7, %div3A : vector<64x128xf32>
    %get3A_12 = arith.constant 0 : index
    %get3A_13 = arith.constant 0 : index
    %get3A_14 = vector.load %arg2[%get3A_12, %get3A_13] : memref<128x128xf32, #tpu.memory_space<vmem>>, vector<128x128xf32>
    %dot_general3A_15 = arith.constant dense<0.000000e+00> : vector<64x128xf32>
    %dot_general3A_16 = tpu.matmul %div3A_11, %get3A_14, %dot_general3A_15 {dimension_numbers = #tpu.dot_dimension_numbers<[1], [0], [0], [1], [0, 0, 1, 1], [], []>, transpose_lhs_hint = false} : vector<64x128xf32>, vector<128x128xf32>, vector<64x128xf32> -> vector<64x128xf32>
    %get3A_17 = arith.constant 0 : index
    %get3A_18 = arith.constant 0 : index
    %get3A_19 = vector.load %arg3[%get3A_17, %get3A_18] : memref<1x128xf32, #tpu.memory_space<vmem>>, vector<1x128xf32>
    %add3A = vector.broadcast %get3A_19 : vector<1x128xf32> to vector<64x128xf32>
    %add3A_20 = arith.addf %dot_general3A_16, %add3A : vector<64x128xf32>
    %swap3A = arith.constant 0 : index
    %swap3A_21 = arith.constant 0 : index
    %swap3A_22 = vector.load %arg4[%swap3A, %swap3A_21] : memref<64x128xf32, #tpu.memory_space<vmem>>, vector<64x128xf32>
    tpu.vector_store %arg4[%swap3A, %swap3A_21], %add3A_20 {strides = array<i32>} : memref<64x128xf32, #tpu.memory_space<vmem>>, vector<64x128xf32>,
    return
  }
}

</mosaic_0001>

<sc_bundles>
// kernel: kernel.10.cloned.1.call-start
scs
__scs_entry_jumppad:
0x0: {  	(pc) =	sbr.rel $0x88, $3  }
0x1: {  	(tag) =	ssettag $0x0;
	lr =	simm.s32 $0x1  }
0x2: {  	[smem:$0x3F90] =	sst lr;
	_ =	strace $0xD0000000  }
0x3: {  	_ = 	snop  }
0x4: {  	_ = 	snop  }
0x5: {  	_ = 	snop  }
0x6: {  	_ = 	snop  }
0x7: {  	_ = 	snop  }
__scs_overlays_trampoline_lowered:
0x8: {  	[smem:$0x3F9F] =	sst s0  }
0x9: {  	[smem:$0x3FA0] =	sst s1  }
0xa: {  	[smem:$0x3FA1] =	sst s2  }
0xb: {  	[smem:$0x3FA2] =	sst s3  }
0xc: {  	[smem:$0x3FA3] =	sst s4  }
0xd: {  	[smem:$0x3FA4] =	sst s5  }
0xe: {  	[smem:$0x3FA5] =	sst s6  }
0xf: {  	[smem:$0x3FA6] =	sst s7  }
0x10: {  	[smem:$0x3FA7] =	sst s8  }
0x11: {  	[smem:$0x3FA8] =	sst s9;
	s0 =	simm.s32 @!p0 $0x0  }
0x12: {  	s1 =	sld [smem:$0x3F8E];
	s0 =	simm.s32 @p0 $0x1  }
0x13: {  	[smem:$0x3FA9] =	sst s0;
	s0 =	simm.s32 @!p1 $0x0  }
0x14: {  	s2 =	sld [smem:$0x3F8D];
	s0 =	simm.s32 @p1 $0x1  }
0x15: {  	[smem:$0x3FAA] =	sst s0;
	s0 =	simm.s32 @!p2 $0x0  }
0x16: {  	s3 =	sld [smem:$0x3FDB];
	s0 =	simm.s32 @p2 $0x1  }
0x17: {  	s4 =	simm.s32 $0x1BF5;
	[smem:$0x3FAC] =	sst s0  }
0x18: {  	s0 =	sld [smem:$0x3F8F];
	_ =	swait.ge [sflag:s4], $0x0  }
0x19: {  	s7 =	sld [smem:$0x3F90]  }
0x1a: {  	s8 =	sadd.s32 $0xFFFFE003, lr  }
0x1b: {  	s9 =	sadd.s32 $0xFFFFFEF7, lr;
	s5 =	simm.s32 $0xFFFFFFFF;
	p2 =	slt.u32 s8, $0xFFFFF086  }
0x1c: {  	p1 =	slt.u32 s9, $0xF7A;
	s5 =	simm.s32 @!p2 $0x0  }
0x1d: {  	s5 =	simm.s32 @p1 $0x1;
	p0 =	seq.s32 s7, s2  }
0x1e: {  	s7 =	smul.u32 @!p0 $0xF7A, s2;
	p2 =	seq.s32 @!p0 s5, $0x0  }
0x1f: {  	s9 =	smul.u32 $0xF7A, s1;
	s8 =	simm.s32 @!p0 $0x1BF5;
	p2 =	por !p2, p0  }
0x20: {  	[sflag:s8] =	ssyncset.s32 @!p0 $0xFFFFF086;
	s6 =	sadd.s32 @!p0 s3, s7;
	s7 =	simm.s32 @!p0 $0x108  }
0x21: {  	s3 =	sadd.s32 s3, s9;
	s6 =	sadd.s32 @!p0 $0x88, s6;
	s7 =	simm.s32 @p2 $0x1082  }
0x22: {  	[simem:s7], [sflag:s8] =	dma.local @!p0 [hbm:s6], $0xF7A  }
0x23: {  	s9 =	sor.u32 $0xD0000000, s2;
	s6 =	simm.s32 $0x108;
	_ =	swait.ge @!p0 [sflag:s8], $0x0  }
0x24: {  	s3 =	sadd.s32 $0x88, s3;
	s6 =	simm.s32 @!p1 $0x1082;
	[sflag:s4] =	ssyncset.s32 $0xFFFFF086  }
0x25: {  	[simem:s6], [sflag:s4] =	dma.local [hbm:s3], $0xF7A  }
0x26: {  	[smem:$0x3F90] =	sst s1;
	(tag) =	ssettag s2;
	_ =	strace s9  }
0x27: {  	s1 =	sld [smem:$0x3FA0]  }
0x28: {  	s2 =	sld [smem:$0x3FA1]  }
0x29: {  	s4 =	sld [smem:$0x3FA3]  }
0x2a: {  	p0 =	seq.s32 s5, $0x0;
	s5 =	sld [smem:$0x3FA4]  }
0x2b: {  	s6 =	sld [smem:$0x3FA5]  }
0x2c: {  	s7 =	sld [smem:$0x3FA6]  }
0x2d: {  	s3 =	simm.s32 $0x108;
	s8 =	sld [smem:$0x3FA7]  }
0x2e: {  	s3 =	simm.s32 @!p0 $0x1082;
	s9 =	sld [smem:$0x3FA8]  }
0x2f: {  	lr =	sadd.s32 s0, s3;
	s0 =	sld [smem:$0x3F9F]  }
0x30: {  	s3 =	sld [smem:$0x3FA2]  }
0x31: {  	[smem:$0x3FAB] =	sst s10  }
0x32: {  	s10 =	sld [smem:$0x3FA9];
	_ =	sdelay $0x3  }
0x33: {  	p0 =	seq.s32 s10, $0x1;
	s10 =	sld [smem:$0x3FAB];
	_ =	sdelay $0x3  }
0x34: {  	[smem:$0x3FAB] =	sst s10  }
0x35: {  	s10 =	sld [smem:$0x3FAA];
	_ =	sdelay $0x3  }
0x36: {  	p1 =	seq.s32 s10, $0x1;
	s10 =	sld [smem:$0x3FAB];
	_ =	sdelay $0x3  }
0x37: {  	[smem:$0x3FAB] =	sst s10  }
0x38: {  	s10 =	sld [smem:$0x3FAC]  }
0x39: {  	_ = 	snop;
	(pc) =	sbr.ind lr, $3  }
0x3a: {  	_ = 	snop  }
0x3b: {  	_ = 	snop  }
0x3c: {  	p2 =	seq.s32 s10, $0x1;
	s10 =	sld [smem:$0x3FAB]  }
0x3d: {  	_ =	shalt  }
0x3e: {  	_ =	shalt  }
0x3f: {  	_ =	shalt  }
0x40: {  	_ =	shalt  }
0x41: {  	_ =	shalt  }
0x42: {  	_ =	shalt  }
0x43: {  	_ =	shalt  }
0x44: {  	_ =	shalt  }
0x45: {  	_ =	shalt  }
0x46: {  	_ =	shalt  }
0x47: {  	_ =	shalt  }
0x48: {  	_ =	shalt  }
0x49: {  	_ =	shalt  }
0x4a: {  	_ =	shalt  }
0x4b: {  	_ =	shalt  }
0x4c: {  	_ =	shalt  }
0x4d: {  	_ =	shalt  }
0x4e: {  	_ =	shalt  }
0x4f: {  	_ =	shalt  }
0x50: {  	_ =	shalt  }
0x51: {  	_ =	shalt  }
0x52: {  	_ =	shalt  }
0x53: {  	_ =	shalt  }
0x54: {  	_ =	shalt  }
0x55: {  	_ =	shalt  }
0x56: {  	_ =	shalt  }
0x57: {  	_ =	shalt  }
0x58: {  	_ =	shalt  }
0x59: {  	_ =	shalt  }
0x5a: {  	_ =	shalt  }
0x5b: {  	_ =	shalt  }
0x5c: {  	_ =	shalt  }
0x5d: {  	_ =	shalt  }
0x5e: {  	_ =	shalt  }
0x5f: {  	_ =	shalt  }
0x60: {  	_ =	shalt  }
0x61: {  	_ =	shalt  }
0x62: {  	_ =	shalt  }
0x63: {  	_ =	shalt  }
0x64: {  	_ =	shalt  }
0x65: {  	_ =	shalt  }
0x66: {  	_ =	shalt  }
0x67: {  	_ =	shalt  }
0x68: {  	_ =	shalt  }
0x69: {  	_ =	shalt  }
0x6a: {  	_ =	shalt  }
0x6b: {  	_ =	shalt  }
0x6c: {  	_ =	shalt  }
0x6d: {  	_ =	shalt  }
0x6e: {  	_ =	shalt  }
0x6f: {  	_ =	shalt  }
0x70: {  	_ =	shalt  }
0x71: {  	_ =	shalt  }
0x72: {  	_ =	shalt  }
0x73: {  	_ =	shalt  }
0x74: {  	_ =	shalt  }
0x75: {  	_ =	shalt  }
0x76: {  	_ =	shalt  }
0x77: {  	_ =	shalt  }
0x78: {  	_ =	shalt  }
0x79: {  	_ =	shalt  }
0x7a: {  	_ =	shalt  }
0x7b: {  	_ =	shalt  }
0x7c: {  	_ =	shalt  }
0x7d: {  	_ =	shalt  }
0x7e: {  	_ =	shalt  }
0x7f: {  	_ =	shalt  }
0x80: {  	_ =	shalt  }
0x81: {  	_ =	shalt  }
0x82: {  	_ =	shalt  }
0x83: {  	_ =	shalt  }
0x84: {  	_ =	shalt  }
0x85: {  	_ =	shalt  }
0x86: {  	_ =	shalt  }
0x87: {  	_ =	shalt  }
.Lfunc_end0:
.L_simem_size_0:
called_computation.1_lowered:
.L_overlay_start_0:
0x88: {  	s2 =	sld [smem:$0x3FD9]  }
0x89: {  	s3 =	sld [smem:$0x3FFE];
	_ =	sdelay $0x1  }
0x8a: {  	s1 =	srdreg.scid  }
0x8b: {  	s0 =	sand.u32 $0x1, s1  }
0x8c: {  	s16 =	sshll.u32 s0, $0xA;
	s2 =	sadd.s32 s3, s2  }
0x8d: {  	s2 =	sadd.s32 s2, s16  }
0x8e: {  	[smem:$0x3FB7] =	sst s2  }
0x8f: {  	_ = 	snop  }
0x90: {  	(tm) =	ssettm $0x1  }
0x91: {  	s17 =	sld [smem:$0x3FFB];
	_ =	sdelay $0x3  }
0x92: {  	_ =	strace s17  }
0x93: {  	s2 =	sld [smem:$0x3FFC];
	_ =	sdelay $0x3  }
0x94: {  	_ =	strace s2  }
0x95: {  	s2 =	sld [smem:$0x3FFD];
	_ =	sdelay $0x3  }
0x96: {  	_ =	strace s2  }
0x97: {  	_ =	strace $0x8FFFFFFF  }
0x98: {  	s18 =	sld [smem:$0x3FDB];
	_ =	sdelay $0x1  }
0x99: {  	s19 =	simm.s32 $_scs_section_size  }
0x9a: {  	s4 =	simm.s32 $_size__tile_overlayer_lowered;
	s5 =	simm.s32 $_tile_overlayer_lowered  }
0x9b: {  	s22 =	simm.s32 $0x1BFF;
	s21 =	sshll.u32 s5, $0x1;
	s2 =	sadd.s32 s19, s18  }
0x9c: {  	s6 =	simm.s32 $0x0;
	s20 =	sshll.u32 s4, $0x1;
	s4 =	sadd.s32 s21, s2  }
0x9d: {  	[timem:s6], [sflag:s22] =	dma.local [hbm:s4], s20  }
0x9e: {  	_ =	swait.ge [sflag:s22], s20  }
0x9f: {  	s3 =	ssub.s32 $0x0, s20;
	[sflag:s22] =	ssyncset.done $0x0  }
0xa0: {  	[sflag:s22] =	ssyncadd.s32 s3;
	_ =	sdelay $0x1  }
0xa1: {  	s23 =	simm.s32 $0x1B8B  }
0xa2: {  	_ =	swait.ge [sflag:s23], $0x1  }
0xa3: {  	[sflag:s23] =	ssyncset.done $0x0  }
0xa4: {  	s25 =	simm.s32 $0x1B8E;
	s24 =	sld [smem:$0x3FFE];
	[sflag:s23] =	ssyncadd.s32 $0xFFFFFFFF  }
0xa5: {  	s26 =	simm.s32 $execute0_lowered;
	[smem:$0x3FD2] =	sst s25  }
0xa6: {  	s4 =	sshll.u32 s26, $0x1;
	_ =	strace $0x80000049;
	[dreg:$0x1] =	wrdreg $0xFFFFFFFF  }
0xa7: {  	s28 =	simm.s32 $_size_execute0_lowered;
	s2 =	sadd.s32 s2, s4;
	[dreg:$0x0] =	wrdreg $0x0  }
0xa8: {  	s4 =	sshll.u32 s28, $0x1;
	[dreg:$0x2] =	wrdreg s2  }
0xa9: {  	[dreg:$0x3] =	wrdreg s4  }
0xaa: {  	[dreg:$0x4] =	wrdreg $0xC0  }
0xab: {  	_ =	task [dreg:s6], $0x5FFFF  }
0xac: {  	[dreg:$0x1] =	wrdreg $0xFFFFFFFF  }
0xad: {  	[dreg:$0x0] =	wrdreg $0x60  }
0xae: {  	[dreg:$0x2] =	wrdreg s24  }
0xaf: {  	[dreg:$0x3] =	wrdreg $0x0  }
0xb0: {  	[dreg:$0x4] =	wrdreg $0x9  }
0xb1: {  	_ =	task.clear_ibuf [dreg:s6], $0x5FFFF;
	_ =	strace $0x90000049  }
0xb2: {  	s29 =	simm.s32 $0x9;
	_ =	strace $0x8000004B  }
0xb3: {  	_ =	swait.ge [sflag:s29], $0x1  }
0xb4: {  	[sflag:s29] =	ssyncadd.s32 $0xFFFFFFFF  }
0xb5: {  	_ =	strace $0x9000004B  }
0xb6: {  	_ =	sfence  }
0xb7: {  	s30 =	sld [smem:$0x0];
	_ =	sdelay $0x2  }
0xb8: {  	s31 =	sshll.u32 s1, $0xD;
	s1 =	sshrl.u32 s1, $0x2  }
0xb9: {  	s3 =	sand.u32 $0x4000, s31;
	s1 =	sadd.s32 s1, s30  }
0xba: {  	s0 =	sor.u32 s3, s0;
	s1 =	sshll.u32 s1, $0x11  }
0xbb: {  	s0 =	sor.u32 s1, s0  }
0xbc: {  	s0 =	sadd.s32 $0x8F2B, s0  }
0xbd: {  	[sflag:s0] =	ssyncadd.remote.s32 $0x1  }
0xbe: {  	_ =	sfence.sel $0xFFFF  }
0xbf: {  	[dreg:$0x0] =	wrdreg $0xFFFFFFFF;
	(pc) =	sbr.abs _section_cstart, $3  }
0xc0: {  	[dreg:$0x1] =	wrdreg $0xFFFFFFFF  }
0xc1: {  	_ =	task.clear_ibuf [dreg:s6], $0x2FFFF;
	_ =	strace $0x9FFFFFFF  }
0xc2: {  	(tm) =	ssettm $0x7FFFFFFF  }
0xc3: {  	_ =	shalt  }
tec
execute0_lowered:
.L_overlay_start_1:
0x0: {  	(tag) =	ssettag $0x1  }
0x1: {  	s0 =	rddreg [dreg:$0x0]  }
0x2: {  	s1 =	rddreg [dreg:$0x1];
	s3 =	simm.s32 $0x0  }
0x3: {  	s2 =	srdreg.scid;
	s13 =	stileid.u32;
	s29 =	simm.s32 $0x9  }
0x4: {  	s30 =	simm.s32 $0x15080;
	s31 =	simm.s32 $0x15280;
	[smem:$0x7FF] =	sst s3  }
0x5: {  	s2 =	sand.u32 $0x1, s2;
	s6 =	sshll.u32 s13, $0x1;
	s4 =	sadd.s32 $0x16A00, s0  }
0x6: {  	s5 =	sadd.s32 $0xCC00, s0;
	s25 =	sadd.s32 $0x138000, s1;
	s14 =	smul.u32 $0x4E000, s13  }
0x7: {  	s11 =	smul.u32 $0x4E20, s13;
	p0 =	sne.s32 s13, $0xF;
	_ =	strace $0x8000004A  }
0x8: {  	s7 =	sor.u32 s2, s6;
	s6 =	sadd.s32 $0x2E00, s0;
	s10 =	smul.u32 $0x138800, s2  }
0x9: {  	s8 =	ssub.s32 $0x2, s2;
	s0 =	sadd.s32 $0x3DC00, s0;
	s15 =	smul.u32 $0x2710, s2  }
0xa: {  	s2 =	smul.u32 $0x27100, s2;
	s9 =	sshrl.u32 s8, $0x1;
	s17 =	sshrl.u32 s14, $0x2  }
0xb: {  	[dreg:$0x9] =	wrdreg s25;
	s8 =	ssub.s32 s8, s9;
	s28 =	sadd.s32 s17, s1  }
0xc: {  	s7 =	smul.u32 $0x2710, s7;
	s8 =	smax.u32 s8, $0x1;
	[dreg:$0xe] =	wrdreg s28  }
0xd: {  	s10 =	sshrl.u32 s10, $0x3;
	s18 =	sadd.s32 $0x1800, s28;
	[dreg:$0xd] =	wrdreg s8  }
0xe: {  	s7 =	sshrl.u32 s7, $0x3;
	s19 =	sadd.s32 $0x3000, s28;
	[dreg:$0xf] =	wrdreg s18  }
0xf: {  	s10 =	sadd.s32 s0, s10;
	s21 =	sadd.s32 $0x4800, s28;
	[dreg:$0x10] =	wrdreg s19  }
0x10: {  	s22 =	sadd.s32 $0x6000, s28;
	s23 =	sadd.s32 $0x7800, s28;
	[dreg:$0x11] =	wrdreg s21  }
0x11: {  	s17 =	sadd.s32 $0xC000, s28;
	s0 =	sadd.s32 s2, s0;
	[dreg:$0x12] =	wrdreg s22  }
0x12: {  	s2 =	simm.s32 $0x15480;
	s12 =	sadd.s32 s5, s7;
	[dreg:$0x13] =	wrdreg s23  }
0x13: {  	s7 =	sadd.s32 s6, s7;
	s16 =	sadd.s32 $0x27000, s10;
	[dreg:$0x16] =	wrdreg s17  }
0x14: {  	s19 =	smul.u32 $0x2700, s13;
	s21 =	sadd.s32 $0xF000, s28;
	[dreg:$0xa] =	wrdreg s12  }
0x15: {  	s22 =	sadd.s32 $0x10800, s28;
	s10 =	simm.s32 $0x17C80;
	[dreg:$0xb] =	wrdreg s7  }
0x16: {  	s17 =	simm.s32 $0x2;
	s13 =	simm.s32 $0x0;
	[dreg:$0xc] =	wrdreg s16  }
0x17: {  	s7 =	sadd.s32 s15, s11;
	s12 =	sadd.s32 $0x9000, s28;
	[dreg:$0x18] =	wrdreg s21  }
0x18: {  	s15 =	sadd.s32 $0xA800, s28;
	[dreg:$0x19] =	wrdreg s22;
	s21 =	simm.s32 $0x3  }
0x19: {  	s22 =	simm.s32 $0x5;
	s20 =	sadd.s32 $0xF0, s7;
	[dreg:$0x14] =	wrdreg s12  }
0x1a: {  	s26 =	sadd.s32 $0xA0, s7;
	[dreg:$0x15] =	wrdreg s15;
	s16 =	sadd.s32 $0x50, s7  }
0x1b: {  	s23 =	sadd.s32 s19, s0;
	s8 =	sshrl.u32 s20, $0x3;
	s20 =	sadd.s32 $0xD800, s28  }
0x1c: {  	s11 =	sshrl.u32 s26, $0x3;
	s26 =	sadd.s32 $0x12000, s28;
	[dreg:$0x17] =	wrdreg s20  }
0x1d: {  	s0 =	simm.s32 $0x50;
	s24 =	sadd.s32 s8, s6;
	[dreg:$0x1b] =	wrdreg s26  }
0x1e: {  	s15 =	simm.s32 $0x15380;
	s8 =	sadd.s32 s8, s5;
	[dreg:$0x3] =	wrdreg s24  }
0x1f: {  	s19 =	simm.s32 $0x15400;
	s14 =	sadd.s32 s11, s6;
	[dreg:$0x4] =	wrdreg s8  }
0x20: {  	s9 =	sadd.s32 s11, s5;
	s11 =	simm.s32 $0x1;
	[dreg:$0x5] =	wrdreg s14  }
0x21: {  	s20 =	simm.s32 $0x1CC80;
	s8 =	sshrl.u32 s16, $0x3;
	[dreg:$0x6] =	wrdreg s9  }
0x22: {  	s24 =	sadd.s32 $0x140, s7;
	s9 =	simm.s32 $0x15300;
	s14 =	simm.s32 $0x15180  }
0x23: {  	s16 =	simm.s32 $0x1A480;
	s18 =	sadd.s32 s8, s6;
	[dreg:$0x1a] =	wrdreg s24  }
0x24: {  	s8 =	sadd.s32 s8, s5;
	s24 =	simm.s32 $0x4;
	[dreg:$0x7] =	wrdreg s18  }
0x25: {  	v0 =	vimm.f32 $0.0e+00;
	[dreg:$0x8] =	wrdreg s8;
	s8 =	simm.s32 $0x15100;
	s18 =	simm.s32 $0x15200  }
.LBB2_1:
0x26: {  	[dreg:$0x1c] =	wrdreg s13;
	s7 =	simm.s32 $0x70;
	s12 =	simm.s32 $0x3C0  }
.LBB2_2:
0x27: {  	p1 =	sne.s32 s12, $0x5FC0;
	[tilespmem:s7+$0x13880] =	vst v0  }
0x28: {  	[tilespmem:s7+$0x13810] =	vst v0  }
0x29: {  	[tilespmem:s7+$0x13820] =	vst v0  }
.Ltmp0:
0x2a: {  	[tilespmem:s7+$0x13830] =	vst v0;
	(pc) =	sbr.rel @p1 .LBB2_2-.Ltmp0, $4  }
0x2b: {  	[tilespmem:s7+$0x13840] =	vst v0  }
0x2c: {  	[tilespmem:s7+$0x13850] =	vst v0  }
0x2d: {  	[tilespmem:s7+$0x13860] =	vst v0  }
0x2e: {  	[tilespmem:s7+$0x13870] =	vst v0;
	s7 =	sshra.s32 s12, $0x2;
	s12 =	sadd.s32 $0x200, s12  }
0x2f: {  	[tilespmem:s7+$0x13880] =	vst v0  }
0x30: {  	[tilespmem:s7+$0x13810] =	vst v0  }
0x31: {  	[tilespmem:s7+$0x13820] =	vst v0  }
0x32: {  	[tilespmem:s7+$0x13830] =	vst v0  }
0x33: {  	[tilespmem:s7+$0x13840] =	vst v0  }
0x34: {  	[tilespmem:s7+$0x13850] =	vst v0  }
0x35: {  	[tilespmem:s7+$0x13860] =	vst v0  }
0x36: {  	[tilespmem:s7+$0x13870] =	vst v0;
	s12 =	simm.s32 $0x13880  }
0x37: {  	[spmem:s28] =	stream.linear.scatter [tilespmem:s12], [sflag:$0x9], $0x1800, $0x38;
	[tilespmem:$0x1F480] =	vst v63  }
0x38: {  	_ =	swait.ge [sflag:s29], $0x1800  }
0x39: {  	[sflag:s29] =	ssyncset.done $0x0  }
0x3a: {  	s28 =	rddreg [dreg:$0xf];
	[sflag:s29] =	ssyncadd.s32 $0xFFFFE800  }
0x3b: {  	[spmem:s28] =	stream.linear.scatter [tilespmem:s12], [sflag:$0x9], $0x1800, $0x38;
	[tilespmem:$0x1F480] =	vst v63  }
0x3c: {  	_ =	swait.ge [sflag:s29], $0x1800  }
0x3d: {  	[sflag:s29] =	ssyncset.done $0x0  }
0x3e: {  	s13 =	rddreg [dreg:$0x10];
	[sflag:s29] =	ssyncadd.s32 $0xFFFFE800  }
0x3f: {  	[spmem:s13] =	stream.linear.scatter [tilespmem:s12], [sflag:$0x9], $0x1800, $0x38;
	[tilespmem:$0x1F480] =	vst v63  }
0x40: {  	_ =	swait.ge [sflag:s29], $0x1800  }
0x41: {  	[sflag:s29] =	ssyncset.done $0x0  }
0x42: {  	s26 =	rddreg [dreg:$0x11];
	[sflag:s29] =	ssyncadd.s32 $0xFFFFE800  }
0x43: {  	[spmem:s26] =	stream.linear.scatter [tilespmem:s12], [sflag:$0x9], $0x1800, $0x38;
	[tilespmem:$0x1F480] =	vst v63  }
0x44: {  	_ =	swait.ge [sflag:s29], $0x1800  }
0x45: {  	[sflag:s29] =	ssyncset.done $0x0  }
0x46: {  	s28 =	rddreg [dreg:$0x12];
	[sflag:s29] =	ssyncadd.s32 $0xFFFFE800  }
0x47: {  	[spmem:s28] =	stream.linear.scatter [tilespmem:s12], [sflag:$0x9], $0x1800, $0x38;
	[tilespmem:$0x1F480] =	vst v63  }
0x48: {  	_ =	swait.ge [sflag:s29], $0x1800  }
0x49: {  	[sflag:s29] =	ssyncset.done $0x0  }
0x4a: {  	s13 =	rddreg [dreg:$0x13];
	[sflag:s29] =	ssyncadd.s32 $0xFFFFE800  }
0x4b: {  	[spmem:s13] =	stream.linear.scatter [tilespmem:s12], [sflag:$0x9], $0x1800, $0x38;
	[tilespmem:$0x1F480] =	vst v63  }
0x4c: {  	_ =	swait.ge [sflag:s29], $0x1800  }
0x4d: {  	[sflag:s29] =	ssyncset.done $0x0  }
0x4e: {  	s26 =	rddreg [dreg:$0x14];
	[sflag:s29] =	ssyncadd.s32 $0xFFFFE800  }
0x4f: {  	[spmem:s26] =	stream.linear.scatter [tilespmem:s12], [sflag:$0x9], $0x1800, $0x38;
	[tilespmem:$0x1F480] =	vst v63  }
0x50: {  	_ =	swait.ge [sflag:s29], $0x1800  }
0x51: {  	[sflag:s29] =	ssyncset.done $0x0  }
0x52: {  	s28 =	rddreg [dreg:$0x15];
	[sflag:s29] =	ssyncadd.s32 $0xFFFFE800  }
0x53: {  	[spmem:s28] =	stream.linear.scatter [tilespmem:s12], [sflag:$0x9], $0x1800, $0x38;
	[tilespmem:$0x1F480] =	vst v63  }
0x54: {  	_ =	swait.ge [sflag:s29], $0x1800  }
0x55: {  	[sflag:s29] =	ssyncset.done $0x0  }
0x56: {  	s13 =	rddreg [dreg:$0x16];
	[sflag:s29] =	ssyncadd.s32 $0xFFFFE800  }
0x57: {  	[spmem:s13] =	stream.linear.scatter [tilespmem:s12], [sflag:$0x9], $0x1800, $0x38;
	[tilespmem:$0x1F480] =	vst v63  }
0x58: {  	_ =	swait.ge [sflag:s29], $0x1800  }
0x59: {  	[sflag:s29] =	ssyncset.done $0x0  }
0x5a: {  	s26 =	rddreg [dreg:$0x17];
	[sflag:s29] =	ssyncadd.s32 $0xFFFFE800  }
0x5b: {  	[spmem:s26] =	stream.linear.scatter [tilespmem:s12], [sflag:$0x9], $0x1800, $0x38;
	[tilespmem:$0x1F480] =	vst v63  }
0x5c: {  	_ =	swait.ge [sflag:s29], $0x1800  }
0x5d: {  	[sflag:s29] =	ssyncset.done $0x0  }
0x5e: {  	s28 =	rddreg [dreg:$0x18];
	[sflag:s29] =	ssyncadd.s32 $0xFFFFE800  }
0x5f: {  	[spmem:s28] =	stream.linear.scatter [tilespmem:s12], [sflag:$0x9], $0x1800, $0x38;
	[tilespmem:$0x1F480] =	vst v63  }
0x60: {  	_ =	swait.ge [sflag:s29], $0x1800  }
0x61: {  	[sflag:s29] =	ssyncset.done $0x0  }
0x62: {  	s13 =	rddreg [dreg:$0x19];
	[sflag:s29] =	ssyncadd.s32 $0xFFFFE800  }
0x63: {  	[spmem:s13] =	stream.linear.scatter [tilespmem:s12], [sflag:$0x9], $0x1800, $0x38;
	[tilespmem:$0x1F480] =	vst v63  }
0x64: {  	_ =	swait.ge [sflag:s29], $0x1800  }
0x65: {  	[sflag:s29] =	ssyncset.done $0x0  }
0x66: {  	s26 =	rddreg [dreg:$0x1b];
	[sflag:s29] =	ssyncadd.s32 $0xFFFFE800  }
0x67: {  	[spmem:s26] =	stream.linear.scatter [tilespmem:s12], [sflag:$0x9], $0x1800, $0x38;
	[tilespmem:$0x1F480] =	vst v63  }
0x68: {  	_ =	swait.ge [sflag:s29], $0x1800  }
0x69: {  	[sflag:s29] =	ssyncset.done $0x0  }
0x6a: {  	s7 =	simm.s32 @!p0 $0x13880;
	[sflag:s29] =	ssyncadd.s32 $0xFFFFE800  }
0x6b: {  	[spmem:s25] =	stream.linear.scatter @!p0 [tilespmem:s7], [sflag:$0x9], $0x800, $0x38;
	[tilespmem:$0x1F480] =	vst v63  }
0x6c: {  	s7 =	simm.s32 @!p0 $0x9  }
0x6d: {  	_ =	swait.ge @!p0 [sflag:s7], $0x800  }
0x6e: {  	[sflag:s7] =	ssyncset.done @!p0 $0x0  }
0x6f: {  	s28 =	simm.s32 $0x0;
	s13 =	rddreg [dreg:$0xa];
	[sflag:s7] =	ssyncadd.s32 @!p0 $0xFFFFF800  }
0x70: {  	[tilespmem:s30], [sflag:$0x9] =	stream.linear.gather [hbm4b:s13+s28], $0x50, $0x38;
	[tilespmem:$0x1F480] =	vst v63  }
0x71: {  	_ =	swait.ge [sflag:s29], $0x50  }
0x72: {  	[sflag:s29] =	ssyncset.done $0x0  }
0x73: {  	s25 =	rddreg [dreg:$0xb];
	[sflag:s29] =	ssyncadd.s32 $0xFFFFFFB0  }
0x74: {  	[tilespmem:s31], [sflag:$0x9] =	stream.linear.gather [hbm4b:s25+s28], $0x50, $0x38;
	[tilespmem:$0x1F480] =	vst v63  }
0x75: {  	_ =	swait.ge [sflag:s29], $0x50  }
0x76: {  	[sflag:s29] =	ssyncset.done $0x0  }
0x77: {  	p1 =	por $0x1, $0x1;
	[sflag:s29] =	ssyncadd.s32 $0xFFFFFFB0  }
0x78: {  	[tilespmem:s2], [sflag:$0x1] =	stream.indirect.gather [hbm4b:s4+s0], $0x80, s30, s0, $0xb8;
	[tilespmem:$0x1F480] =	vst v63  }
0x79: {  	s7 =	simm.s32 @!p1 $0x6;
	[bflag:$0x0] =	sbarrier.arrive $0xFFFF  }
0x7a: {  	_ =	swait.ge @!p1 [sflag:s7], $0x2800  }
0x7b: {  	s26 =	rddreg [dreg:$0x8];
	[sflag:s7] =	ssyncset.done @!p1 $0x0  }
0x7c: {  	[sflag:s7] =	ssyncadd.s32 @!p1 $0xFFFFD800;
	s28 =	sadd.s32 $0x0, s26  }
0x7d: {  	[tilespmem:s8], [sflag:$0x9] =	stream.linear.gather [hbm4b:s28+s3], $0x50, $0x38;
	[tilespmem:$0x1F480] =	vst v63  }
0x7e: {  	_ =	swait.ge [sflag:s29], $0x50  }
0x7f: {  	s12 =	rddreg [dreg:$0x7];
	[sflag:s29] =	ssyncset.done $0x0  }
0x80: {  	[sflag:s29] =	ssyncadd.s32 $0xFFFFFFB0;
	s7 =	sadd.s32 $0x0, s12  }
0x81: {  	[tilespmem:s9], [sflag:$0x9] =	stream.linear.gather [hbm4b:s7+s3], $0x50, $0x38;
	[tilespmem:$0x1F480] =	vst v63  }
0x82: {  	_ =	swait.ge [sflag:s29], $0x50  }
0x83: {  	[sflag:s29] =	ssyncset.done $0x0  }
0x84: {  	[sflag:s29] =	ssyncadd.s32 $0xFFFFFFB0  }
0x85: {  	[tilespmem:s10], [sflag:$0x2] =	stream.indirect.gather [hbm4b:s4+s0], $0x80, s8, s0, $0xb8;
	[tilespmem:$0x1F480] =	vst v63  }
0x86: {  	_ =	swait.ge [sflag:s11], $0x2800  }
0x87: {  	[sflag:s11] =	ssyncset.done $0x0  }
0x88: {  	s7 =	simm.s32 @!p1 $0x7;
	[sflag:s11] =	ssyncadd.s32 $0xFFFFD800  }
0x89: {  	[spmem:s1] =	stream.indirect.scatter.add.f32 [tilespmem:s2], [sflag:$0x5], $0x80, s31, s0, $0xb8;
	[tilespmem:$0x1F480] =	vst v63  }
0x8a: {  	_ =	swait.ge @!p1 [sflag:s7], $0x2800  }
0x8b: {  	s13 =	rddreg [dreg:$0x6];
	[sflag:s7] =	ssyncset.done @!p1 $0x0  }
0x8c: {  	[sflag:s7] =	ssyncadd.s32 @!p1 $0xFFFFD800;
	s25 =	sadd.s32 $0x0, s13  }
0x8d: {  	[tilespmem:s14], [sflag:$0x9] =	stream.linear.gather [hbm4b:s25+s3], $0x50, $0x38;
	[tilespmem:$0x1F480] =	vst v63  }
0x8e: {  	_ =	swait.ge [sflag:s29], $0x50  }
0x8f: {  	s26 =	rddreg [dreg:$0x5];
	[sflag:s29] =	ssyncset.done $0x0  }
0x90: {  	[sflag:s29] =	ssyncadd.s32 $0xFFFFFFB0;
	s7 =	sadd.s32 $0x0, s26  }
0x91: {  	[tilespmem:s15], [sflag:$0x9] =	stream.linear.gather [hbm4b:s7+s3], $0x50, $0x38;
	[tilespmem:$0x1F480] =	vst v63  }
0x92: {  	_ =	swait.ge [sflag:s29], $0x50  }
0x93: {  	[sflag:s29] =	ssyncset.done $0x0  }
0x94: {  	[sflag:s29] =	ssyncadd.s32 $0xFFFFFFB0  }
0x95: {  	[tilespmem:s16], [sflag:$0x3] =	stream.indirect.gather [hbm4b:s4+s0], $0x80, s14, s0, $0xb8;
	[tilespmem:$0x1F480] =	vst v63  }
0x96: {  	_ =	swait.ge [sflag:s17], $0x2800  }
0x97: {  	[sflag:s17] =	ssyncset.done $0x0  }
0x98: {  	s7 =	simm.s32 @!p1 $0x8;
	[sflag:s17] =	ssyncadd.s32 $0xFFFFD800  }
0x99: {  	[spmem:s1] =	stream.indirect.scatter.add.f32 [tilespmem:s10], [sflag:$0x6], $0x80, s9, s0, $0xb8;
	[tilespmem:$0x1F480] =	vst v63  }
0x9a: {  	_ =	swait.ge @!p1 [sflag:s7], $0x2800  }
0x9b: {  	s28 =	rddreg [dreg:$0x4];
	[sflag:s7] =	ssyncset.done @!p1 $0x0  }
0x9c: {  	[sflag:s7] =	ssyncadd.s32 @!p1 $0xFFFFD800;
	s12 =	sadd.s32 $0x0, s28  }
0x9d: {  	[tilespmem:s18], [sflag:$0x9] =	stream.linear.gather [hbm4b:s12+s3], $0x50, $0x38;
	[tilespmem:$0x1F480] =	vst v63  }
0x9e: {  	_ =	swait.ge [sflag:s29], $0x50  }
0x9f: {  	s13 =	rddreg [dreg:$0x3];
	[sflag:s29] =	ssyncset.done $0x0  }
0xa0: {  	[sflag:s29] =	ssyncadd.s32 $0xFFFFFFB0;
	s7 =	sadd.s32 $0x0, s13  }
0xa1: {  	[tilespmem:s19], [sflag:$0x9] =	stream.linear.gather [hbm4b:s7+s3], $0x50, $0x38;
	[tilespmem:$0x1F480] =	vst v63  }
0xa2: {  	_ =	swait.ge [sflag:s29], $0x50  }
0xa3: {  	[sflag:s29] =	ssyncset.done $0x0  }
0xa4: {  	[sflag:s29] =	ssyncadd.s32 $0xFFFFFFB0  }
0xa5: {  	[tilespmem:s20], [sflag:$0x4] =	stream.indirect.gather [hbm4b:s4+s0], $0x80, s18, s0, $0xb8;
	[tilespmem:$0x1F480] =	vst v63  }
0xa6: {  	_ =	swait.ge [sflag:s21], $0x2800  }
0xa7: {  	[sflag:s21] =	ssyncset.done $0x0  }
0xa8: {  	[sflag:s21] =	ssyncadd.s32 $0xFFFFD800  }
0xa9: {  	[spmem:s1] =	stream.indirect.scatter.add.f32 [tilespmem:s16], [sflag:$0x7], $0x80, s15, s0, $0xb8;
	[tilespmem:$0x1F480] =	vst v63  }
0xaa: {  	_ =	swait.ge [sflag:s22], $0x2800  }
0xab: {  	s26 =	rddreg [dreg:$0x1a]  }
0xac: {  	[sflag:s22] =	ssyncset.done $0x0;
	s25 =	sshrl.u32 s26, $0x3  }
0xad: {  	[sflag:s22] =	ssyncadd.s32 $0xFFFFD800;
	s28 =	sadd.s32 s5, s25  }
0xae: {  	[tilespmem:s30], [sflag:$0x9] =	stream.linear.gather [hbm4b:s28+s3], $0x50, $0x38;
	[tilespmem:$0x1F480] =	vst v63  }
0xaf: {  	_ =	swait.ge [sflag:s29], $0x50  }
0xb0: {  	[sflag:s29] =	ssyncset.done $0x0  }
0xb1: {  	s7 =	sadd.s32 s6, s25;
	[sflag:s29] =	ssyncadd.s32 $0xFFFFFFB0  }
0xb2: {  	[tilespmem:s31], [sflag:$0x9] =	stream.linear.gather [hbm4b:s7+s3], $0x50, $0x38;
	[tilespmem:$0x1F480] =	vst v63  }
0xb3: {  	_ =	swait.ge [sflag:s29], $0x50  }
0xb4: {  	[sflag:s29] =	ssyncset.done $0x0  }
0xb5: {  	[sflag:s29] =	ssyncadd.s32 $0xFFFFFFB0  }
0xb6: {  	[tilespmem:s2], [sflag:$0x1] =	stream.indirect.gather [hbm4b:s4+s0], $0x80, s30, s0, $0xb8;
	[tilespmem:$0x1F480] =	vst v63  }
0xb7: {  	p2 =	por $0x0, $0x0;
	s13 =	simm.s32 $0x28;
	_ =	swait.ge [sflag:s24], $0x2800  }
0xb8: {  	s25 =	simm.s32 $0x50;
	s7 =	sadd.s32 $0x140, s26;
	[sflag:s24] =	ssyncset.done $0x0  }
.LBB2_4:
0xb9: {  	s28 =	simm.s32 @!p2 $0x6;
	[sflag:s24] =	ssyncadd.s32 $0xFFFFD800  }
0xba: {  	[spmem:s1] =	stream.indirect.scatter.add.f32 [tilespmem:s20], [sflag:$0x8], $0x80, s19, s0, $0xb8;
	[tilespmem:$0x1F480] =	vst v63  }
0xbb: {  	_ =	swait.ge @!p2 [sflag:s28], $0x2800  }
0xbc: {  	[sflag:s28] =	ssyncset.done @!p2 $0x0;
	s26 =	rddreg [dreg:$0x8]  }
0xbd: {  	[sflag:s28] =	ssyncadd.s32 @!p2 $0xFFFFD800;
	s26 =	sadd.s32 s13, s26  }
0xbe: {  	[tilespmem:s8], [sflag:$0x9] =	stream.linear.gather [hbm4b:s26+s3], $0x50, $0x38;
	[tilespmem:$0x1F480] =	vst v63  }
0xbf: {  	_ =	swait.ge [sflag:s29], $0x50  }
0xc0: {  	s28 =	rddreg [dreg:$0x7];
	[sflag:s29] =	ssyncset.done $0x0  }
0xc1: {  	[sflag:s29] =	ssyncadd.s32 $0xFFFFFFB0;
	s26 =	sadd.s32 s13, s28  }
0xc2: {  	[tilespmem:s9], [sflag:$0x9] =	stream.linear.gather [hbm4b:s26+s3], $0x50, $0x38;
	[tilespmem:$0x1F480] =	vst v63  }
0xc3: {  	_ =	swait.ge [sflag:s29], $0x50  }
0xc4: {  	[sflag:s29] =	ssyncset.done $0x0  }
0xc5: {  	[sflag:s29] =	ssyncadd.s32 $0xFFFFFFB0  }
0xc6: {  	[tilespmem:s10], [sflag:$0x2] =	stream.indirect.gather [hbm4b:s4+s0], $0x80, s8, s0, $0xb8;
	[tilespmem:$0x1F480] =	vst v63  }
0xc7: {  	_ =	swait.ge [sflag:s11], $0x2800  }
0xc8: {  	[sflag:s11] =	ssyncset.done $0x0  }
0xc9: {  	s26 =	simm.s32 @!p2 $0x7;
	[sflag:s11] =	ssyncadd.s32 $0xFFFFD800  }
0xca: {  	[spmem:s1] =	stream.indirect.scatter.add.f32 [tilespmem:s2], [sflag:$0x5], $0x80, s31, s0, $0xb8;
	[tilespmem:$0x1F480] =	vst v63  }
0xcb: {  	_ =	swait.ge @!p2 [sflag:s26], $0x2800  }
0xcc: {  	[sflag:s26] =	ssyncset.done @!p2 $0x0;
	s28 =	rddreg [dreg:$0x6]  }
0xcd: {  	[sflag:s26] =	ssyncadd.s32 @!p2 $0xFFFFD800;
	s28 =	sadd.s32 s13, s28  }
0xce: {  	[tilespmem:s14], [sflag:$0x9] =	stream.linear.gather [hbm4b:s28+s3], $0x50, $0x38;
	[tilespmem:$0x1F480] =	vst v63  }
0xcf: {  	_ =	swait.ge [sflag:s29], $0x50  }
0xd0: {  	s28 =	rddreg [dreg:$0x5];
	[sflag:s29] =	ssyncset.done $0x0  }
0xd1: {  	[sflag:s29] =	ssyncadd.s32 $0xFFFFFFB0;
	s26 =	sadd.s32 s13, s28  }
0xd2: {  	[tilespmem:s15], [sflag:$0x9] =	stream.linear.gather [hbm4b:s26+s3], $0x50, $0x38;
	[tilespmem:$0x1F480] =	vst v63  }
0xd3: {  	_ =	swait.ge [sflag:s29], $0x50  }
0xd4: {  	[sflag:s29] =	ssyncset.done $0x0  }
0xd5: {  	[sflag:s29] =	ssyncadd.s32 $0xFFFFFFB0  }
0xd6: {  	[tilespmem:s16], [sflag:$0x3] =	stream.indirect.gather [hbm4b:s4+s0], $0x80, s14, s0, $0xb8;
	[tilespmem:$0x1F480] =	vst v63  }
0xd7: {  	_ =	swait.ge [sflag:s17], $0x2800  }
0xd8: {  	[sflag:s17] =	ssyncset.done $0x0  }
0xd9: {  	s26 =	simm.s32 @!p2 $0x8;
	[sflag:s17] =	ssyncadd.s32 $0xFFFFD800  }
0xda: {  	[spmem:s1] =	stream.indirect.scatter.add.f32 [tilespmem:s10], [sflag:$0x6], $0x80, s9, s0, $0xb8;
	[tilespmem:$0x1F480] =	vst v63  }
0xdb: {  	_ =	swait.ge @!p2 [sflag:s26], $0x2800  }
0xdc: {  	[sflag:s26] =	ssyncset.done @!p2 $0x0;
	s28 =	rddreg [dreg:$0x4]  }
0xdd: {  	[sflag:s26] =	ssyncadd.s32 @!p2 $0xFFFFD800;
	s28 =	sadd.s32 s13, s28  }
0xde: {  	[tilespmem:s18], [sflag:$0x9] =	stream.linear.gather [hbm4b:s28+s3], $0x50, $0x38;
	[tilespmem:$0x1F480] =	vst v63  }
0xdf: {  	_ =	swait.ge [sflag:s29], $0x50  }
0xe0: {  	s28 =	rddreg [dreg:$0x3];
	[sflag:s29] =	ssyncset.done $0x0  }
0xe1: {  	[sflag:s29] =	ssyncadd.s32 $0xFFFFFFB0;
	s26 =	sadd.s32 s13, s28  }
0xe2: {  	[tilespmem:s19], [sflag:$0x9] =	stream.linear.gather [hbm4b:s26+s3], $0x50, $0x38;
	[tilespmem:$0x1F480] =	vst v63  }
0xe3: {  	_ =	swait.ge [sflag:s29], $0x50  }
0xe4: {  	[sflag:s29] =	ssyncset.done $0x0  }
0xe5: {  	[sflag:s29] =	ssyncadd.s32 $0xFFFFFFB0  }
0xe6: {  	[tilespmem:s20], [sflag:$0x4] =	stream.indirect.gather [hbm4b:s4+s0], $0x80, s18, s0, $0xb8;
	[tilespmem:$0x1F480] =	vst v63  }
0xe7: {  	_ =	swait.ge [sflag:s21], $0x2800  }
0xe8: {  	[sflag:s21] =	ssyncset.done $0x0  }
0xe9: {  	[sflag:s21] =	ssyncadd.s32 $0xFFFFD800  }
0xea: {  	[spmem:s1] =	stream.indirect.scatter.add.f32 [tilespmem:s16], [sflag:$0x7], $0x80, s15, s0, $0xb8;
	[tilespmem:$0x1F480] =	vst v63  }
0xeb: {  	s12 =	smov.u32 s25;
	_ =	swait.ge [sflag:s22], $0x2800  }
0xec: {  	s13 =	smov.u32 s12;
	s12 =	sshrl.u32 s7, $0x3;
	[sflag:s22] =	ssyncset.done $0x0  }
0xed: {  	s28 =	sadd.s32 s5, s12;
	[sflag:s22] =	ssyncadd.s32 $0xFFFFD800  }
0xee: {  	[tilespmem:s30], [sflag:$0x9] =	stream.linear.gather [hbm4b:s28+s3], $0x50, $0x38;
	[tilespmem:$0x1F480] =	vst v63  }
0xef: {  	_ =	swait.ge [sflag:s29], $0x50  }
0xf0: {  	[sflag:s29] =	ssyncset.done $0x0  }
0xf1: {  	s25 =	sadd.s32 $0x28, s25;
	s12 =	sadd.s32 s6, s12;
	[sflag:s29] =	ssyncadd.s32 $0xFFFFFFB0  }
0xf2: {  	[tilespmem:s31], [sflag:$0x9] =	stream.linear.gather [hbm4b:s12+s3], $0x50, $0x38;
	[tilespmem:$0x1F480] =	vst v63  }
0xf3: {  	p1 =	sne.s32 s25, $0x4D8;
	_ =	swait.ge [sflag:s29], $0x50  }
.Ltmp1:
0xf4: {  	[sflag:s29] =	ssyncset.done $0x0;
	(pc) =	sbr.rel @p1 .LBB2_4-.Ltmp1, $4  }
0xf5: {  	[sflag:s29] =	ssyncadd.s32 $0xFFFFFFB0  }
0xf6: {  	[tilespmem:s2], [sflag:$0x1] =	stream.indirect.gather [hbm4b:s4+s0], $0x80, s30, s0, $0xb8;
	[tilespmem:$0x1F480] =	vst v63  }
0xf7: {  	_ =	swait.ge [sflag:s24], $0x2800  }
0xf8: {  	s7 =	sadd.s32 $0x140, s7;
	p2 =	seq.s32 s13, $0x0;
	[sflag:s24] =	ssyncset.done $0x0  }
0xf9: {  	s12 =	simm.s32 @!p2 $0x6;
	[sflag:s24] =	ssyncadd.s32 $0xFFFFD800  }
0xfa: {  	[spmem:s1] =	stream.indirect.scatter.add.f32 [tilespmem:s20], [sflag:$0x8], $0x80, s19, s0, $0xb8;
	[tilespmem:$0x1F480] =	vst v63  }
0xfb: {  	_ =	swait.ge @!p2 [sflag:s12], $0x2800  }
0xfc: {  	s25 =	rddreg [dreg:$0x8];
	[sflag:s12] =	ssyncset.done @!p2 $0x0  }
0xfd: {  	[sflag:s12] =	ssyncadd.s32 @!p2 $0xFFFFD800;
	s26 =	sadd.s32 s13, s25  }
0xfe: {  	[tilespmem:s8], [sflag:$0x9] =	stream.linear.gather [hbm4b:s26+s3], $0x50, $0x38;
	[tilespmem:$0x1F480] =	vst v63  }
0xff: {  	_ =	swait.ge [sflag:s29], $0x50  }
0x100: {  	s25 =	rddreg [dreg:$0x7];
	[sflag:s29] =	ssyncset.done $0x0  }
0x101: {  	[sflag:s29] =	ssyncadd.s32 $0xFFFFFFB0;
	s12 =	sadd.s32 s13, s25  }
0x102: {  	[tilespmem:s9], [sflag:$0x9] =	stream.linear.gather [hbm4b:s12+s3], $0x50, $0x38;
	[tilespmem:$0x1F480] =	vst v63  }
0x103: {  	_ =	swait.ge [sflag:s29], $0x50  }
0x104: {  	[sflag:s29] =	ssyncset.done $0x0  }
0x105: {  	[sflag:s29] =	ssyncadd.s32 $0xFFFFFFB0  }
0x106: {  	[tilespmem:s10], [sflag:$0x2] =	stream.indirect.gather [hbm4b:s4+s0], $0x80, s8, s0, $0xb8;
	[tilespmem:$0x1F480] =	vst v63  }
0x107: {  	_ =	swait.ge [sflag:s11], $0x2800  }
0x108: {  	[sflag:s11] =	ssyncset.done $0x0  }
0x109: {  	s12 =	simm.s32 @!p2 $0x7;
	[sflag:s11] =	ssyncadd.s32 $0xFFFFD800  }
0x10a: {  	[spmem:s1] =	stream.indirect.scatter.add.f32 [tilespmem:s2], [sflag:$0x5], $0x80, s31, s0, $0xb8;
	[tilespmem:$0x1F480] =	vst v63  }
0x10b: {  	_ =	swait.ge @!p2 [sflag:s12], $0x2800  }
0x10c: {  	s26 =	rddreg [dreg:$0x6];
	[sflag:s12] =	ssyncset.done @!p2 $0x0  }
0x10d: {  	[sflag:s12] =	ssyncadd.s32 @!p2 $0xFFFFD800;
	s26 =	sadd.s32 s13, s26  }
0x10e: {  	[tilespmem:s14], [sflag:$0x9] =	stream.linear.gather [hbm4b:s26+s3], $0x50, $0x38;
	[tilespmem:$0x1F480] =	vst v63  }
0x10f: {  	_ =	swait.ge [sflag:s29], $0x50  }
0x110: {  	s25 =	rddreg [dreg:$0x5];
	[sflag:s29] =	ssyncset.done $0x0  }
0x111: {  	[sflag:s29] =	ssyncadd.s32 $0xFFFFFFB0;
	s12 =	sadd.s32 s13, s25  }
0x112: {  	[tilespmem:s15], [sflag:$0x9] =	stream.linear.gather [hbm4b:s12+s3], $0x50, $0x38;
	[tilespmem:$0x1F480] =	vst v63  }
0x113: {  	_ =	swait.ge [sflag:s29], $0x50  }
0x114: {  	[sflag:s29] =	ssyncset.done $0x0  }
0x115: {  	[sflag:s29] =	ssyncadd.s32 $0xFFFFFFB0  }
0x116: {  	[tilespmem:s16], [sflag:$0x3] =	stream.indirect.gather [hbm4b:s4+s0], $0x80, s14, s0, $0xb8;
	[tilespmem:$0x1F480] =	vst v63  }
0x117: {  	_ =	swait.ge [sflag:s17], $0x2800  }
0x118: {  	[sflag:s17] =	ssyncset.done $0x0  }
0x119: {  	s12 =	simm.s32 @!p2 $0x8;
	[sflag:s17] =	ssyncadd.s32 $0xFFFFD800  }
0x11a: {  	[spmem:s1] =	stream.indirect.scatter.add.f32 [tilespmem:s10], [sflag:$0x6], $0x80, s9, s0, $0xb8;
	[tilespmem:$0x1F480] =	vst v63  }
0x11b: {  	_ =	swait.ge @!p2 [sflag:s12], $0x2800  }
0x11c: {  	s26 =	rddreg [dreg:$0x4];
	[sflag:s12] =	ssyncset.done @!p2 $0x0  }
0x11d: {  	[sflag:s12] =	ssyncadd.s32 @!p2 $0xFFFFD800;
	s25 =	sadd.s32 s13, s26  }
0x11e: {  	[tilespmem:s18], [sflag:$0x9] =	stream.linear.gather [hbm4b:s25+s3], $0x50, $0x38;
	[tilespmem:$0x1F480] =	vst v63  }
0x11f: {  	_ =	swait.ge [sflag:s29], $0x50  }
0x120: {  	s26 =	rddreg [dreg:$0x3];
	[sflag:s29] =	ssyncset.done $0x0  }
0x121: {  	[sflag:s29] =	ssyncadd.s32 $0xFFFFFFB0;
	s12 =	sadd.s32 s13, s26  }
0x122: {  	[tilespmem:s19], [sflag:$0x9] =	stream.linear.gather [hbm4b:s12+s3], $0x50, $0x38;
	[tilespmem:$0x1F480] =	vst v63  }
0x123: {  	_ =	swait.ge [sflag:s29], $0x50  }
0x124: {  	[sflag:s29] =	ssyncset.done $0x0  }
0x125: {  	[sflag:s29] =	ssyncadd.s32 $0xFFFFFFB0  }
0x126: {  	[tilespmem:s20], [sflag:$0x4] =	stream.indirect.gather [hbm4b:s4+s0], $0x80, s18, s0, $0xb8;
	[tilespmem:$0x1F480] =	vst v63  }
0x127: {  	_ =	swait.ge [sflag:s21], $0x2800  }
0x128: {  	[sflag:s21] =	ssyncset.done $0x0  }
0x129: {  	[sflag:s21] =	ssyncadd.s32 $0xFFFFD800  }
0x12a: {  	[spmem:s1] =	stream.indirect.scatter.add.f32 [tilespmem:s16], [sflag:$0x7], $0x80, s15, s0, $0xb8;
	[tilespmem:$0x1F480] =	vst v63  }
0x12b: {  	_ =	swait.ge [sflag:s22], $0x2800  }
0x12c: {  	s7 =	sshrl.u32 s7, $0x3;
	[sflag:s22] =	ssyncset.done $0x0  }
0x12d: {  	s13 =	sadd.s32 s5, s7;
	[sflag:s22] =	ssyncadd.s32 $0xFFFFD800  }
0x12e: {  	[tilespmem:s30], [sflag:$0x9] =	stream.linear.gather [hbm4b:s13+s3], $0x50, $0x38;
	[tilespmem:$0x1F480] =	vst v63  }
0x12f: {  	_ =	swait.ge [sflag:s29], $0x50  }
0x130: {  	[sflag:s29] =	ssyncset.done $0x0  }
0x131: {  	s7 =	sadd.s32 s6, s7;
	[sflag:s29] =	ssyncadd.s32 $0xFFFFFFB0  }
0x132: {  	[tilespmem:s31], [sflag:$0x9] =	stream.linear.gather [hbm4b:s7+s3], $0x50, $0x38;
	[tilespmem:$0x1F480] =	vst v63  }
0x133: {  	_ =	swait.ge [sflag:s29], $0x50  }
0x134: {  	[sflag:s29] =	ssyncset.done $0x0  }
0x135: {  	[sflag:s29] =	ssyncadd.s32 $0xFFFFFFB0  }
0x136: {  	[tilespmem:s2], [sflag:$0x1] =	stream.indirect.gather [hbm4b:s4+s0], $0x80, s30, s0, $0xb8;
	[tilespmem:$0x1F480] =	vst v63  }
0x137: {  	_ =	swait.ge [sflag:s24], $0x2800  }
0x138: {  	[sflag:s24] =	ssyncset.done $0x0  }
0x139: {  	[sflag:s24] =	ssyncadd.s32 $0xFFFFD800  }
0x13a: {  	[spmem:s1] =	stream.indirect.scatter.add.f32 [tilespmem:s20], [sflag:$0x8], $0x80, s19, s0, $0xb8;
	[tilespmem:$0x1F480] =	vst v63  }
0x13b: {  	_ =	swait.ge [sflag:s11], $0x2800  }
0x13c: {  	[sflag:s11] =	ssyncset.done $0x0  }
0x13d: {  	s25 =	simm.s32 $0x6;
	[sflag:s11] =	ssyncadd.s32 $0xFFFFD800  }
0x13e: {  	[spmem:s1] =	stream.indirect.scatter.add.f32 [tilespmem:s2], [sflag:$0x5], $0x80, s31, s0, $0xb8;
	[tilespmem:$0x1F480] =	vst v63  }
0x13f: {  	_ =	swait.ge [sflag:s25], $0x2800  }
0x140: {  	[sflag:s25] =	ssyncset.done $0x0  }
0x141: {  	s26 =	simm.s32 $0x7;
	[sflag:s25] =	ssyncadd.s32 $0xFFFFD800  }
0x142: {  	_ =	swait.ge [sflag:s26], $0x2800  }
0x143: {  	[sflag:s26] =	ssyncset.done $0x0  }
0x144: {  	s12 =	simm.s32 $0x8;
	[sflag:s26] =	ssyncadd.s32 $0xFFFFD800  }
0x145: {  	_ =	swait.ge [sflag:s12], $0x2800  }
0x146: {  	[sflag:s12] =	ssyncset.done $0x0  }
0x147: {  	[sflag:s12] =	ssyncadd.s32 $0xFFFFD800  }
0x148: {  	_ =	swait.ge [sflag:s22], $0x2800  }
0x149: {  	[sflag:s22] =	ssyncset.done $0x0  }
0x14a: {  	[sflag:s22] =	ssyncadd.s32 $0xFFFFD800  }
0x14b: {  	s13 =	stileid.u32;
	[bflag:$0x0] =	sbarrier.arrive $0xFFFF  }
0x14c: {  	s7 =	sshll.u32 s13, $0x6;
	s28 =	rddreg [dreg:$0xe]  }
0x14d: {  	s7 =	sor.u32 $0x1C09, s7;
	s25 =	sadd.s32 $0x0, s23;
	s26 =	sshrl.u32 s28, $0x3  }
0x14e: {  	[hbm:s25], [sflag:s7] =	dma.local [spmem:s26], $0x300  }
0x14f: {  	_ =	swait.ge [sflag:s29], $0x300  }
0x150: {  	s12 =	simm.s32 $0x300;
	s13 =	rddreg [dreg:$0xf]  }
.LBB2_6:
0x151: {  	s25 =	sadd.s32 s12, s23;
	[sflag:s29] =	ssyncset.done $0x0;
	p1 =	sne.s32 s12, $0x2400  }
.Ltmp2:
0x152: {  	s26 =	sshrl.u32 s13, $0x3;
	[sflag:s29] =	ssyncadd.s32 $0xFFFFFD00;
	(pc) =	sbr.rel @p1 .LBB2_6-.Ltmp2, $3  }
0x153: {  	[hbm:s25], [sflag:s7] =	dma.local [spmem:s26], $0x300  }
0x154: {  	s12 =	sadd.s32 $0x300, s12;
	_ =	sdelay $0x1  }
0x155: {  	s13 =	sadd.s32 $0x1800, s13;
	_ =	swait.ge [sflag:s29], $0x300  }
0x156: {  	[sflag:s29] =	ssyncset.done $0x0;
	s25 =	rddreg [dreg:$0x9];
	s12 =	simm.s32 @!p0 $0x1FC9  }
0x157: {  	s13 =	rddreg [dreg:$0xc];
	[sflag:s29] =	ssyncadd.s32 $0xFFFFFD00;
	s7 =	sshrl.u32 @!p0 s25, $0x3  }
0x158: {  	[hbm:s13], [sflag:s12] =	dma.local @!p0 [spmem:s7], $0x100  }
0x159: {  	s7 =	simm.s32 @!p0 $0x9  }
0x15a: {  	_ =	swait.ge @!p0 [sflag:s7], $0x100  }
0x15b: {  	s12 =	rddreg [dreg:$0x1c]  }
0x15c: {  	s26 =	rddreg [dreg:$0xd];
	s13 =	sadd.s32 $0x1, s12  }
0x15d: {  	p1 =	sne.s32 s13, s26  }
.Ltmp3:
0x15e: {  	_ = 	snop;
	(pc) =	sbr.rel @p1 .LBB2_1-.Ltmp3, $3  }
0x15f: {  	_ =	sdelay $0x1  }
0x160: {  	[sflag:s7] =	ssyncset.done @!p0 $0x0  }
0x161: {  	[sflag:s7] =	ssyncadd.s32 @!p0 $0xFFFFFF00  }
0x162: {  	_ =	sfence.sel $0x180000  }
0x163: {  	[bflag:$0x0] =	sbarrier.arrive $0xFFFF  }
0x164: {  	_ =	strace $0x9000004A  }
0x165: {  	s0 =	stileid.u32;
	[bflag:$0x2] =	sbarrier.arrive $0xFFFF  }
0x166: {  	p0 =	sne.s32 s0, $0x0;
	s0 =	rddreg [dreg:$0x2]  }
0x167: {  	s0 =	sadd.s32 @!p0 $0x100000, s0  }
0x168: {  	[sflag:s0] =	ssyncadd.tile.s32 @!p0 $0x1;
	_ =	shalt  }
.Lfunc_end2:
_tile_overlayer_lowered:
.L_overlay_start_2:
0x169: {  	(tag) =	ssettag $0x2  }
0x16a: {  	s0 =	rddreg [dreg:$0x0];
	s2 =	stileid.u32  }
0x16b: {  	s1 =	rddreg [dreg:$0x1];
	p0 =	sne.s32 s2, $0x0  }
0x16c: {  	s3 =	rddreg [dreg:$0x2];
	[bflag:$0x3] =	sbarrier.arrive $0xFFFF;
	s2 =	simm.s32 @!p0 $0x1C09  }
0x16d: {  	[timem:s3], [sflag:s2] =	dma.local @!p0 [hbm:s0], s1  }
0x16e: {  	s0 =	simm.s32 @!p0 $0x9  }
0x16f: {  	_ =	swait.ge @!p0 [sflag:s0], s1  }
0x170: {  	s1 =	ssub.s32 @!p0 $0x0, s1;
	[sflag:s0] =	ssyncset.done @!p0 $0x0  }
0x171: {  	[sflag:s0] =	ssyncadd.s32 @!p0 s1  }
0x172: {  	[bflag:$0x3] =	sbarrier.arrive $0xFFFF  }
0x173: {  	_ =	shalt  }

// kernel: kernel.7.cloned.1.call-start
scs
__scs_entry_jumppad:
0x0: {  	(pc) =	sbr.rel $0x88, $3  }
0x1: {  	(tag) =	ssettag $0x0;
	lr =	simm.s32 $0x1  }
0x2: {  	[smem:$0x3F90] =	sst lr;
	_ =	strace $0xD0000000  }
0x3: {  	_ = 	snop  }
0x4: {  	_ = 	snop  }
0x5: {  	_ = 	snop  }
0x6: {  	_ = 	snop  }
0x7: {  	_ = 	snop  }
__scs_overlays_trampoline_lowered:
0x8: {  	[smem:$0x3F9F] =	sst s0  }
0x9: {  	[smem:$0x3FA0] =	sst s1  }
0xa: {  	[smem:$0x3FA1] =	sst s2  }
0xb: {  	[smem:$0x3FA2] =	sst s3  }
0xc: {  	[smem:$0x3FA3] =	sst s4  }
0xd: {  	[smem:$0x3FA4] =	sst s5  }
0xe: {  	[smem:$0x3FA5] =	sst s6  }
0xf: {  	[smem:$0x3FA6] =	sst s7  }
0x10: {  	[smem:$0x3FA7] =	sst s8  }
0x11: {  	[smem:$0x3FA8] =	sst s9;
	s0 =	simm.s32 @!p0 $0x0  }
0x12: {  	s1 =	sld [smem:$0x3F8E];
	s0 =	simm.s32 @p0 $0x1  }
0x13: {  	[smem:$0x3FA9] =	sst s0;
	s0 =	simm.s32 @!p1 $0x0  }
0x14: {  	s2 =	sld [smem:$0x3F8D];
	s0 =	simm.s32 @p1 $0x1  }
0x15: {  	[smem:$0x3FAA] =	sst s0;
	s0 =	simm.s32 @!p2 $0x0  }
0x16: {  	s3 =	sld [smem:$0x3FDB];
	s0 =	simm.s32 @p2 $0x1  }
0x17: {  	s4 =	simm.s32 $0x1BF5;
	[smem:$0x3FAC] =	sst s0  }
0x18: {  	s0 =	sld [smem:$0x3F8F];
	_ =	swait.ge [sflag:s4], $0x0  }
0x19: {  	s7 =	sld [smem:$0x3F90]  }
0x1a: {  	s8 =	sadd.s32 $0xFFFFE003, lr  }
0x1b: {  	s9 =	sadd.s32 $0xFFFFFEF7, lr;
	s5 =	simm.s32 $0xFFFFFFFF;
	p2 =	slt.u32 s8, $0xFFFFF086  }
0x1c: {  	p1 =	slt.u32 s9, $0xF7A;
	s5 =	simm.s32 @!p2 $0x0  }
0x1d: {  	s5 =	simm.s32 @p1 $0x1;
	p0 =	seq.s32 s7, s2  }
0x1e: {  	s7 =	smul.u32 @!p0 $0xF7A, s2;
	p2 =	seq.s32 @!p0 s5, $0x0  }
0x1f: {  	s9 =	smul.u32 $0xF7A, s1;
	s8 =	simm.s32 @!p0 $0x1BF5;
	p2 =	por !p2, p0  }
0x20: {  	[sflag:s8] =	ssyncset.s32 @!p0 $0xFFFFF086;
	s6 =	sadd.s32 @!p0 s3, s7;
	s7 =	simm.s32 @!p0 $0x108  }
0x21: {  	s3 =	sadd.s32 s3, s9;
	s6 =	sadd.s32 @!p0 $0x88, s6;
	s7 =	simm.s32 @p2 $0x1082  }
0x22: {  	[simem:s7], [sflag:s8] =	dma.local @!p0 [hbm:s6], $0xF7A  }
0x23: {  	s9 =	sor.u32 $0xD0000000, s2;
	s6 =	simm.s32 $0x108;
	_ =	swait.ge @!p0 [sflag:s8], $0x0  }
0x24: {  	s3 =	sadd.s32 $0x88, s3;
	s6 =	simm.s32 @!p1 $0x1082;
	[sflag:s4] =	ssyncset.s32 $0xFFFFF086  }
0x25: {  	[simem:s6], [sflag:s4] =	dma.local [hbm:s3], $0xF7A  }
0x26: {  	[smem:$0x3F90] =	sst s1;
	(tag) =	ssettag s2;
	_ =	strace s9  }
0x27: {  	s1 =	sld [smem:$0x3FA0]  }
0x28: {  	s2 =	sld [smem:$0x3FA1]  }
0x29: {  	s4 =	sld [smem:$0x3FA3]  }
0x2a: {  	p0 =	seq.s32 s5, $0x0;
	s5 =	sld [smem:$0x3FA4]  }
0x2b: {  	s6 =	sld [smem:$0x3FA5]  }
0x2c: {  	s7 =	sld [smem:$0x3FA6]  }
0x2d: {  	s3 =	simm.s32 $0x108;
	s8 =	sld [smem:$0x3FA7]  }
0x2e: {  	s3 =	simm.s32 @!p0 $0x1082;
	s9 =	sld [smem:$0x3FA8]  }
0x2f: {  	lr =	sadd.s32 s0, s3;
	s0 =	sld [smem:$0x3F9F]  }
0x30: {  	s3 =	sld [smem:$0x3FA2]  }
0x31: {  	[smem:$0x3FAB] =	sst s10  }
0x32: {  	s10 =	sld [smem:$0x3FA9];
	_ =	sdelay $0x3  }
0x33: {  	p0 =	seq.s32 s10, $0x1;
	s10 =	sld [smem:$0x3FAB];
	_ =	sdelay $0x3  }
0x34: {  	[smem:$0x3FAB] =	sst s10  }
0x35: {  	s10 =	sld [smem:$0x3FAA];
	_ =	sdelay $0x3  }
0x36: {  	p1 =	seq.s32 s10, $0x1;
	s10 =	sld [smem:$0x3FAB];
	_ =	sdelay $0x3  }
0x37: {  	[smem:$0x3FAB] =	sst s10  }
0x38: {  	s10 =	sld [smem:$0x3FAC]  }
0x39: {  	_ = 	snop;
	(pc) =	sbr.ind lr, $3  }
0x3a: {  	_ = 	snop  }
0x3b: {  	_ = 	snop  }
0x3c: {  	p2 =	seq.s32 s10, $0x1;
	s10 =	sld [smem:$0x3FAB]  }
0x3d: {  	_ =	shalt  }
0x3e: {  	_ =	shalt  }
0x3f: {  	_ =	shalt  }
0x40: {  	_ =	shalt  }
0x41: {  	_ =	shalt  }
0x42: {  	_ =	shalt  }
0x43: {  	_ =	shalt  }
0x44: {  	_ =	shalt  }
0x45: {  	_ =	shalt  }
0x46: {  	_ =	shalt  }
0x47: {  	_ =	shalt  }
0x48: {  	_ =	shalt  }
0x49: {  	_ =	shalt  }
0x4a: {  	_ =	shalt  }
0x4b: {  	_ =	shalt  }
0x4c: {  	_ =	shalt  }
0x4d: {  	_ =	shalt  }
0x4e: {  	_ =	shalt  }
0x4f: {  	_ =	shalt  }
0x50: {  	_ =	shalt  }
0x51: {  	_ =	shalt  }
0x52: {  	_ =	shalt  }
0x53: {  	_ =	shalt  }
0x54: {  	_ =	shalt  }
0x55: {  	_ =	shalt  }
0x56: {  	_ =	shalt  }
0x57: {  	_ =	shalt  }
0x58: {  	_ =	shalt  }
0x59: {  	_ =	shalt  }
0x5a: {  	_ =	shalt  }
0x5b: {  	_ =	shalt  }
0x5c: {  	_ =	shalt  }
0x5d: {  	_ =	shalt  }
0x5e: {  	_ =	shalt  }
0x5f: {  	_ =	shalt  }
0x60: {  	_ =	shalt  }
0x61: {  	_ =	shalt  }
0x62: {  	_ =	shalt  }
0x63: {  	_ =	shalt  }
0x64: {  	_ =	shalt  }
0x65: {  	_ =	shalt  }
0x66: {  	_ =	shalt  }
0x67: {  	_ =	shalt  }
0x68: {  	_ =	shalt  }
0x69: {  	_ =	shalt  }
0x6a: {  	_ =	shalt  }
0x6b: {  	_ =	shalt  }
0x6c: {  	_ =	shalt  }
0x6d: {  	_ =	shalt  }
0x6e: {  	_ =	shalt  }
0x6f: {  	_ =	shalt  }
0x70: {  	_ =	shalt  }
0x71: {  	_ =	shalt  }
0x72: {  	_ =	shalt  }
0x73: {  	_ =	shalt  }
0x74: {  	_ =	shalt  }
0x75: {  	_ =	shalt  }
0x76: {  	_ =	shalt  }
0x77: {  	_ =	shalt  }
0x78: {  	_ =	shalt  }
0x79: {  	_ =	shalt  }
0x7a: {  	_ =	shalt  }
0x7b: {  	_ =	shalt  }
0x7c: {  	_ =	shalt  }
0x7d: {  	_ =	shalt  }
0x7e: {  	_ =	shalt  }
0x7f: {  	_ =	shalt  }
0x80: {  	_ =	shalt  }
0x81: {  	_ =	shalt  }
0x82: {  	_ =	shalt  }
0x83: {  	_ =	shalt  }
0x84: {  	_ =	shalt  }
0x85: {  	_ =	shalt  }
0x86: {  	_ =	shalt  }
0x87: {  	_ =	shalt  }
.Lfunc_end0:
.L_simem_size_0:
called_computation_lowered:
.L_overlay_start_0:
0x88: {  	s2 =	sld [smem:$0x3FD9]  }
0x89: {  	s3 =	sld [smem:$0x3FFE];
	_ =	sdelay $0x1  }
0x8a: {  	s1 =	srdreg.scid  }
0x8b: {  	s0 =	sand.u32 $0x1, s1  }
0x8c: {  	s17 =	sshll.u32 s0, $0xA;
	s2 =	sadd.s32 s3, s2  }
0x8d: {  	s2 =	sadd.s32 s2, s17  }
0x8e: {  	[smem:$0x3FB7] =	sst s2  }
0x8f: {  	_ = 	snop  }
0x90: {  	s2 =	sld [smem:$0x3FC9];
	(tm) =	ssettm $0x1  }
0x91: {  	s18 =	sld [smem:$0x3FFB];
	_ =	sdelay $0x3  }
0x92: {  	_ =	strace s18  }
0x93: {  	s3 =	sld [smem:$0x3FFC];
	_ =	sdelay $0x3  }
0x94: {  	_ =	strace s3  }
0x95: {  	s3 =	sld [smem:$0x3FFD];
	_ =	sdelay $0x3  }
0x96: {  	_ =	strace s3  }
0x97: {  	_ =	strace $0x8FFFFFFF  }
0x98: {  	s19 =	sld [smem:$0x3FDB];
	_ =	sdelay $0x1  }
0x99: {  	s4 =	simm.s32 $_scs_section_size  }
0x9a: {  	s5 =	simm.s32 $_size__tile_overlayer_lowered;
	s6 =	simm.s32 $_tile_overlayer_lowered  }
0x9b: {  	s22 =	simm.s32 $0x1BFF;
	s21 =	sshll.u32 s6, $0x1;
	s3 =	sadd.s32 s4, s19  }
0x9c: {  	s7 =	simm.s32 $0x0;
	s20 =	sshll.u32 s5, $0x1;
	s5 =	sadd.s32 s21, s3  }
0x9d: {  	[timem:s7], [sflag:s22] =	dma.local [hbm:s5], s20  }
0x9e: {  	_ =	swait.ge [sflag:s22], s20  }
0x9f: {  	s4 =	ssub.s32 $0x0, s20;
	[sflag:s22] =	ssyncset.done $0x0  }
0xa0: {  	[sflag:s22] =	ssyncadd.s32 s4;
	_ =	sdelay $0x1  }
0xa1: {  	s23 =	simm.s32 $0x1B8B  }
0xa2: {  	_ =	swait.ge [sflag:s23], $0x1  }
0xa3: {  	[sflag:s23] =	ssyncset.done $0x0  }
0xa4: {  	s25 =	simm.s32 $0x1B8E;
	s24 =	sld [smem:$0x3FFE];
	[sflag:s23] =	ssyncadd.s32 $0xFFFFFFFF  }
0xa5: {  	s26 =	simm.s32 $execute0_lowered;
	[smem:$0x3FD2] =	sst s25  }
0xa6: {  	s5 =	sshll.u32 s26, $0x1;
	_ =	strace $0x80000046;
	[dreg:$0x1] =	wrdreg $0xFFFFFFFF  }
0xa7: {  	s28 =	simm.s32 $_size_execute0_lowered;
	s3 =	sadd.s32 s3, s5;
	[dreg:$0x0] =	wrdreg $0x0  }
0xa8: {  	s5 =	sshll.u32 s28, $0x1;
	[dreg:$0x2] =	wrdreg s3  }
0xa9: {  	[dreg:$0x3] =	wrdreg s5  }
0xaa: {  	[dreg:$0x4] =	wrdreg $0xC0  }
0xab: {  	_ =	task [dreg:s7], $0x5FFFF  }
0xac: {  	[dreg:$0x1] =	wrdreg $0xFFFFFFFF  }
0xad: {  	[dreg:$0x0] =	wrdreg $0x60  }
0xae: {  	[dreg:$0x2] =	wrdreg s2  }
0xaf: {  	[dreg:$0x3] =	wrdreg s24  }
0xb0: {  	[dreg:$0x4] =	wrdreg $0x0  }
0xb1: {  	[dreg:$0x5] =	wrdreg $0x9  }
0xb2: {  	_ =	task.clear_ibuf [dreg:s7], $0x6FFFF;
	_ =	strace $0x90000046  }
0xb3: {  	s29 =	simm.s32 $0x9;
	_ =	strace $0x80000048  }
0xb4: {  	_ =	swait.ge [sflag:s29], $0x1  }
0xb5: {  	[sflag:s29] =	ssyncadd.s32 $0xFFFFFFFF  }
0xb6: {  	_ =	strace $0x90000048  }
0xb7: {  	_ =	sfence  }
0xb8: {  	s30 =	sld [smem:$0x0];
	_ =	sdelay $0x2  }
0xb9: {  	s31 =	sshll.u32 s1, $0xD;
	s1 =	sshrl.u32 s1, $0x2  }
0xba: {  	s3 =	sand.u32 $0x4000, s31;
	s1 =	sadd.s32 s1, s30  }
0xbb: {  	s0 =	sor.u32 s3, s0;
	s1 =	sshll.u32 s1, $0x11  }
0xbc: {  	s0 =	sor.u32 s1, s0  }
0xbd: {  	s0 =	sadd.s32 $0x8F2B, s0  }
0xbe: {  	[sflag:s0] =	ssyncadd.remote.s32 $0x1  }
0xbf: {  	_ =	sfence.sel $0xFFFF  }
0xc0: {  	[dreg:$0x0] =	wrdreg $0xFFFFFFFF;
	(pc) =	sbr.abs _section_cstart, $3  }
0xc1: {  	[dreg:$0x1] =	wrdreg $0xFFFFFFFF  }
0xc2: {  	_ =	task.clear_ibuf [dreg:s7], $0x2FFFF;
	_ =	strace $0x9FFFFFFF  }
0xc3: {  	(tm) =	ssettm $0x7FFFFFFF  }
tec
execute0_lowered:
.L_overlay_start_1:
0x0: {  	(tag) =	ssettag $0x1  }
0x1: {  	s1 =	rddreg [dreg:$0x0]  }
0x2: {  	s0 =	rddreg [dreg:$0x1]  }
0x3: {  	s3 =	rddreg [dreg:$0x2]  }
0x4: {  	s4 =	simm.s32 $0x0;
	s2 =	srdreg.scid;
	s13 =	stileid.u32  }
0x5: {  	s29 =	simm.s32 $0x9;
	s30 =	simm.s32 $0x15080;
	s31 =	simm.s32 $0x15280  }
0x6: {  	[smem:$0x7FF] =	sst s4;
	s2 =	sand.u32 $0x1, s2;
	s6 =	sshll.u32 s13, $0x1  }
0x7: {  	s5 =	sadd.s32 $0xCC00, s0;
	s25 =	sadd.s32 $0x138000, s3;
	s14 =	smul.u32 $0x4E000, s13  }
0x8: {  	s11 =	smul.u32 $0x4E20, s13;
	p0 =	sne.s32 s13, $0xF;
	_ =	strace $0x80000047  }
0x9: {  	s7 =	sor.u32 s2, s6;
	s6 =	sadd.s32 $0x2E00, s0;
	s10 =	smul.u32 $0x138800, s2  }
0xa: {  	s8 =	ssub.s32 $0x2, s2;
	s0 =	sadd.s32 $0x16A00, s0;
	s15 =	smul.u32 $0x2710, s2  }
0xb: {  	s2 =	smul.u32 $0x27100, s2;
	s9 =	sshrl.u32 s8, $0x1;
	s17 =	sshrl.u32 s14, $0x2  }
0xc: {  	[dreg:$0xa] =	wrdreg s25;
	s8 =	ssub.s32 s8, s9;
	s28 =	sadd.s32 s17, s3  }
0xd: {  	s7 =	smul.u32 $0x2710, s7;
	s8 =	smax.u32 s8, $0x1;
	[dreg:$0xf] =	wrdreg s28  }
0xe: {  	s10 =	sshrl.u32 s10, $0x3;
	s18 =	sadd.s32 $0x1800, s28;
	[dreg:$0xe] =	wrdreg s8  }
0xf: {  	s7 =	sshrl.u32 s7, $0x3;
	s19 =	sadd.s32 $0x3000, s28;
	[dreg:$0x10] =	wrdreg s18  }
0x10: {  	s10 =	sadd.s32 s0, s10;
	s21 =	sadd.s32 $0x4800, s28;
	[dreg:$0x11] =	wrdreg s19  }
0x11: {  	s22 =	sadd.s32 $0x6000, s28;
	s23 =	sadd.s32 $0x7800, s28;
	[dreg:$0x12] =	wrdreg s21  }
0x12: {  	s17 =	sadd.s32 $0xC000, s28;
	s0 =	sadd.s32 s2, s0;
	[dreg:$0x13] =	wrdreg s22  }
0x13: {  	s2 =	simm.s32 $0x15480;
	s12 =	sadd.s32 s5, s7;
	[dreg:$0x14] =	wrdreg s23  }
0x14: {  	s7 =	sadd.s32 s6, s7;
	s16 =	sadd.s32 $0x27000, s10;
	[dreg:$0x17] =	wrdreg s17  }
0x15: {  	s19 =	smul.u32 $0x2700, s13;
	s21 =	sadd.s32 $0xF000, s28;
	[dreg:$0xb] =	wrdreg s12  }
0x16: {  	s22 =	sadd.s32 $0x10800, s28;
	s10 =	simm.s32 $0x17C80;
	[dreg:$0xc] =	wrdreg s7  }
0x17: {  	s17 =	simm.s32 $0x2;
	s13 =	simm.s32 $0x0;
	[dreg:$0xd] =	wrdreg s16  }
0x18: {  	s7 =	sadd.s32 s15, s11;
	s12 =	sadd.s32 $0x9000, s28;
	[dreg:$0x19] =	wrdreg s21  }
0x19: {  	s15 =	sadd.s32 $0xA800, s28;
	[dreg:$0x1a] =	wrdreg s22;
	s21 =	simm.s32 $0x3  }
0x1a: {  	s22 =	simm.s32 $0x5;
	s20 =	sadd.s32 $0xF0, s7;
	[dreg:$0x15] =	wrdreg s12  }
0x1b: {  	s26 =	sadd.s32 $0xA0, s7;
	[dreg:$0x16] =	wrdreg s15;
	s16 =	sadd.s32 $0x50, s7  }
0x1c: {  	s23 =	sadd.s32 s19, s0;
	s8 =	sshrl.u32 s20, $0x3;
	s20 =	sadd.s32 $0xD800, s28  }
0x1d: {  	s11 =	sshrl.u32 s26, $0x3;
	s26 =	sadd.s32 $0x12000, s28;
	[dreg:$0x18] =	wrdreg s20  }
0x1e: {  	s0 =	simm.s32 $0x50;
	s24 =	sadd.s32 s8, s6;
	[dreg:$0x1c] =	wrdreg s26  }
0x1f: {  	s15 =	simm.s32 $0x15380;
	s8 =	sadd.s32 s8, s5;
	[dreg:$0x4] =	wrdreg s24  }
0x20: {  	s19 =	simm.s32 $0x15400;
	s14 =	sadd.s32 s11, s6;
	[dreg:$0x5] =	wrdreg s8  }
0x21: {  	s9 =	sadd.s32 s11, s5;
	s11 =	simm.s32 $0x1;
	[dreg:$0x6] =	wrdreg s14  }
0x22: {  	s20 =	simm.s32 $0x1CC80;
	s8 =	sshrl.u32 s16, $0x3;
	[dreg:$0x7] =	wrdreg s9  }
0x23: {  	s24 =	sadd.s32 $0x140, s7;
	s9 =	simm.s32 $0x15300;
	s14 =	simm.s32 $0x15180  }
0x24: {  	s16 =	simm.s32 $0x1A480;
	s18 =	sadd.s32 s8, s6;
	[dreg:$0x1b] =	wrdreg s24  }
0x25: {  	s8 =	sadd.s32 s8, s5;
	s24 =	simm.s32 $0x4;
	[dreg:$0x8] =	wrdreg s18  }
0x26: {  	v0 =	vimm.f32 $0.0e+00;
	[dreg:$0x9] =	wrdreg s8;
	s8 =	simm.s32 $0x15100;
	s18 =	simm.s32 $0x15200  }
.LBB2_1:
0x27: {  	[dreg:$0x1d] =	wrdreg s13;
	s7 =	simm.s32 $0x70;
	s12 =	simm.s32 $0x3C0  }
.LBB2_2:
0x28: {  	p1 =	sne.s32 s12, $0x5FC0;
	[tilespmem:s7+$0x13880] =	vst v0  }
0x29: {  	[tilespmem:s7+$0x13810] =	vst v0  }
0x2a: {  	[tilespmem:s7+$0x13820] =	vst v0  }
.Ltmp0:
0x2b: {  	[tilespmem:s7+$0x13830] =	vst v0;
	(pc) =	sbr.rel @p1 .LBB2_2-.Ltmp0, $4  }
0x2c: {  	[tilespmem:s7+$0x13840] =	vst v0  }
0x2d: {  	[tilespmem:s7+$0x13850] =	vst v0  }
0x2e: {  	[tilespmem:s7+$0x13860] =	vst v0  }
0x2f: {  	[tilespmem:s7+$0x13870] =	vst v0;
	s7 =	sshra.s32 s12, $0x2;
	s12 =	sadd.s32 $0x200, s12  }
0x30: {  	[tilespmem:s7+$0x13880] =	vst v0  }
0x31: {  	[tilespmem:s7+$0x13810] =	vst v0  }
0x32: {  	[tilespmem:s7+$0x13820] =	vst v0  }
0x33: {  	[tilespmem:s7+$0x13830] =	vst v0  }
0x34: {  	[tilespmem:s7+$0x13840] =	vst v0  }
0x35: {  	[tilespmem:s7+$0x13850] =	vst v0  }
0x36: {  	[tilespmem:s7+$0x13860] =	vst v0  }
0x37: {  	[tilespmem:s7+$0x13870] =	vst v0;
	s12 =	simm.s32 $0x13880  }
0x38: {  	[spmem:s28] =	stream.linear.scatter [tilespmem:s12], [sflag:$0x9], $0x1800, $0x38;
	[tilespmem:$0x1F480] =	vst v63  }
0x39: {  	_ =	swait.ge [sflag:s29], $0x1800  }
0x3a: {  	[sflag:s29] =	ssyncset.done $0x0  }
0x3b: {  	s28 =	rddreg [dreg:$0x10];
	[sflag:s29] =	ssyncadd.s32 $0xFFFFE800  }
0x3c: {  	[spmem:s28] =	stream.linear.scatter [tilespmem:s12], [sflag:$0x9], $0x1800, $0x38;
	[tilespmem:$0x1F480] =	vst v63  }
0x3d: {  	_ =	swait.ge [sflag:s29], $0x1800  }
0x3e: {  	[sflag:s29] =	ssyncset.done $0x0  }
0x3f: {  	s13 =	rddreg [dreg:$0x11];
	[sflag:s29] =	ssyncadd.s32 $0xFFFFE800  }
0x40: {  	[spmem:s13] =	stream.linear.scatter [tilespmem:s12], [sflag:$0x9], $0x1800, $0x38;
	[tilespmem:$0x1F480] =	vst v63  }
0x41: {  	_ =	swait.ge [sflag:s29], $0x1800  }
0x42: {  	[sflag:s29] =	ssyncset.done $0x0  }
0x43: {  	s26 =	rddreg [dreg:$0x12];
	[sflag:s29] =	ssyncadd.s32 $0xFFFFE800  }
0x44: {  	[spmem:s26] =	stream.linear.scatter [tilespmem:s12], [sflag:$0x9], $0x1800, $0x38;
	[tilespmem:$0x1F480] =	vst v63  }
0x45: {  	_ =	swait.ge [sflag:s29], $0x1800  }
0x46: {  	[sflag:s29] =	ssyncset.done $0x0  }
0x47: {  	s28 =	rddreg [dreg:$0x13];
	[sflag:s29] =	ssyncadd.s32 $0xFFFFE800  }
0x48: {  	[spmem:s28] =	stream.linear.scatter [tilespmem:s12], [sflag:$0x9], $0x1800, $0x38;
	[tilespmem:$0x1F480] =	vst v63  }
0x49: {  	_ =	swait.ge [sflag:s29], $0x1800  }
0x4a: {  	[sflag:s29] =	ssyncset.done $0x0  }
0x4b: {  	s13 =	rddreg [dreg:$0x14];
	[sflag:s29] =	ssyncadd.s32 $0xFFFFE800  }
0x4c: {  	[spmem:s13] =	stream.linear.scatter [tilespmem:s12], [sflag:$0x9], $0x1800, $0x38;
	[tilespmem:$0x1F480] =	vst v63  }
0x4d: {  	_ =	swait.ge [sflag:s29], $0x1800  }
0x4e: {  	[sflag:s29] =	ssyncset.done $0x0  }
0x4f: {  	s26 =	rddreg [dreg:$0x15];
	[sflag:s29] =	ssyncadd.s32 $0xFFFFE800  }
0x50: {  	[spmem:s26] =	stream.linear.scatter [tilespmem:s12], [sflag:$0x9], $0x1800, $0x38;
	[tilespmem:$0x1F480] =	vst v63  }
0x51: {  	_ =	swait.ge [sflag:s29], $0x1800  }
0x52: {  	[sflag:s29] =	ssyncset.done $0x0  }
0x53: {  	s28 =	rddreg [dreg:$0x16];
	[sflag:s29] =	ssyncadd.s32 $0xFFFFE800  }
0x54: {  	[spmem:s28] =	stream.linear.scatter [tilespmem:s12], [sflag:$0x9], $0x1800, $0x38;
	[tilespmem:$0x1F480] =	vst v63  }
0x55: {  	_ =	swait.ge [sflag:s29], $0x1800  }
0x56: {  	[sflag:s29] =	ssyncset.done $0x0  }
0x57: {  	s13 =	rddreg [dreg:$0x17];
	[sflag:s29] =	ssyncadd.s32 $0xFFFFE800  }
0x58: {  	[spmem:s13] =	stream.linear.scatter [tilespmem:s12], [sflag:$0x9], $0x1800, $0x38;
	[tilespmem:$0x1F480] =	vst v63  }
0x59: {  	_ =	swait.ge [sflag:s29], $0x1800  }
0x5a: {  	[sflag:s29] =	ssyncset.done $0x0  }
0x5b: {  	s26 =	rddreg [dreg:$0x18];
	[sflag:s29] =	ssyncadd.s32 $0xFFFFE800  }
0x5c: {  	[spmem:s26] =	stream.linear.scatter [tilespmem:s12], [sflag:$0x9], $0x1800, $0x38;
	[tilespmem:$0x1F480] =	vst v63  }
0x5d: {  	_ =	swait.ge [sflag:s29], $0x1800  }
0x5e: {  	[sflag:s29] =	ssyncset.done $0x0  }
0x5f: {  	s28 =	rddreg [dreg:$0x19];
	[sflag:s29] =	ssyncadd.s32 $0xFFFFE800  }
0x60: {  	[spmem:s28] =	stream.linear.scatter [tilespmem:s12], [sflag:$0x9], $0x1800, $0x38;
	[tilespmem:$0x1F480] =	vst v63  }
0x61: {  	_ =	swait.ge [sflag:s29], $0x1800  }
0x62: {  	[sflag:s29] =	ssyncset.done $0x0  }
0x63: {  	s13 =	rddreg [dreg:$0x1a];
	[sflag:s29] =	ssyncadd.s32 $0xFFFFE800  }
0x64: {  	[spmem:s13] =	stream.linear.scatter [tilespmem:s12], [sflag:$0x9], $0x1800, $0x38;
	[tilespmem:$0x1F480] =	vst v63  }
0x65: {  	_ =	swait.ge [sflag:s29], $0x1800  }
0x66: {  	[sflag:s29] =	ssyncset.done $0x0  }
0x67: {  	s26 =	rddreg [dreg:$0x1c];
	[sflag:s29] =	ssyncadd.s32 $0xFFFFE800  }
0x68: {  	[spmem:s26] =	stream.linear.scatter [tilespmem:s12], [sflag:$0x9], $0x1800, $0x38;
	[tilespmem:$0x1F480] =	vst v63  }
0x69: {  	_ =	swait.ge [sflag:s29], $0x1800  }
0x6a: {  	[sflag:s29] =	ssyncset.done $0x0  }
0x6b: {  	s7 =	simm.s32 @!p0 $0x13880;
	[sflag:s29] =	ssyncadd.s32 $0xFFFFE800  }
0x6c: {  	[spmem:s25] =	stream.linear.scatter @!p0 [tilespmem:s7], [sflag:$0x9], $0x800, $0x38;
	[tilespmem:$0x1F480] =	vst v63  }
0x6d: {  	s7 =	simm.s32 @!p0 $0x9  }
0x6e: {  	_ =	swait.ge @!p0 [sflag:s7], $0x800  }
0x6f: {  	[sflag:s7] =	ssyncset.done @!p0 $0x0  }
0x70: {  	s28 =	simm.s32 $0x0;
	s13 =	rddreg [dreg:$0xb];
	[sflag:s7] =	ssyncadd.s32 @!p0 $0xFFFFF800  }
0x71: {  	[tilespmem:s30], [sflag:$0x9] =	stream.linear.gather [hbm4b:s13+s28], $0x50, $0x38;
	[tilespmem:$0x1F480] =	vst v63  }
0x72: {  	_ =	swait.ge [sflag:s29], $0x50  }
0x73: {  	[sflag:s29] =	ssyncset.done $0x0  }
0x74: {  	s25 =	rddreg [dreg:$0xc];
	[sflag:s29] =	ssyncadd.s32 $0xFFFFFFB0  }
0x75: {  	[tilespmem:s31], [sflag:$0x9] =	stream.linear.gather [hbm4b:s25+s28], $0x50, $0x38;
	[tilespmem:$0x1F480] =	vst v63  }
0x76: {  	_ =	swait.ge [sflag:s29], $0x50  }
0x77: {  	[sflag:s29] =	ssyncset.done $0x0  }
0x78: {  	p1 =	por $0x1, $0x1;
	[sflag:s29] =	ssyncadd.s32 $0xFFFFFFB0  }
0x79: {  	[tilespmem:s2], [sflag:$0x1] =	stream.indirect.gather [hbm4b:s1+s0], $0x80, s30, s0, $0xb8;
	[tilespmem:$0x1F480] =	vst v63  }
0x7a: {  	s7 =	simm.s32 @!p1 $0x6;
	[bflag:$0x0] =	sbarrier.arrive $0xFFFF  }
0x7b: {  	_ =	swait.ge @!p1 [sflag:s7], $0x2800  }
0x7c: {  	s26 =	rddreg [dreg:$0x9];
	[sflag:s7] =	ssyncset.done @!p1 $0x0  }
0x7d: {  	[sflag:s7] =	ssyncadd.s32 @!p1 $0xFFFFD800;
	s28 =	sadd.s32 $0x0, s26  }
0x7e: {  	[tilespmem:s8], [sflag:$0x9] =	stream.linear.gather [hbm4b:s28+s4], $0x50, $0x38;
	[tilespmem:$0x1F480] =	vst v63  }
0x7f: {  	_ =	swait.ge [sflag:s29], $0x50  }
0x80: {  	s12 =	rddreg [dreg:$0x8];
	[sflag:s29] =	ssyncset.done $0x0  }
0x81: {  	[sflag:s29] =	ssyncadd.s32 $0xFFFFFFB0;
	s7 =	sadd.s32 $0x0, s12  }
0x82: {  	[tilespmem:s9], [sflag:$0x9] =	stream.linear.gather [hbm4b:s7+s4], $0x50, $0x38;
	[tilespmem:$0x1F480] =	vst v63  }
0x83: {  	_ =	swait.ge [sflag:s29], $0x50  }
0x84: {  	[sflag:s29] =	ssyncset.done $0x0  }
0x85: {  	[sflag:s29] =	ssyncadd.s32 $0xFFFFFFB0  }
0x86: {  	[tilespmem:s10], [sflag:$0x2] =	stream.indirect.gather [hbm4b:s1+s0], $0x80, s8, s0, $0xb8;
	[tilespmem:$0x1F480] =	vst v63  }
0x87: {  	_ =	swait.ge [sflag:s11], $0x2800  }
0x88: {  	[sflag:s11] =	ssyncset.done $0x0  }
0x89: {  	s7 =	simm.s32 @!p1 $0x7;
	[sflag:s11] =	ssyncadd.s32 $0xFFFFD800  }
0x8a: {  	[spmem:s3] =	stream.indirect.scatter.add.f32 [tilespmem:s2], [sflag:$0x5], $0x80, s31, s0, $0xb8;
	[tilespmem:$0x1F480] =	vst v63  }
0x8b: {  	_ =	swait.ge @!p1 [sflag:s7], $0x2800  }
0x8c: {  	s13 =	rddreg [dreg:$0x7];
	[sflag:s7] =	ssyncset.done @!p1 $0x0  }
0x8d: {  	[sflag:s7] =	ssyncadd.s32 @!p1 $0xFFFFD800;
	s25 =	sadd.s32 $0x0, s13  }
0x8e: {  	[tilespmem:s14], [sflag:$0x9] =	stream.linear.gather [hbm4b:s25+s4], $0x50, $0x38;
	[tilespmem:$0x1F480] =	vst v63  }
0x8f: {  	_ =	swait.ge [sflag:s29], $0x50  }
0x90: {  	s26 =	rddreg [dreg:$0x6];
	[sflag:s29] =	ssyncset.done $0x0  }
0x91: {  	[sflag:s29] =	ssyncadd.s32 $0xFFFFFFB0;
	s7 =	sadd.s32 $0x0, s26  }
0x92: {  	[tilespmem:s15], [sflag:$0x9] =	stream.linear.gather [hbm4b:s7+s4], $0x50, $0x38;
	[tilespmem:$0x1F480] =	vst v63  }
0x93: {  	_ =	swait.ge [sflag:s29], $0x50  }
0x94: {  	[sflag:s29] =	ssyncset.done $0x0  }
0x95: {  	[sflag:s29] =	ssyncadd.s32 $0xFFFFFFB0  }
0x96: {  	[tilespmem:s16], [sflag:$0x3] =	stream.indirect.gather [hbm4b:s1+s0], $0x80, s14, s0, $0xb8;
	[tilespmem:$0x1F480] =	vst v63  }
0x97: {  	_ =	swait.ge [sflag:s17], $0x2800  }
0x98: {  	[sflag:s17] =	ssyncset.done $0x0  }
0x99: {  	s7 =	simm.s32 @!p1 $0x8;
	[sflag:s17] =	ssyncadd.s32 $0xFFFFD800  }
0x9a: {  	[spmem:s3] =	stream.indirect.scatter.add.f32 [tilespmem:s10], [sflag:$0x6], $0x80, s9, s0, $0xb8;
	[tilespmem:$0x1F480] =	vst v63  }
0x9b: {  	_ =	swait.ge @!p1 [sflag:s7], $0x2800  }
0x9c: {  	s28 =	rddreg [dreg:$0x5];
	[sflag:s7] =	ssyncset.done @!p1 $0x0  }
0x9d: {  	[sflag:s7] =	ssyncadd.s32 @!p1 $0xFFFFD800;
	s12 =	sadd.s32 $0x0, s28  }
0x9e: {  	[tilespmem:s18], [sflag:$0x9] =	stream.linear.gather [hbm4b:s12+s4], $0x50, $0x38;
	[tilespmem:$0x1F480] =	vst v63  }
0x9f: {  	_ =	swait.ge [sflag:s29], $0x50  }
0xa0: {  	s13 =	rddreg [dreg:$0x4];
	[sflag:s29] =	ssyncset.done $0x0  }
0xa1: {  	[sflag:s29] =	ssyncadd.s32 $0xFFFFFFB0;
	s7 =	sadd.s32 $0x0, s13  }
0xa2: {  	[tilespmem:s19], [sflag:$0x9] =	stream.linear.gather [hbm4b:s7+s4], $0x50, $0x38;
	[tilespmem:$0x1F480] =	vst v63  }
0xa3: {  	_ =	swait.ge [sflag:s29], $0x50  }
0xa4: {  	[sflag:s29] =	ssyncset.done $0x0  }
0xa5: {  	[sflag:s29] =	ssyncadd.s32 $0xFFFFFFB0  }
0xa6: {  	[tilespmem:s20], [sflag:$0x4] =	stream.indirect.gather [hbm4b:s1+s0], $0x80, s18, s0, $0xb8;
	[tilespmem:$0x1F480] =	vst v63  }
0xa7: {  	_ =	swait.ge [sflag:s21], $0x2800  }
0xa8: {  	[sflag:s21] =	ssyncset.done $0x0  }
0xa9: {  	[sflag:s21] =	ssyncadd.s32 $0xFFFFD800  }
0xaa: {  	[spmem:s3] =	stream.indirect.scatter.add.f32 [tilespmem:s16], [sflag:$0x7], $0x80, s15, s0, $0xb8;
	[tilespmem:$0x1F480] =	vst v63  }
0xab: {  	_ =	swait.ge [sflag:s22], $0x2800  }
0xac: {  	s26 =	rddreg [dreg:$0x1b]  }
0xad: {  	[sflag:s22] =	ssyncset.done $0x0;
	s25 =	sshrl.u32 s26, $0x3  }
0xae: {  	[sflag:s22] =	ssyncadd.s32 $0xFFFFD800;
	s28 =	sadd.s32 s5, s25  }
0xaf: {  	[tilespmem:s30], [sflag:$0x9] =	stream.linear.gather [hbm4b:s28+s4], $0x50, $0x38;
	[tilespmem:$0x1F480] =	vst v63  }
0xb0: {  	_ =	swait.ge [sflag:s29], $0x50  }
0xb1: {  	[sflag:s29] =	ssyncset.done $0x0  }
0xb2: {  	s7 =	sadd.s32 s6, s25;
	[sflag:s29] =	ssyncadd.s32 $0xFFFFFFB0  }
0xb3: {  	[tilespmem:s31], [sflag:$0x9] =	stream.linear.gather [hbm4b:s7+s4], $0x50, $0x38;
	[tilespmem:$0x1F480] =	vst v63  }
0xb4: {  	_ =	swait.ge [sflag:s29], $0x50  }
0xb5: {  	[sflag:s29] =	ssyncset.done $0x0  }
0xb6: {  	[sflag:s29] =	ssyncadd.s32 $0xFFFFFFB0  }
0xb7: {  	[tilespmem:s2], [sflag:$0x1] =	stream.indirect.gather [hbm4b:s1+s0], $0x80, s30, s0, $0xb8;
	[tilespmem:$0x1F480] =	vst v63  }
0xb8: {  	p2 =	por $0x0, $0x0;
	s13 =	simm.s32 $0x28;
	_ =	swait.ge [sflag:s24], $0x2800  }
0xb9: {  	s25 =	simm.s32 $0x50;
	s7 =	sadd.s32 $0x140, s26;
	[sflag:s24] =	ssyncset.done $0x0  }
.LBB2_4:
0xba: {  	s28 =	simm.s32 @!p2 $0x6;
	[sflag:s24] =	ssyncadd.s32 $0xFFFFD800  }
0xbb: {  	[spmem:s3] =	stream.indirect.scatter.add.f32 [tilespmem:s20], [sflag:$0x8], $0x80, s19, s0, $0xb8;
	[tilespmem:$0x1F480] =	vst v63  }
0xbc: {  	_ =	swait.ge @!p2 [sflag:s28], $0x2800  }
0xbd: {  	[sflag:s28] =	ssyncset.done @!p2 $0x0;
	s26 =	rddreg [dreg:$0x9]  }
0xbe: {  	[sflag:s28] =	ssyncadd.s32 @!p2 $0xFFFFD800;
	s26 =	sadd.s32 s13, s26  }
0xbf: {  	[tilespmem:s8], [sflag:$0x9] =	stream.linear.gather [hbm4b:s26+s4], $0x50, $0x38;
	[tilespmem:$0x1F480] =	vst v63  }
0xc0: {  	_ =	swait.ge [sflag:s29], $0x50  }
0xc1: {  	s28 =	rddreg [dreg:$0x8];
	[sflag:s29] =	ssyncset.done $0x0  }
0xc2: {  	[sflag:s29] =	ssyncadd.s32 $0xFFFFFFB0;
	s26 =	sadd.s32 s13, s28  }
0xc3: {  	[tilespmem:s9], [sflag:$0x9] =	stream.linear.gather [hbm4b:s26+s4], $0x50, $0x38;
	[tilespmem:$0x1F480] =	vst v63  }
0xc4: {  	_ =	swait.ge [sflag:s29], $0x50  }
0xc5: {  	[sflag:s29] =	ssyncset.done $0x0  }
0xc6: {  	[sflag:s29] =	ssyncadd.s32 $0xFFFFFFB0  }
0xc7: {  	[tilespmem:s10], [sflag:$0x2] =	stream.indirect.gather [hbm4b:s1+s0], $0x80, s8, s0, $0xb8;
	[tilespmem:$0x1F480] =	vst v63  }
0xc8: {  	_ =	swait.ge [sflag:s11], $0x2800  }
0xc9: {  	[sflag:s11] =	ssyncset.done $0x0  }
0xca: {  	s26 =	simm.s32 @!p2 $0x7;
	[sflag:s11] =	ssyncadd.s32 $0xFFFFD800  }
0xcb: {  	[spmem:s3] =	stream.indirect.scatter.add.f32 [tilespmem:s2], [sflag:$0x5], $0x80, s31, s0, $0xb8;
	[tilespmem:$0x1F480] =	vst v63  }
0xcc: {  	_ =	swait.ge @!p2 [sflag:s26], $0x2800  }
0xcd: {  	[sflag:s26] =	ssyncset.done @!p2 $0x0;
	s28 =	rddreg [dreg:$0x7]  }
0xce: {  	[sflag:s26] =	ssyncadd.s32 @!p2 $0xFFFFD800;
	s28 =	sadd.s32 s13, s28  }
0xcf: {  	[tilespmem:s14], [sflag:$0x9] =	stream.linear.gather [hbm4b:s28+s4], $0x50, $0x38;
	[tilespmem:$0x1F480] =	vst v63  }
0xd0: {  	_ =	swait.ge [sflag:s29], $0x50  }
0xd1: {  	s28 =	rddreg [dreg:$0x6];
	[sflag:s29] =	ssyncset.done $0x0  }
0xd2: {  	[sflag:s29] =	ssyncadd.s32 $0xFFFFFFB0;
	s26 =	sadd.s32 s13, s28  }
0xd3: {  	[tilespmem:s15], [sflag:$0x9] =	stream.linear.gather [hbm4b:s26+s4], $0x50, $0x38;
	[tilespmem:$0x1F480] =	vst v63  }
0xd4: {  	_ =	swait.ge [sflag:s29], $0x50  }
0xd5: {  	[sflag:s29] =	ssyncset.done $0x0  }
0xd6: {  	[sflag:s29] =	ssyncadd.s32 $0xFFFFFFB0  }
0xd7: {  	[tilespmem:s16], [sflag:$0x3] =	stream.indirect.gather [hbm4b:s1+s0], $0x80, s14, s0, $0xb8;
	[tilespmem:$0x1F480] =	vst v63  }
0xd8: {  	_ =	swait.ge [sflag:s17], $0x2800  }
0xd9: {  	[sflag:s17] =	ssyncset.done $0x0  }
0xda: {  	s26 =	simm.s32 @!p2 $0x8;
	[sflag:s17] =	ssyncadd.s32 $0xFFFFD800  }
0xdb: {  	[spmem:s3] =	stream.indirect.scatter.add.f32 [tilespmem:s10], [sflag:$0x6], $0x80, s9, s0, $0xb8;
	[tilespmem:$0x1F480] =	vst v63  }
0xdc: {  	_ =	swait.ge @!p2 [sflag:s26], $0x2800  }
0xdd: {  	[sflag:s26] =	ssyncset.done @!p2 $0x0;
	s28 =	rddreg [dreg:$0x5]  }
0xde: {  	[sflag:s26] =	ssyncadd.s32 @!p2 $0xFFFFD800;
	s28 =	sadd.s32 s13, s28  }
0xdf: {  	[tilespmem:s18], [sflag:$0x9] =	stream.linear.gather [hbm4b:s28+s4], $0x50, $0x38;
	[tilespmem:$0x1F480] =	vst v63  }
0xe0: {  	_ =	swait.ge [sflag:s29], $0x50  }
0xe1: {  	s28 =	rddreg [dreg:$0x4];
	[sflag:s29] =	ssyncset.done $0x0  }
0xe2: {  	[sflag:s29] =	ssyncadd.s32 $0xFFFFFFB0;
	s26 =	sadd.s32 s13, s28  }
0xe3: {  	[tilespmem:s19], [sflag:$0x9] =	stream.linear.gather [hbm4b:s26+s4], $0x50, $0x38;
	[tilespmem:$0x1F480] =	vst v63  }
0xe4: {  	_ =	swait.ge [sflag:s29], $0x50  }
0xe5: {  	[sflag:s29] =	ssyncset.done $0x0  }
0xe6: {  	[sflag:s29] =	ssyncadd.s32 $0xFFFFFFB0  }
0xe7: {  	[tilespmem:s20], [sflag:$0x4] =	stream.indirect.gather [hbm4b:s1+s0], $0x80, s18, s0, $0xb8;
	[tilespmem:$0x1F480] =	vst v63  }
0xe8: {  	_ =	swait.ge [sflag:s21], $0x2800  }
0xe9: {  	[sflag:s21] =	ssyncset.done $0x0  }
0xea: {  	[sflag:s21] =	ssyncadd.s32 $0xFFFFD800  }
0xeb: {  	[spmem:s3] =	stream.indirect.scatter.add.f32 [tilespmem:s16], [sflag:$0x7], $0x80, s15, s0, $0xb8;
	[tilespmem:$0x1F480] =	vst v63  }
0xec: {  	s12 =	smov.u32 s25;
	_ =	swait.ge [sflag:s22], $0x2800  }
0xed: {  	s13 =	smov.u32 s12;
	s12 =	sshrl.u32 s7, $0x3;
	[sflag:s22] =	ssyncset.done $0x0  }
0xee: {  	s28 =	sadd.s32 s5, s12;
	[sflag:s22] =	ssyncadd.s32 $0xFFFFD800  }
0xef: {  	[tilespmem:s30], [sflag:$0x9] =	stream.linear.gather [hbm4b:s28+s4], $0x50, $0x38;
	[tilespmem:$0x1F480] =	vst v63  }
0xf0: {  	_ =	swait.ge [sflag:s29], $0x50  }
0xf1: {  	[sflag:s29] =	ssyncset.done $0x0  }
0xf2: {  	s25 =	sadd.s32 $0x28, s25;
	s12 =	sadd.s32 s6, s12;
	[sflag:s29] =	ssyncadd.s32 $0xFFFFFFB0  }
0xf3: {  	[tilespmem:s31], [sflag:$0x9] =	stream.linear.gather [hbm4b:s12+s4], $0x50, $0x38;
	[tilespmem:$0x1F480] =	vst v63  }
0xf4: {  	p1 =	sne.s32 s25, $0x4D8;
	_ =	swait.ge [sflag:s29], $0x50  }
.Ltmp1:
0xf5: {  	[sflag:s29] =	ssyncset.done $0x0;
	(pc) =	sbr.rel @p1 .LBB2_4-.Ltmp1, $4  }
0xf6: {  	[sflag:s29] =	ssyncadd.s32 $0xFFFFFFB0  }
0xf7: {  	[tilespmem:s2], [sflag:$0x1] =	stream.indirect.gather [hbm4b:s1+s0], $0x80, s30, s0, $0xb8;
	[tilespmem:$0x1F480] =	vst v63  }
0xf8: {  	_ =	swait.ge [sflag:s24], $0x2800  }
0xf9: {  	s7 =	sadd.s32 $0x140, s7;
	p2 =	seq.s32 s13, $0x0;
	[sflag:s24] =	ssyncset.done $0x0  }
0xfa: {  	s12 =	simm.s32 @!p2 $0x6;
	[sflag:s24] =	ssyncadd.s32 $0xFFFFD800  }
0xfb: {  	[spmem:s3] =	stream.indirect.scatter.add.f32 [tilespmem:s20], [sflag:$0x8], $0x80, s19, s0, $0xb8;
	[tilespmem:$0x1F480] =	vst v63  }
0xfc: {  	_ =	swait.ge @!p2 [sflag:s12], $0x2800  }
0xfd: {  	s25 =	rddreg [dreg:$0x9];
	[sflag:s12] =	ssyncset.done @!p2 $0x0  }
0xfe: {  	[sflag:s12] =	ssyncadd.s32 @!p2 $0xFFFFD800;
	s26 =	sadd.s32 s13, s25  }
0xff: {  	[tilespmem:s8], [sflag:$0x9] =	stream.linear.gather [hbm4b:s26+s4], $0x50, $0x38;
	[tilespmem:$0x1F480] =	vst v63  }
0x100: {  	_ =	swait.ge [sflag:s29], $0x50  }
0x101: {  	s25 =	rddreg [dreg:$0x8];
	[sflag:s29] =	ssyncset.done $0x0  }
0x102: {  	[sflag:s29] =	ssyncadd.s32 $0xFFFFFFB0;
	s12 =	sadd.s32 s13, s25  }
0x103: {  	[tilespmem:s9], [sflag:$0x9] =	stream.linear.gather [hbm4b:s12+s4], $0x50, $0x38;
	[tilespmem:$0x1F480] =	vst v63  }
0x104: {  	_ =	swait.ge [sflag:s29], $0x50  }
0x105: {  	[sflag:s29] =	ssyncset.done $0x0  }
0x106: {  	[sflag:s29] =	ssyncadd.s32 $0xFFFFFFB0  }
0x107: {  	[tilespmem:s10], [sflag:$0x2] =	stream.indirect.gather [hbm4b:s1+s0], $0x80, s8, s0, $0xb8;
	[tilespmem:$0x1F480] =	vst v63  }
0x108: {  	_ =	swait.ge [sflag:s11], $0x2800  }
0x109: {  	[sflag:s11] =	ssyncset.done $0x0  }
0x10a: {  	s12 =	simm.s32 @!p2 $0x7;
	[sflag:s11] =	ssyncadd.s32 $0xFFFFD800  }
0x10b: {  	[spmem:s3] =	stream.indirect.scatter.add.f32 [tilespmem:s2], [sflag:$0x5], $0x80, s31, s0, $0xb8;
	[tilespmem:$0x1F480] =	vst v63  }
0x10c: {  	_ =	swait.ge @!p2 [sflag:s12], $0x2800  }
0x10d: {  	s26 =	rddreg [dreg:$0x7];
	[sflag:s12] =	ssyncset.done @!p2 $0x0  }
0x10e: {  	[sflag:s12] =	ssyncadd.s32 @!p2 $0xFFFFD800;
	s26 =	sadd.s32 s13, s26  }
0x10f: {  	[tilespmem:s14], [sflag:$0x9] =	stream.linear.gather [hbm4b:s26+s4], $0x50, $0x38;
	[tilespmem:$0x1F480] =	vst v63  }
0x110: {  	_ =	swait.ge [sflag:s29], $0x50  }
0x111: {  	s25 =	rddreg [dreg:$0x6];
	[sflag:s29] =	ssyncset.done $0x0  }
0x112: {  	[sflag:s29] =	ssyncadd.s32 $0xFFFFFFB0;
	s12 =	sadd.s32 s13, s25  }
0x113: {  	[tilespmem:s15], [sflag:$0x9] =	stream.linear.gather [hbm4b:s12+s4], $0x50, $0x38;
	[tilespmem:$0x1F480] =	vst v63  }
0x114: {  	_ =	swait.ge [sflag:s29], $0x50  }
0x115: {  	[sflag:s29] =	ssyncset.done $0x0  }
0x116: {  	[sflag:s29] =	ssyncadd.s32 $0xFFFFFFB0  }
0x117: {  	[tilespmem:s16], [sflag:$0x3] =	stream.indirect.gather [hbm4b:s1+s0], $0x80, s14, s0, $0xb8;
	[tilespmem:$0x1F480] =	vst v63  }
0x118: {  	_ =	swait.ge [sflag:s17], $0x2800  }
0x119: {  	[sflag:s17] =	ssyncset.done $0x0  }
0x11a: {  	s12 =	simm.s32 @!p2 $0x8;
	[sflag:s17] =	ssyncadd.s32 $0xFFFFD800  }
0x11b: {  	[spmem:s3] =	stream.indirect.scatter.add.f32 [tilespmem:s10], [sflag:$0x6], $0x80, s9, s0, $0xb8;
	[tilespmem:$0x1F480] =	vst v63  }
0x11c: {  	_ =	swait.ge @!p2 [sflag:s12], $0x2800  }
0x11d: {  	s26 =	rddreg [dreg:$0x5];
	[sflag:s12] =	ssyncset.done @!p2 $0x0  }
0x11e: {  	[sflag:s12] =	ssyncadd.s32 @!p2 $0xFFFFD800;
	s25 =	sadd.s32 s13, s26  }
0x11f: {  	[tilespmem:s18], [sflag:$0x9] =	stream.linear.gather [hbm4b:s25+s4], $0x50, $0x38;
	[tilespmem:$0x1F480] =	vst v63  }
0x120: {  	_ =	swait.ge [sflag:s29], $0x50  }
0x121: {  	s26 =	rddreg [dreg:$0x4];
	[sflag:s29] =	ssyncset.done $0x0  }
0x122: {  	[sflag:s29] =	ssyncadd.s32 $0xFFFFFFB0;
	s12 =	sadd.s32 s13, s26  }
0x123: {  	[tilespmem:s19], [sflag:$0x9] =	stream.linear.gather [hbm4b:s12+s4], $0x50, $0x38;
	[tilespmem:$0x1F480] =	vst v63  }
0x124: {  	_ =	swait.ge [sflag:s29], $0x50  }
0x125: {  	[sflag:s29] =	ssyncset.done $0x0  }
0x126: {  	[sflag:s29] =	ssyncadd.s32 $0xFFFFFFB0  }
0x127: {  	[tilespmem:s20], [sflag:$0x4] =	stream.indirect.gather [hbm4b:s1+s0], $0x80, s18, s0, $0xb8;
	[tilespmem:$0x1F480] =	vst v63  }
0x128: {  	_ =	swait.ge [sflag:s21], $0x2800  }
0x129: {  	[sflag:s21] =	ssyncset.done $0x0  }
0x12a: {  	[sflag:s21] =	ssyncadd.s32 $0xFFFFD800  }
0x12b: {  	[spmem:s3] =	stream.indirect.scatter.add.f32 [tilespmem:s16], [sflag:$0x7], $0x80, s15, s0, $0xb8;
	[tilespmem:$0x1F480] =	vst v63  }
0x12c: {  	_ =	swait.ge [sflag:s22], $0x2800  }
0x12d: {  	s7 =	sshrl.u32 s7, $0x3;
	[sflag:s22] =	ssyncset.done $0x0  }
0x12e: {  	s13 =	sadd.s32 s5, s7;
	[sflag:s22] =	ssyncadd.s32 $0xFFFFD800  }
0x12f: {  	[tilespmem:s30], [sflag:$0x9] =	stream.linear.gather [hbm4b:s13+s4], $0x50, $0x38;
	[tilespmem:$0x1F480] =	vst v63  }
0x130: {  	_ =	swait.ge [sflag:s29], $0x50  }
0x131: {  	[sflag:s29] =	ssyncset.done $0x0  }
0x132: {  	s7 =	sadd.s32 s6, s7;
	[sflag:s29] =	ssyncadd.s32 $0xFFFFFFB0  }
0x133: {  	[tilespmem:s31], [sflag:$0x9] =	stream.linear.gather [hbm4b:s7+s4], $0x50, $0x38;
	[tilespmem:$0x1F480] =	vst v63  }
0x134: {  	_ =	swait.ge [sflag:s29], $0x50  }
0x135: {  	[sflag:s29] =	ssyncset.done $0x0  }
0x136: {  	[sflag:s29] =	ssyncadd.s32 $0xFFFFFFB0  }
0x137: {  	[tilespmem:s2], [sflag:$0x1] =	stream.indirect.gather [hbm4b:s1+s0], $0x80, s30, s0, $0xb8;
	[tilespmem:$0x1F480] =	vst v63  }
0x138: {  	_ =	swait.ge [sflag:s24], $0x2800  }
0x139: {  	[sflag:s24] =	ssyncset.done $0x0  }
0x13a: {  	[sflag:s24] =	ssyncadd.s32 $0xFFFFD800  }
0x13b: {  	[spmem:s3] =	stream.indirect.scatter.add.f32 [tilespmem:s20], [sflag:$0x8], $0x80, s19, s0, $0xb8;
	[tilespmem:$0x1F480] =	vst v63  }
0x13c: {  	_ =	swait.ge [sflag:s11], $0x2800  }
0x13d: {  	[sflag:s11] =	ssyncset.done $0x0  }
0x13e: {  	s25 =	simm.s32 $0x6;
	[sflag:s11] =	ssyncadd.s32 $0xFFFFD800  }
0x13f: {  	[spmem:s3] =	stream.indirect.scatter.add.f32 [tilespmem:s2], [sflag:$0x5], $0x80, s31, s0, $0xb8;
	[tilespmem:$0x1F480] =	vst v63  }
0x140: {  	_ =	swait.ge [sflag:s25], $0x2800  }
0x141: {  	[sflag:s25] =	ssyncset.done $0x0  }
0x142: {  	s26 =	simm.s32 $0x7;
	[sflag:s25] =	ssyncadd.s32 $0xFFFFD800  }
0x143: {  	_ =	swait.ge [sflag:s26], $0x2800  }
0x144: {  	[sflag:s26] =	ssyncset.done $0x0  }
0x145: {  	s12 =	simm.s32 $0x8;
	[sflag:s26] =	ssyncadd.s32 $0xFFFFD800  }
0x146: {  	_ =	swait.ge [sflag:s12], $0x2800  }
0x147: {  	[sflag:s12] =	ssyncset.done $0x0  }
0x148: {  	[sflag:s12] =	ssyncadd.s32 $0xFFFFD800  }
0x149: {  	_ =	swait.ge [sflag:s22], $0x2800  }
0x14a: {  	[sflag:s22] =	ssyncset.done $0x0  }
0x14b: {  	[sflag:s22] =	ssyncadd.s32 $0xFFFFD800  }
0x14c: {  	s13 =	stileid.u32;
	[bflag:$0x0] =	sbarrier.arrive $0xFFFF  }
0x14d: {  	s7 =	sshll.u32 s13, $0x6;
	s28 =	rddreg [dreg:$0xf]  }
0x14e: {  	s7 =	sor.u32 $0x1C09, s7;
	s25 =	sadd.s32 $0x0, s23;
	s26 =	sshrl.u32 s28, $0x3  }
0x14f: {  	[hbm:s25], [sflag:s7] =	dma.local [spmem:s26], $0x300  }
0x150: {  	_ =	swait.ge [sflag:s29], $0x300  }
0x151: {  	s12 =	simm.s32 $0x300;
	s13 =	rddreg [dreg:$0x10]  }
.LBB2_6:
0x152: {  	s25 =	sadd.s32 s12, s23;
	[sflag:s29] =	ssyncset.done $0x0;
	p1 =	sne.s32 s12, $0x2400  }
.Ltmp2:
0x153: {  	s26 =	sshrl.u32 s13, $0x3;
	[sflag:s29] =	ssyncadd.s32 $0xFFFFFD00;
	(pc) =	sbr.rel @p1 .LBB2_6-.Ltmp2, $3  }
0x154: {  	[hbm:s25], [sflag:s7] =	dma.local [spmem:s26], $0x300  }
0x155: {  	s12 =	sadd.s32 $0x300, s12;
	_ =	sdelay $0x1  }
0x156: {  	s13 =	sadd.s32 $0x1800, s13;
	_ =	swait.ge [sflag:s29], $0x300  }
0x157: {  	[sflag:s29] =	ssyncset.done $0x0;
	s25 =	rddreg [dreg:$0xa];
	s12 =	simm.s32 @!p0 $0x1FC9  }
0x158: {  	s13 =	rddreg [dreg:$0xd];
	[sflag:s29] =	ssyncadd.s32 $0xFFFFFD00;
	s7 =	sshrl.u32 @!p0 s25, $0x3  }
0x159: {  	[hbm:s13], [sflag:s12] =	dma.local @!p0 [spmem:s7], $0x100  }
0x15a: {  	s7 =	simm.s32 @!p0 $0x9  }
0x15b: {  	_ =	swait.ge @!p0 [sflag:s7], $0x100  }
0x15c: {  	s12 =	rddreg [dreg:$0x1d]  }
0x15d: {  	s26 =	rddreg [dreg:$0xe];
	s13 =	sadd.s32 $0x1, s12  }
0x15e: {  	p1 =	sne.s32 s13, s26  }
.Ltmp3:
0x15f: {  	_ = 	snop;
	(pc) =	sbr.rel @p1 .LBB2_1-.Ltmp3, $3  }
0x160: {  	_ =	sdelay $0x1  }
0x161: {  	[sflag:s7] =	ssyncset.done @!p0 $0x0  }
0x162: {  	[sflag:s7] =	ssyncadd.s32 @!p0 $0xFFFFFF00  }
0x163: {  	_ =	sfence.sel $0x180000  }
0x164: {  	[bflag:$0x0] =	sbarrier.arrive $0xFFFF  }
0x165: {  	_ =	strace $0x90000047  }
0x166: {  	s0 =	stileid.u32;
	[bflag:$0x2] =	sbarrier.arrive $0xFFFF  }
0x167: {  	p0 =	sne.s32 s0, $0x0;
	s0 =	rddreg [dreg:$0x3]  }
0x168: {  	s0 =	sadd.s32 @!p0 $0x100000, s0  }
0x169: {  	[sflag:s0] =	ssyncadd.tile.s32 @!p0 $0x1;
	_ =	shalt  }
.Lfunc_end2:
_tile_overlayer_lowered:
.L_overlay_start_2:
0x16a: {  	(tag) =	ssettag $0x2  }
0x16b: {  	s0 =	rddreg [dreg:$0x0];
	s2 =	stileid.u32  }
0x16c: {  	s1 =	rddreg [dreg:$0x1];
	p0 =	sne.s32 s2, $0x0  }
0x16d: {  	s3 =	rddreg [dreg:$0x2];
	[bflag:$0x3] =	sbarrier.arrive $0xFFFF;
	s2 =	simm.s32 @!p0 $0x1C09  }
0x16e: {  	[timem:s3], [sflag:s2] =	dma.local @!p0 [hbm:s0], s1  }
0x16f: {  	s0 =	simm.s32 @!p0 $0x9  }
0x170: {  	_ =	swait.ge @!p0 [sflag:s0], s1  }
0x171: {  	s1 =	ssub.s32 @!p0 $0x0, s1;
	[sflag:s0] =	ssyncset.done @!p0 $0x0  }
0x172: {  	[sflag:s0] =	ssyncadd.s32 @!p0 s1  }
0x173: {  	[bflag:$0x3] =	sbarrier.arrive $0xFFFF  }
0x174: {  	_ =	shalt  }

</sc_bundles>
